<compile_context>
chip_gen: v7x
topology: tpu7x:2x2x1
jax: 0.10.2.dev20260603
libtpu: 0.0.44.dev20260713+nightly
codegen_flags: <defaults>
</compile_context>

<pallas_src>
import jax
import jax.numpy as jnp
from jax import lax
from jax.experimental import pallas as pl
from jax.experimental.pallas import tpu as pltpu
from jax.experimental.pallas import tpu_sc as plsc

NC = 2
NS = 16
NW = NC * NS
LANES = 16
C = 128

N = 10000
D = 128
DH = D // 2
E = 320000

N_CH_DEG = 2 * (-(-E // (NW * C * 2)))
E_PAD_DEG = NW * C * N_CH_DEG
DEG_PAD = 10240
DEG_PER_TILE = DEG_PAD // NS

N_CH = 2 * (-(-E // (NS * C * 2)))
E_PAD = NS * C * N_CH
ACC_ROWS = 10112
ROWS_PER_TILE = ACC_ROWS // NS


def _zero_vmem_2d(buf, rows, width):
    def body(r, _):
        z = jnp.zeros((LANES,), jnp.float32)
        for i in range(width // LANES):
            buf[r, pl.ds(i * LANES, LANES)] = z
        return 0
    lax.fori_loop(0, rows, body, 0)


def _zero_vmem_1d(buf, n):
    def body(r, _):
        buf[pl.ds(r * LANES, LANES)] = jnp.zeros((LANES,), jnp.float32)
        return 0
    lax.fori_loop(0, n // LANES, body, 0)


def _deg_body(col_hbm, out_hbm, col_v, ones_v, zrow_v, acc_s):
    c = lax.axis_index("c")
    s = lax.axis_index("s")
    pltpu.sync_copy(col_hbm.at[c, s], col_v)
    _zero_vmem_1d(zrow_v, DEG_PER_TILE)
    def wone(i, _):
        ones_v[pl.ds(i * LANES, LANES)] = jnp.full((LANES,), 1.0, jnp.float32)
        return 0
    lax.fori_loop(0, C // LANES, wone, 0)
    pltpu.sync_copy(zrow_v, acc_s.at[pl.ds(s * DEG_PER_TILE, DEG_PER_TILE)])
    plsc.subcore_barrier()
    def chunk(j, _):
        pltpu.sync_copy(ones_v, acc_s.at[col_v.at[j]], add=True)
        return 0
    lax.fori_loop(0, N_CH_DEG, chunk, 0)
    plsc.subcore_barrier()
    sl = pl.ds(s * DEG_PER_TILE, DEG_PER_TILE)
    pltpu.sync_copy(acc_s.at[sl], zrow_v)
    pltpu.sync_copy(zrow_v, out_hbm.at[c, sl])


def _hop_body(h_hbm, scale_hbm, row_hbm, col_hbm, out_hbm,
              row_v, col_v, scale_v, buf0, buf1, acc_s, gsem, ssem):
    c = lax.axis_index("c")
    s = lax.axis_index("s")
    pltpu.sync_copy(row_hbm.at[s], row_v)
    pltpu.sync_copy(col_hbm.at[s], col_v)
    base = s * ROWS_PER_TILE
    pltpu.sync_copy(scale_hbm.at[pl.ds(base, ROWS_PER_TILE)],
                    scale_v.at[pl.ds(0, ROWS_PER_TILE)])
    _zero_vmem_2d(buf0, C, DH)
    for k in range(4):
        pltpu.sync_copy(buf0, acc_s.at[pl.ds(base + k * C, C)])
    rem = ROWS_PER_TILE - 4 * C
    pltpu.sync_copy(buf0.at[pl.ds(0, rem)],
                    acc_s.at[pl.ds(base + 4 * C, rem)])
    plsc.subcore_barrier()

    hsel = h_hbm.at[c]

    def gather_start(j, buf):
        pltpu.make_async_copy(hsel.at[row_v.at[j]], buf, gsem).start()

    def gather_wait(buf):
        pltpu.make_async_copy(hsel.at[row_v.at[0]], buf, gsem).wait()

    def scat(j, buf):
        return pltpu.make_async_copy(buf, acc_s.at[col_v.at[j]], ssem)

    bufs = (buf0, buf1)
    gather_start(0, buf0)
    gather_wait(buf0)
    gather_start(1, buf1)
    scat(0, buf0).start(add=True)

    def pair(p, _):
        j = 1 + 2 * p
        gather_wait(buf1)
        scat(0, buf0).wait()
        gather_start(j + 1, buf0)
        scat(j, buf1).start(add=True)
        gather_wait(buf0)
        scat(0, buf1).wait()
        gather_start(j + 2, buf1)
        scat(j + 1, buf0).start(add=True)
        return 0

    lax.fori_loop(0, (N_CH - 2) // 2, pair, 0)
    gather_wait(buf1)
    scat(0, buf0).wait()
    scat(N_CH - 1, buf1).start(add=True)
    scat(0, buf1).wait()
    plsc.subcore_barrier()

    def dump(kbase, nrows, buf):
        pltpu.sync_copy(acc_s.at[pl.ds(base + kbase, nrows)],
                        buf.at[pl.ds(0, nrows)])

        def srow(r, _):
            vv = scale_v[pl.ds(kbase + r, LANES)]
            sv = jnp.full((LANES,), vv[0], jnp.float32)
            for i in range(DH // LANES):
                sl = pl.ds(i * LANES, LANES)
                buf[r, sl] = buf[r, sl] * sv
            return 0
        lax.fori_loop(0, nrows, srow, 0)
        pltpu.sync_copy(buf.at[pl.ds(0, nrows)],
                        out_hbm.at[c, pl.ds(base + kbase, nrows), :])

    for k in range(4):
        dump(k * C, C, bufs[k % 2])
    dump(4 * C, rem, buf0)


_MESH = plsc.VectorSubcoreMesh(core_axis_name="c", subcore_axis_name="s",
                               num_cores=NC, num_subcores=NS)

_deg_call = pl.kernel(
    _deg_body,
    out_type=jax.ShapeDtypeStruct((NC, DEG_PAD), jnp.float32),
    mesh=_MESH,
    scratch_types=[
        pltpu.VMEM((N_CH_DEG, C), jnp.int32),
        pltpu.VMEM((C,), jnp.float32),
        pltpu.VMEM((DEG_PER_TILE,), jnp.float32),
        pltpu.VMEM_SHARED((DEG_PAD,), jnp.float32),
    ],
)

_hop_call = pl.kernel(
    _hop_body,
    out_type=jax.ShapeDtypeStruct((NC, ACC_ROWS, DH), jnp.float32),
    mesh=_MESH,
    compiler_params=pltpu.CompilerParams(use_tc_tiling_on_sc=False),
    scratch_types=[
        pltpu.VMEM((N_CH, C), jnp.int32),
        pltpu.VMEM((N_CH, C), jnp.int32),
        pltpu.VMEM((ROWS_PER_TILE + LANES,), jnp.float32),
        pltpu.VMEM((C, DH), jnp.float32),
        pltpu.VMEM((C, DH), jnp.float32),
        pltpu.VMEM_SHARED((ACC_ROWS, DH), jnp.float32),
        pltpu.SemaphoreType.DMA,
        pltpu.SemaphoreType.DMA,
    ],
)

_hop_call2 = pl.kernel(
    _hop_body,
    out_type=jax.ShapeDtypeStruct((NC, ACC_ROWS, DH), jnp.float32),
    mesh=_MESH,
    compiler_params=pltpu.CompilerParams(use_tc_tiling_on_sc=False),
    scratch_types=[
        pltpu.VMEM((N_CH, C), jnp.int32),
        pltpu.VMEM((N_CH, C), jnp.int32),
        pltpu.VMEM((ROWS_PER_TILE + LANES,), jnp.float32),
        pltpu.VMEM((C, DH), jnp.float32),
        pltpu.VMEM((C, DH), jnp.float32),
        pltpu.VMEM_SHARED((ACC_ROWS, DH), jnp.float32),
        pltpu.SemaphoreType.DMA,
        pltpu.SemaphoreType.DMA,
    ],
)



_RB = 2000
_GRID = N // _RB


def _prep_body(p0, p1, x_ref, xs, dis, dis2):
    deg = p0[...] + p1[...]
    d = lax.rsqrt(jnp.maximum(deg, 1e-12))
    dd = jnp.where(deg > 0, d, 0.0)
    dis[...] = dd
    dis2[...] = dd * dd
    xst = x_ref[...] * dd
    xs[0, ...] = xst[:, :DH]
    xs[1, ...] = xst[:, DH:]


def _prep_tc(p0, p1, x):
    return pl.pallas_call(
        _prep_body,
        grid=(_GRID,),
        in_specs=[
            pl.BlockSpec((_RB, 1), lambda i: (i, 0)),
            pl.BlockSpec((_RB, 1), lambda i: (i, 0)),
            pl.BlockSpec((_RB, D), lambda i: (i, 0)),
        ],
        out_specs=[
            pl.BlockSpec((NC, _RB, DH), lambda i: (0, i, 0)),
            pl.BlockSpec((_RB, 1), lambda i: (i, 0)),
            pl.BlockSpec((_RB, 1), lambda i: (i, 0)),
        ],
        out_shape=[
            jax.ShapeDtypeStruct((NC, N, DH), jnp.float32),
            jax.ShapeDtypeStruct((N, 1), jnp.float32),
            jax.ShapeDtypeStruct((N, 1), jnp.float32),
        ],
    )(p0, p1, x)


def _fin_body(a0, a1, w_ref, b_ref, o):
    w = w_ref[...]
    o[...] = (
        lax.dot_general(a0[...], w[:, :DH], (((1,), (1,)), ((), ())),
                        preferred_element_type=jnp.float32)
        + lax.dot_general(a1[...], w[:, DH:], (((1,), (1,)), ((), ())),
                          preferred_element_type=jnp.float32)
        + b_ref[...]
    )


def _fin_tc(a0, a1, W, b):
    return pl.pallas_call(
        _fin_body,
        grid=(_GRID,),
        in_specs=[
            pl.BlockSpec((_RB, DH), lambda i: (i, 0)),
            pl.BlockSpec((_RB, DH), lambda i: (i, 0)),
            pl.BlockSpec((D, D), lambda i: (0, 0)),
            pl.BlockSpec((1, D), lambda i: (0, 0)),
        ],
        out_specs=pl.BlockSpec((_RB, D), lambda i: (i, 0)),
        out_shape=jax.ShapeDtypeStruct((N, D), jnp.float32),
    )(a0, a1, W, b)


def kernel(x, edge_index, W, b):
    row = edge_index[0]
    col = edge_index[1]
    pad_d = E_PAD_DEG - E
    col_deg = jnp.concatenate([col, jnp.full((pad_d,), N, jnp.int32)])
    col_deg = col_deg.reshape(NC, NS, N_CH_DEG, C)

    pad_h = E_PAD - E
    row_h = jnp.concatenate([row, jnp.zeros((pad_h,), jnp.int32)])
    col_h = jnp.concatenate([col, jnp.full((pad_h,), N, jnp.int32)])
    row_h = row_h.reshape(NS, N_CH, C)
    col_h = col_h.reshape(NS, N_CH, C)

    deg_part = _deg_call(col_deg)
    p0 = deg_part[0, :N].reshape(N, 1)
    p1 = deg_part[1, :N].reshape(N, 1)
    xs, dis, dis2 = _prep_tc(p0, p1, x)

    zpad = jnp.zeros((ACC_ROWS - N,), jnp.float32)
    dis_p = jnp.concatenate([dis[:, 0], zpad])
    dis2_p = jnp.concatenate([dis2[:, 0], zpad])

    a = _hop_call(xs, dis2_p, row_h, col_h)
    q = _hop_call2(a, dis_p, row_h, col_h)
    out = _fin_tc(q[0, :N], q[1, :N], W, b.reshape(1, D))
    return out

# --- scband reference (transcript-rebuilt; emitter-appended) ---
"""Pipeline reference for scband-sgcn-39187281608741 (READ-ONLY COPY).

The authoritative reference and input builder live on the scoring server;
editing this copy changes nothing except your own understanding.
"""

import jax, jax.numpy as jnp
import numpy as np

N = 10000
D = 128
E = 320000
K = 2

def setup_inputs(seed: int = 0) -> dict:
    key = jax.random.key(seed)
    k1, k2, k3, k4 = jax.random.split(key, 4)
    x = jax.random.normal(k1, (N, D), dtype=jnp.float32)
    edge_index = jax.random.randint(k2, (2, E), 0, N, dtype=jnp.int32)
    W = jax.random.normal(k3, (D, D), dtype=jnp.float32) / jnp.sqrt(D)
    b = jnp.zeros((D,), dtype=jnp.float32)
    return {"x": x, "edge_index": edge_index, "W": W, "b": b}

def reference(x, edge_index, W, b):
    # SGConv forward: K rounds of symmetric-normalized propagation, then linear.
    row = edge_index[0]
    col = edge_index[1]
    ones = jnp.ones((row.shape[0],), dtype=x.dtype)
    deg = jax.ops.segment_sum(ones, col, num_segments=N)
    deg_inv_sqrt = jnp.where(deg > 0, 1.0 / jnp.sqrt(jnp.maximum(deg, 1e-12)), 0.0)
    norm = deg_inv_sqrt[row] * deg_inv_sqrt[col]
    h = x
    for _ in range(K):
        msgs = norm[:, None] * jnp.take(h, row, axis=0)
        h = jax.ops.segment_sum(msgs, col, num_segments=N)
    out = h @ W.T + b
    return out

if __name__ == "__main__":
    import jax
    _d = setup_inputs()
    print(jax.jit(kernel)(*tuple(_d.values())))

</pallas_src>

<mosaic_0001>
#map = affine_map<(d0, d1) -> (0, 0, 0)>
#map1 = affine_map<(d0, d1) -> (0)>
module attributes {stable_mosaic.version = 14 : i64} {
  func.func @_hop_body(%arg0: i32, %arg1: i32, %arg2: memref<2x10112x64xf32, #tpu.memory_space<hbm>>, %arg3: memref<10112xf32, #tpu.memory_space<hbm>>, %arg4: memref<16x158x128xi32, #tpu.memory_space<hbm>>, %arg5: memref<16x158x128xi32, #tpu.memory_space<hbm>>, %arg6: memref<2x10112x64xf32, #tpu.memory_space<hbm>>, %arg7: memref<158x128xi32, #tpu.memory_space<vmem>>, %arg8: memref<158x128xi32, #tpu.memory_space<vmem>>, %arg9: memref<648xf32, #tpu.memory_space<vmem>>, %arg10: memref<128x64xf32, #tpu.memory_space<vmem>>, %arg11: memref<128x64xf32, #tpu.memory_space<vmem>>, %arg12: memref<10112x64xf32, #tpu.memory_space<vmem_shared>>, %arg13: memref<!tpu.dma_semaphore, #tpu.memory_space<semaphore_mem>>, %arg14: memref<!tpu.dma_semaphore, #tpu.memory_space<semaphore_mem>>) attributes {dimension_semantics = [#tpu.dimension_semantics<core_parallel>, #tpu.dimension_semantics<subcore_parallel>], iteration_bounds = array<i64: 2, 16>, scalar_prefetch = 0 : i64, scratch_operands = 8 : i64, tpu.core_type = #tpu.core_type<sc_vector_subcore>, window_params = [{transform_indices = #map}, {transform_indices = #map1}, {transform_indices = #map}, {transform_indices = #map}, {transform_indices = #map}]} {
    "tpu.region"() ({
      %run_scoped3A = tpu.sem_alloc : memref<!tpu.dma_semaphore, #tpu.memory_space<semaphore_mem>>
      %dma_start3A_149 = arith.constant 0 : i32
      %dma_start3A_150 = arith.constant 0 : i32
      %dma_start3A_151 = tpu.memref_slice %arg4[%arg1, %dma_start3A_149, %dma_start3A_150] : memref<16x158x128xi32, #tpu.memory_space<hbm>> -> memref<1x158x128xi32, #tpu.memory_space<hbm>>
      %dma_start3A_152 = tpu.memref_squeeze %dma_start3A_151 : memref<1x158x128xi32, #tpu.memory_space<hbm>> -> memref<158x128xi32, #tpu.memory_space<hbm>>
      %dma_start3A_153 = arith.constant 0 : i32
      %dma_start3A_154 = arith.constant 0 : i32
      %dma_start3A_155 = tpu.memref_slice %arg4[%arg1, %dma_start3A_153, %dma_start3A_154] : memref<16x158x128xi32, #tpu.memory_space<hbm>> -> memref<1x158x128xi32, #tpu.memory_space<hbm>>
      %dma_start3A_156 = tpu.memref_squeeze %dma_start3A_155 : memref<1x158x128xi32, #tpu.memory_space<hbm>> -> memref<158x128xi32, #tpu.memory_space<hbm>>
      tpu.enqueue_dma source(%dma_start3A_156 : memref<158x128xi32, #tpu.memory_space<hbm>>) target(%arg7 : memref<158x128xi32, #tpu.memory_space<vmem>>) target_semaphore(%run_scoped3A : memref<!tpu.dma_semaphore, #tpu.memory_space<semaphore_mem>>)
      %dma_wait3A_157 = arith.constant 0 : i32
      %dma_wait3A_158 = arith.constant 0 : i32
      %dma_wait3A_159 = tpu.memref_slice %arg4[%arg1, %dma_wait3A_157, %dma_wait3A_158] : memref<16x158x128xi32, #tpu.memory_space<hbm>> -> memref<1x158x128xi32, #tpu.memory_space<hbm>>
      %dma_wait3A_160 = tpu.memref_squeeze %dma_wait3A_159 : memref<1x158x128xi32, #tpu.memory_space<hbm>> -> memref<158x128xi32, #tpu.memory_space<hbm>>
      %dma_wait3A_161 = arith.constant 0 : i32
      %dma_wait3A_162 = arith.constant 0 : i32
      %dma_wait3A_163 = tpu.memref_slice %arg4[%arg1, %dma_wait3A_161, %dma_wait3A_162] : memref<16x158x128xi32, #tpu.memory_space<hbm>> -> memref<1x158x128xi32, #tpu.memory_space<hbm>>
      %dma_wait3A_164 = tpu.memref_squeeze %dma_wait3A_163 : memref<1x158x128xi32, #tpu.memory_space<hbm>> -> memref<158x128xi32, #tpu.memory_space<hbm>>
      tpu.wait_dma2 semaphore(%run_scoped3A : memref<!tpu.dma_semaphore, #tpu.memory_space<semaphore_mem>>) src(%dma_wait3A_164 : memref<158x128xi32, #tpu.memory_space<hbm>>) dst(%arg7 : memref<158x128xi32, #tpu.memory_space<vmem>>)
      tpu.yield
    }) : () -> ()
    "tpu.region"() ({
      %run_scoped3A = tpu.sem_alloc : memref<!tpu.dma_semaphore, #tpu.memory_space<semaphore_mem>>
      %dma_start3A_149 = arith.constant 0 : i32
      %dma_start3A_150 = arith.constant 0 : i32
      %dma_start3A_151 = tpu.memref_slice %arg5[%arg1, %dma_start3A_149, %dma_start3A_150] : memref<16x158x128xi32, #tpu.memory_space<hbm>> -> memref<1x158x128xi32, #tpu.memory_space<hbm>>
      %dma_start3A_152 = tpu.memref_squeeze %dma_start3A_151 : memref<1x158x128xi32, #tpu.memory_space<hbm>> -> memref<158x128xi32, #tpu.memory_space<hbm>>
      %dma_start3A_153 = arith.constant 0 : i32
      %dma_start3A_154 = arith.constant 0 : i32
      %dma_start3A_155 = tpu.memref_slice %arg5[%arg1, %dma_start3A_153, %dma_start3A_154] : memref<16x158x128xi32, #tpu.memory_space<hbm>> -> memref<1x158x128xi32, #tpu.memory_space<hbm>>
      %dma_start3A_156 = tpu.memref_squeeze %dma_start3A_155 : memref<1x158x128xi32, #tpu.memory_space<hbm>> -> memref<158x128xi32, #tpu.memory_space<hbm>>
      tpu.enqueue_dma source(%dma_start3A_156 : memref<158x128xi32, #tpu.memory_space<hbm>>) target(%arg8 : memref<158x128xi32, #tpu.memory_space<vmem>>) target_semaphore(%run_scoped3A : memref<!tpu.dma_semaphore, #tpu.memory_space<semaphore_mem>>)
      %dma_wait3A_157 = arith.constant 0 : i32
      %dma_wait3A_158 = arith.constant 0 : i32
      %dma_wait3A_159 = tpu.memref_slice %arg5[%arg1, %dma_wait3A_157, %dma_wait3A_158] : memref<16x158x128xi32, #tpu.memory_space<hbm>> -> memref<1x158x128xi32, #tpu.memory_space<hbm>>
      %dma_wait3A_160 = tpu.memref_squeeze %dma_wait3A_159 : memref<1x158x128xi32, #tpu.memory_space<hbm>> -> memref<158x128xi32, #tpu.memory_space<hbm>>
      %dma_wait3A_161 = arith.constant 0 : i32
      %dma_wait3A_162 = arith.constant 0 : i32
      %dma_wait3A_163 = tpu.memref_slice %arg5[%arg1, %dma_wait3A_161, %dma_wait3A_162] : memref<16x158x128xi32, #tpu.memory_space<hbm>> -> memref<1x158x128xi32, #tpu.memory_space<hbm>>
      %dma_wait3A_164 = tpu.memref_squeeze %dma_wait3A_163 : memref<1x158x128xi32, #tpu.memory_space<hbm>> -> memref<158x128xi32, #tpu.memory_space<hbm>>
      tpu.wait_dma2 semaphore(%run_scoped3A : memref<!tpu.dma_semaphore, #tpu.memory_space<semaphore_mem>>) src(%dma_wait3A_164 : memref<158x128xi32, #tpu.memory_space<hbm>>) dst(%arg8 : memref<158x128xi32, #tpu.memory_space<vmem>>)
      tpu.yield
    }) : () -> ()
    %mul3A = arith.constant 632 : i32
    %mul3A_0 = arith.muli %arg1, %mul3A : i32
    "tpu.region"() ({
      %run_scoped3A = tpu.sem_alloc : memref<!tpu.dma_semaphore, #tpu.memory_space<semaphore_mem>>
      %dma_start3A_149 = arith.constant 0 : i32
      %dma_start3A_150 = tpu.memref_slice %arg9[%dma_start3A_149] : memref<648xf32, #tpu.memory_space<vmem>> -> memref<632xf32, #tpu.memory_space<vmem>>
      %dma_start3A_151 = tpu.memref_slice %arg3[%mul3A_0] : memref<10112xf32, #tpu.memory_space<hbm>> -> memref<632xf32, #tpu.memory_space<hbm>>
      %dma_start3A_152 = arith.constant 0 : i32
      %dma_start3A_153 = tpu.memref_slice %arg9[%dma_start3A_152] : memref<648xf32, #tpu.memory_space<vmem>> -> memref<632xf32, #tpu.memory_space<vmem>>
      %dma_start3A_154 = tpu.memref_slice %arg3[%mul3A_0] : memref<10112xf32, #tpu.memory_space<hbm>> -> memref<632xf32, #tpu.memory_space<hbm>>
      tpu.enqueue_dma source(%dma_start3A_154 : memref<632xf32, #tpu.memory_space<hbm>>) target(%dma_start3A_153 : memref<632xf32, #tpu.memory_space<vmem>>) target_semaphore(%run_scoped3A : memref<!tpu.dma_semaphore, #tpu.memory_space<semaphore_mem>>)
      %dma_wait3A_155 = arith.constant 0 : i32
      %dma_wait3A_156 = tpu.memref_slice %arg9[%dma_wait3A_155] : memref<648xf32, #tpu.memory_space<vmem>> -> memref<632xf32, #tpu.memory_space<vmem>>
      %dma_wait3A_157 = tpu.memref_slice %arg3[%mul3A_0] : memref<10112xf32, #tpu.memory_space<hbm>> -> memref<632xf32, #tpu.memory_space<hbm>>
      %dma_wait3A_158 = arith.constant 0 : i32
      %dma_wait3A_159 = tpu.memref_slice %arg9[%dma_wait3A_158] : memref<648xf32, #tpu.memory_space<vmem>> -> memref<632xf32, #tpu.memory_space<vmem>>
      %dma_wait3A_160 = tpu.memref_slice %arg3[%mul3A_0] : memref<10112xf32, #tpu.memory_space<hbm>> -> memref<632xf32, #tpu.memory_space<hbm>>
      tpu.wait_dma2 semaphore(%run_scoped3A : memref<!tpu.dma_semaphore, #tpu.memory_space<semaphore_mem>>) src(%dma_wait3A_160 : memref<632xf32, #tpu.memory_space<hbm>>) dst(%dma_wait3A_159 : memref<632xf32, #tpu.memory_space<vmem>>)
      tpu.yield
    }) : () -> ()
    %scan3A = arith.constant 0 : i32
    %scan3A_1 = arith.constant 0 : i32
    %scan3A_2 = arith.constant 128 : i32
    %scan3A_3 = arith.addi %scan3A_1, %scan3A_2 : i32
    %scan3A_4 = arith.constant 1 : i32
    %scan3A_5 = scf.for %scan3A_149 = %scan3A_1 to %scan3A_3 step %scan3A_4 iter_args(%scan3A_150 = %scan3A) -> (i32)  : i32 {
      %broadcast_in_dim3A = arith.constant 0.000000e+00 : f32
      %broadcast_in_dim3A_151 = vector.broadcast %broadcast_in_dim3A : f32 to vector<16xf32>
      %swap3A = arith.index_cast %scan3A_149 : i32 to index
      %swap3A_152 = arith.constant 0 : index
      %swap3A_153 = tpu.vector_load %arg10[%swap3A, %swap3A_152] {strides = array<i32>} : memref<128x64xf32, #tpu.memory_space<vmem>>, vector<1x16xf32>,
      %swap3A_154 = vector.shape_cast %swap3A_153 : vector<1x16xf32> to vector<16xf32>
      %swap3A_155 = vector.shape_cast %broadcast_in_dim3A_151 : vector<16xf32> to vector<1x16xf32>
      tpu.vector_store %arg10[%swap3A, %swap3A_152], %swap3A_155 {strides = array<i32>} : memref<128x64xf32, #tpu.memory_space<vmem>>, vector<1x16xf32>,
      %swap3A_156 = arith.index_cast %scan3A_149 : i32 to index
      %swap3A_157 = arith.constant 16 : index
      %swap3A_158 = tpu.vector_load %arg10[%swap3A_156, %swap3A_157] {strides = array<i32>} : memref<128x64xf32, #tpu.memory_space<vmem>>, vector<1x16xf32>,
      %swap3A_159 = vector.shape_cast %swap3A_158 : vector<1x16xf32> to vector<16xf32>
      %swap3A_160 = vector.shape_cast %broadcast_in_dim3A_151 : vector<16xf32> to vector<1x16xf32>
      tpu.vector_store %arg10[%swap3A_156, %swap3A_157], %swap3A_160 {strides = array<i32>} : memref<128x64xf32, #tpu.memory_space<vmem>>, vector<1x16xf32>,
      %swap3A_161 = arith.index_cast %scan3A_149 : i32 to index
      %swap3A_162 = arith.constant 32 : index
      %swap3A_163 = tpu.vector_load %arg10[%swap3A_161, %swap3A_162] {strides = array<i32>} : memref<128x64xf32, #tpu.memory_space<vmem>>, vector<1x16xf32>,
      %swap3A_164 = vector.shape_cast %swap3A_163 : vector<1x16xf32> to vector<16xf32>
      %swap3A_165 = vector.shape_cast %broadcast_in_dim3A_151 : vector<16xf32> to vector<1x16xf32>
      tpu.vector_store %arg10[%swap3A_161, %swap3A_162], %swap3A_165 {strides = array<i32>} : memref<128x64xf32, #tpu.memory_space<vmem>>, vector<1x16xf32>,
      %swap3A_166 = arith.index_cast %scan3A_149 : i32 to index
      %swap3A_167 = arith.constant 48 : index
      %swap3A_168 = tpu.vector_load %arg10[%swap3A_166, %swap3A_167] {strides = array<i32>} : memref<128x64xf32, #tpu.memory_space<vmem>>, vector<1x16xf32>,
      %swap3A_169 = vector.shape_cast %swap3A_168 : vector<1x16xf32> to vector<16xf32>
      %swap3A_170 = vector.shape_cast %broadcast_in_dim3A_151 : vector<16xf32> to vector<1x16xf32>
      tpu.vector_store %arg10[%swap3A_166, %swap3A_167], %swap3A_170 {strides = array<i32>} : memref<128x64xf32, #tpu.memory_space<vmem>>, vector<1x16xf32>,
      %scan3A_171 = arith.constant 0 : i32
      scf.yield %scan3A_171 : i32
    }
    %scan3A_6 = arith.constant 128 : i32
    %add3A = arith.constant 0 : i32
    %add3A_7 = arith.addi %mul3A_0, %add3A : i32
    "tpu.region"() ({
      %run_scoped3A = tpu.sem_alloc : memref<!tpu.dma_semaphore, #tpu.memory_space<semaphore_mem>>
      %dma_start3A_149 = arith.constant 0 : i32
      %dma_start3A_150 = tpu.memref_slice %arg12[%add3A_7, %dma_start3A_149] : memref<10112x64xf32, #tpu.memory_space<vmem_shared>> -> memref<128x64xf32, #tpu.memory_space<vmem_shared>>
      %dma_start3A_151 = arith.constant 0 : i32
      %dma_start3A_152 = tpu.memref_slice %arg12[%add3A_7, %dma_start3A_151] : memref<10112x64xf32, #tpu.memory_space<vmem_shared>> -> memref<128x64xf32, #tpu.memory_space<vmem_shared>>
      tpu.enqueue_dma source(%arg10 : memref<128x64xf32, #tpu.memory_space<vmem>>) target(%dma_start3A_152 : memref<128x64xf32, #tpu.memory_space<vmem_shared>>) target_semaphore(%run_scoped3A : memref<!tpu.dma_semaphore, #tpu.memory_space<semaphore_mem>>)
      %dma_wait3A_153 = arith.constant 0 : i32
      %dma_wait3A_154 = tpu.memref_slice %arg12[%add3A_7, %dma_wait3A_153] : memref<10112x64xf32, #tpu.memory_space<vmem_shared>> -> memref<128x64xf32, #tpu.memory_space<vmem_shared>>
      %dma_wait3A_155 = arith.constant 0 : i32
      %dma_wait3A_156 = tpu.memref_slice %arg12[%add3A_7, %dma_wait3A_155] : memref<10112x64xf32, #tpu.memory_space<vmem_shared>> -> memref<128x64xf32, #tpu.memory_space<vmem_shared>>
      tpu.wait_dma2 semaphore(%run_scoped3A : memref<!tpu.dma_semaphore, #tpu.memory_space<semaphore_mem>>) src(%arg10 : memref<128x64xf32, #tpu.memory_space<vmem>>) dst(%dma_wait3A_156 : memref<128x64xf32, #tpu.memory_space<vmem_shared>>)
      tpu.yield
    }) : () -> ()
    %add3A_8 = arith.constant 128 : i32
    %add3A_9 = arith.addi %mul3A_0, %add3A_8 : i32
    "tpu.region"() ({
      %run_scoped3A = tpu.sem_alloc : memref<!tpu.dma_semaphore, #tpu.memory_space<semaphore_mem>>
      %dma_start3A_149 = arith.constant 0 : i32
      %dma_start3A_150 = tpu.memref_slice %arg12[%add3A_9, %dma_start3A_149] : memref<10112x64xf32, #tpu.memory_space<vmem_shared>> -> memref<128x64xf32, #tpu.memory_space<vmem_shared>>
      %dma_start3A_151 = arith.constant 0 : i32
      %dma_start3A_152 = tpu.memref_slice %arg12[%add3A_9, %dma_start3A_151] : memref<10112x64xf32, #tpu.memory_space<vmem_shared>> -> memref<128x64xf32, #tpu.memory_space<vmem_shared>>
      tpu.enqueue_dma source(%arg10 : memref<128x64xf32, #tpu.memory_space<vmem>>) target(%dma_start3A_152 : memref<128x64xf32, #tpu.memory_space<vmem_shared>>) target_semaphore(%run_scoped3A : memref<!tpu.dma_semaphore, #tpu.memory_space<semaphore_mem>>)
      %dma_wait3A_153 = arith.constant 0 : i32
      %dma_wait3A_154 = tpu.memref_slice %arg12[%add3A_9, %dma_wait3A_153] : memref<10112x64xf32, #tpu.memory_space<vmem_shared>> -> memref<128x64xf32, #tpu.memory_space<vmem_shared>>
      %dma_wait3A_155 = arith.constant 0 : i32
      %dma_wait3A_156 = tpu.memref_slice %arg12[%add3A_9, %dma_wait3A_155] : memref<10112x64xf32, #tpu.memory_space<vmem_shared>> -> memref<128x64xf32, #tpu.memory_space<vmem_shared>>
      tpu.wait_dma2 semaphore(%run_scoped3A : memref<!tpu.dma_semaphore, #tpu.memory_space<semaphore_mem>>) src(%arg10 : memref<128x64xf32, #tpu.memory_space<vmem>>) dst(%dma_wait3A_156 : memref<128x64xf32, #tpu.memory_space<vmem_shared>>)
      tpu.yield
    }) : () -> ()
    %add3A_10 = arith.constant 256 : i32
    %add3A_11 = arith.addi %mul3A_0, %add3A_10 : i32
    "tpu.region"() ({
      %run_scoped3A = tpu.sem_alloc : memref<!tpu.dma_semaphore, #tpu.memory_space<semaphore_mem>>
      %dma_start3A_149 = arith.constant 0 : i32
      %dma_start3A_150 = tpu.memref_slice %arg12[%add3A_11, %dma_start3A_149] : memref<10112x64xf32, #tpu.memory_space<vmem_shared>> -> memref<128x64xf32, #tpu.memory_space<vmem_shared>>
      %dma_start3A_151 = arith.constant 0 : i32
      %dma_start3A_152 = tpu.memref_slice %arg12[%add3A_11, %dma_start3A_151] : memref<10112x64xf32, #tpu.memory_space<vmem_shared>> -> memref<128x64xf32, #tpu.memory_space<vmem_shared>>
      tpu.enqueue_dma source(%arg10 : memref<128x64xf32, #tpu.memory_space<vmem>>) target(%dma_start3A_152 : memref<128x64xf32, #tpu.memory_space<vmem_shared>>) target_semaphore(%run_scoped3A : memref<!tpu.dma_semaphore, #tpu.memory_space<semaphore_mem>>)
      %dma_wait3A_153 = arith.constant 0 : i32
      %dma_wait3A_154 = tpu.memref_slice %arg12[%add3A_11, %dma_wait3A_153] : memref<10112x64xf32, #tpu.memory_space<vmem_shared>> -> memref<128x64xf32, #tpu.memory_space<vmem_shared>>
      %dma_wait3A_155 = arith.constant 0 : i32
      %dma_wait3A_156 = tpu.memref_slice %arg12[%add3A_11, %dma_wait3A_155] : memref<10112x64xf32, #tpu.memory_space<vmem_shared>> -> memref<128x64xf32, #tpu.memory_space<vmem_shared>>
      tpu.wait_dma2 semaphore(%run_scoped3A : memref<!tpu.dma_semaphore, #tpu.memory_space<semaphore_mem>>) src(%arg10 : memref<128x64xf32, #tpu.memory_space<vmem>>) dst(%dma_wait3A_156 : memref<128x64xf32, #tpu.memory_space<vmem_shared>>)
      tpu.yield
    }) : () -> ()
    %add3A_12 = arith.constant 384 : i32
    %add3A_13 = arith.addi %mul3A_0, %add3A_12 : i32
    "tpu.region"() ({
      %run_scoped3A = tpu.sem_alloc : memref<!tpu.dma_semaphore, #tpu.memory_space<semaphore_mem>>
      %dma_start3A_149 = arith.constant 0 : i32
      %dma_start3A_150 = tpu.memref_slice %arg12[%add3A_13, %dma_start3A_149] : memref<10112x64xf32, #tpu.memory_space<vmem_shared>> -> memref<128x64xf32, #tpu.memory_space<vmem_shared>>
      %dma_start3A_151 = arith.constant 0 : i32
      %dma_start3A_152 = tpu.memref_slice %arg12[%add3A_13, %dma_start3A_151] : memref<10112x64xf32, #tpu.memory_space<vmem_shared>> -> memref<128x64xf32, #tpu.memory_space<vmem_shared>>
      tpu.enqueue_dma source(%arg10 : memref<128x64xf32, #tpu.memory_space<vmem>>) target(%dma_start3A_152 : memref<128x64xf32, #tpu.memory_space<vmem_shared>>) target_semaphore(%run_scoped3A : memref<!tpu.dma_semaphore, #tpu.memory_space<semaphore_mem>>)
      %dma_wait3A_153 = arith.constant 0 : i32
      %dma_wait3A_154 = tpu.memref_slice %arg12[%add3A_13, %dma_wait3A_153] : memref<10112x64xf32, #tpu.memory_space<vmem_shared>> -> memref<128x64xf32, #tpu.memory_space<vmem_shared>>
      %dma_wait3A_155 = arith.constant 0 : i32
      %dma_wait3A_156 = tpu.memref_slice %arg12[%add3A_13, %dma_wait3A_155] : memref<10112x64xf32, #tpu.memory_space<vmem_shared>> -> memref<128x64xf32, #tpu.memory_space<vmem_shared>>
      tpu.wait_dma2 semaphore(%run_scoped3A : memref<!tpu.dma_semaphore, #tpu.memory_space<semaphore_mem>>) src(%arg10 : memref<128x64xf32, #tpu.memory_space<vmem>>) dst(%dma_wait3A_156 : memref<128x64xf32, #tpu.memory_space<vmem_shared>>)
      tpu.yield
    }) : () -> ()
    %add3A_14 = arith.constant 512 : i32
    %add3A_15 = arith.addi %mul3A_0, %add3A_14 : i32
    "tpu.region"() ({
      %run_scoped3A = tpu.sem_alloc : memref<!tpu.dma_semaphore, #tpu.memory_space<semaphore_mem>>
      %dma_start3A_149 = arith.constant 0 : i32
      %dma_start3A_150 = arith.constant 0 : i32
      %dma_start3A_151 = tpu.memref_slice %arg10[%dma_start3A_149, %dma_start3A_150] : memref<128x64xf32, #tpu.memory_space<vmem>> -> memref<120x64xf32, #tpu.memory_space<vmem>>
      %dma_start3A_152 = arith.constant 0 : i32
      %dma_start3A_153 = tpu.memref_slice %arg12[%add3A_15, %dma_start3A_152] : memref<10112x64xf32, #tpu.memory_space<vmem_shared>> -> memref<120x64xf32, #tpu.memory_space<vmem_shared>>
      %dma_start3A_154 = arith.constant 0 : i32
      %dma_start3A_155 = tpu.memref_slice %arg12[%add3A_15, %dma_start3A_154] : memref<10112x64xf32, #tpu.memory_space<vmem_shared>> -> memref<120x64xf32, #tpu.memory_space<vmem_shared>>
      %dma_start3A_156 = arith.constant 0 : i32
      %dma_start3A_157 = arith.constant 0 : i32
      %dma_start3A_158 = tpu.memref_slice %arg10[%dma_start3A_156, %dma_start3A_157] : memref<128x64xf32, #tpu.memory_space<vmem>> -> memref<120x64xf32, #tpu.memory_space<vmem>>
      tpu.enqueue_dma source(%dma_start3A_158 : memref<120x64xf32, #tpu.memory_space<vmem>>) target(%dma_start3A_155 : memref<120x64xf32, #tpu.memory_space<vmem_shared>>) target_semaphore(%run_scoped3A : memref<!tpu.dma_semaphore, #tpu.memory_space<semaphore_mem>>)
      %dma_wait3A_159 = arith.constant 0 : i32
      %dma_wait3A_160 = arith.constant 0 : i32
      %dma_wait3A_161 = tpu.memref_slice %arg10[%dma_wait3A_159, %dma_wait3A_160] : memref<128x64xf32, #tpu.memory_space<vmem>> -> memref<120x64xf32, #tpu.memory_space<vmem>>
      %dma_wait3A_162 = arith.constant 0 : i32
      %dma_wait3A_163 = tpu.memref_slice %arg12[%add3A_15, %dma_wait3A_162] : memref<10112x64xf32, #tpu.memory_space<vmem_shared>> -> memref<120x64xf32, #tpu.memory_space<vmem_shared>>
      %dma_wait3A_164 = arith.constant 0 : i32
      %dma_wait3A_165 = tpu.memref_slice %arg12[%add3A_15, %dma_wait3A_164] : memref<10112x64xf32, #tpu.memory_space<vmem_shared>> -> memref<120x64xf32, #tpu.memory_space<vmem_shared>>
      %dma_wait3A_166 = arith.constant 0 : i32
      %dma_wait3A_167 = arith.constant 0 : i32
      %dma_wait3A_168 = tpu.memref_slice %arg10[%dma_wait3A_166, %dma_wait3A_167] : memref<128x64xf32, #tpu.memory_space<vmem>> -> memref<120x64xf32, #tpu.memory_space<vmem>>
      tpu.wait_dma2 semaphore(%run_scoped3A : memref<!tpu.dma_semaphore, #tpu.memory_space<semaphore_mem>>) src(%dma_wait3A_168 : memref<120x64xf32, #tpu.memory_space<vmem>>) dst(%dma_wait3A_165 : memref<120x64xf32, #tpu.memory_space<vmem_shared>>)
      tpu.yield
    }) : () -> ()
    %barrier3A = arith.constant 0 : index
    tpu.barrier barrier_id(%barrier3A)
    %dma_start3A = arith.constant 0 : i32
    %dma_start3A_16 = arith.constant 0 : i32
    %dma_start3A_17 = tpu.memref_slice %arg7[%dma_start3A, %dma_start3A_16] : memref<158x128xi32, #tpu.memory_space<vmem>> -> memref<1x128xi32, #tpu.memory_space<vmem>>
    %dma_start3A_18 = tpu.memref_squeeze %dma_start3A_17 : memref<1x128xi32, #tpu.memory_space<vmem>> -> memref<128xi32, #tpu.memory_space<vmem>>
    %dma_start3A_19 = arith.constant 0 : i32
    %dma_start3A_20 = arith.constant 0 : i32
    %dma_start3A_21 = tpu.memref_slice %arg2[%arg0, %dma_start3A_19, %dma_start3A_20] : memref<2x10112x64xf32, #tpu.memory_space<hbm>> -> memref<1x10112x64xf32, #tpu.memory_space<hbm>>
    %dma_start3A_22 = tpu.memref_squeeze %dma_start3A_21 : memref<1x10112x64xf32, #tpu.memory_space<hbm>> -> memref<10112x64xf32, #tpu.memory_space<hbm>>
    %dma_start3A_23 = arith.constant 0 : i32
    %dma_start3A_24 = arith.constant 0 : i32
    %dma_start3A_25 = tpu.memref_slice %dma_start3A_22[%dma_start3A_23, %dma_start3A_24] : memref<10112x64xf32, #tpu.memory_space<hbm>> -> memref<10112x64xf32, #tpu.memory_space<hbm>>
    tpu.enqueue_indirect_dma source(%dma_start3A_25 : memref<10112x64xf32, #tpu.memory_space<hbm>>) target(%arg10 : memref<128x64xf32, #tpu.memory_space<vmem>>) offsets(%dma_start3A_18 : memref<128xi32, #tpu.memory_space<vmem>>) semaphore(%arg13 : memref<!tpu.dma_semaphore, #tpu.memory_space<semaphore_mem>>)
    %dma_wait3A = arith.constant 0 : i32
    %dma_wait3A_26 = arith.constant 0 : i32
    %dma_wait3A_27 = tpu.memref_slice %arg7[%dma_wait3A, %dma_wait3A_26] : memref<158x128xi32, #tpu.memory_space<vmem>> -> memref<1x128xi32, #tpu.memory_space<vmem>>
    %dma_wait3A_28 = tpu.memref_squeeze %dma_wait3A_27 : memref<1x128xi32, #tpu.memory_space<vmem>> -> memref<128xi32, #tpu.memory_space<vmem>>
    %dma_wait3A_29 = arith.constant 0 : i32
    %dma_wait3A_30 = arith.constant 0 : i32
    %dma_wait3A_31 = tpu.memref_slice %arg2[%arg0, %dma_wait3A_29, %dma_wait3A_30] : memref<2x10112x64xf32, #tpu.memory_space<hbm>> -> memref<1x10112x64xf32, #tpu.memory_space<hbm>>
    %dma_wait3A_32 = tpu.memref_squeeze %dma_wait3A_31 : memref<1x10112x64xf32, #tpu.memory_space<hbm>> -> memref<10112x64xf32, #tpu.memory_space<hbm>>
    %dma_wait3A_33 = arith.constant 0 : i32
    %dma_wait3A_34 = arith.constant 0 : i32
    %dma_wait3A_35 = tpu.memref_slice %dma_wait3A_32[%dma_wait3A_33, %dma_wait3A_34] : memref<10112x64xf32, #tpu.memory_space<hbm>> -> memref<10112x64xf32, #tpu.memory_space<hbm>>
    tpu.wait_indirect_dma semaphore(%arg13 : memref<!tpu.dma_semaphore, #tpu.memory_space<semaphore_mem>>) src(%dma_wait3A_35 : memref<10112x64xf32, #tpu.memory_space<hbm>>) dst(%arg10 : memref<128x64xf32, #tpu.memory_space<vmem>>)
    %dma_start3A_36 = arith.constant 1 : i32
    %dma_start3A_37 = arith.constant 0 : i32
    %dma_start3A_38 = tpu.memref_slice %arg7[%dma_start3A_36, %dma_start3A_37] : memref<158x128xi32, #tpu.memory_space<vmem>> -> memref<1x128xi32, #tpu.memory_space<vmem>>
    %dma_start3A_39 = tpu.memref_squeeze %dma_start3A_38 : memref<1x128xi32, #tpu.memory_space<vmem>> -> memref<128xi32, #tpu.memory_space<vmem>>
    %dma_start3A_40 = arith.constant 0 : i32
    %dma_start3A_41 = arith.constant 0 : i32
    %dma_start3A_42 = tpu.memref_slice %arg2[%arg0, %dma_start3A_40, %dma_start3A_41] : memref<2x10112x64xf32, #tpu.memory_space<hbm>> -> memref<1x10112x64xf32, #tpu.memory_space<hbm>>
    %dma_start3A_43 = tpu.memref_squeeze %dma_start3A_42 : memref<1x10112x64xf32, #tpu.memory_space<hbm>> -> memref<10112x64xf32, #tpu.memory_space<hbm>>
    %dma_start3A_44 = arith.constant 0 : i32
    %dma_start3A_45 = arith.constant 0 : i32
    %dma_start3A_46 = tpu.memref_slice %dma_start3A_43[%dma_start3A_44, %dma_start3A_45] : memref<10112x64xf32, #tpu.memory_space<hbm>> -> memref<10112x64xf32, #tpu.memory_space<hbm>>
    tpu.enqueue_indirect_dma source(%dma_start3A_46 : memref<10112x64xf32, #tpu.memory_space<hbm>>) target(%arg11 : memref<128x64xf32, #tpu.memory_space<vmem>>) offsets(%dma_start3A_39 : memref<128xi32, #tpu.memory_space<vmem>>) semaphore(%arg13 : memref<!tpu.dma_semaphore, #tpu.memory_space<semaphore_mem>>)
    %dma_start3A_47 = arith.constant 0 : i32
    %dma_start3A_48 = arith.constant 0 : i32
    %dma_start3A_49 = tpu.memref_slice %arg8[%dma_start3A_47, %dma_start3A_48] : memref<158x128xi32, #tpu.memory_space<vmem>> -> memref<1x128xi32, #tpu.memory_space<vmem>>
    %dma_start3A_50 = tpu.memref_squeeze %dma_start3A_49 : memref<1x128xi32, #tpu.memory_space<vmem>> -> memref<128xi32, #tpu.memory_space<vmem>>
    %dma_start3A_51 = arith.constant 0 : i32
    %dma_start3A_52 = arith.constant 0 : i32
    %dma_start3A_53 = tpu.memref_slice %arg12[%dma_start3A_51, %dma_start3A_52] : memref<10112x64xf32, #tpu.memory_space<vmem_shared>> -> memref<10112x64xf32, #tpu.memory_space<vmem_shared>>
    tpu.enqueue_indirect_dma source(%arg10 : memref<128x64xf32, #tpu.memory_space<vmem>>) target(%dma_start3A_53 : memref<10112x64xf32, #tpu.memory_space<vmem_shared>>) offsets(%dma_start3A_50 : memref<128xi32, #tpu.memory_space<vmem>>) semaphore(%arg14 : memref<!tpu.dma_semaphore, #tpu.memory_space<semaphore_mem>>) {add = true}
    %scan3A_54 = arith.constant 0 : i32
    %scan3A_55 = arith.constant 0 : i32
    %scan3A_56 = arith.constant 78 : i32
    %scan3A_57 = arith.addi %scan3A_55, %scan3A_56 : i32
    %scan3A_58 = arith.constant 1 : i32
    %scan3A_59 = scf.for %scan3A_149 = %scan3A_55 to %scan3A_57 step %scan3A_58 iter_args(%scan3A_150 = %scan3A_54) -> (i32)  : i32 {
      %mul3A_151 = arith.constant 2 : i32
      %mul3A_152 = arith.muli %mul3A_151, %scan3A_149 : i32
      %add3A_153 = arith.constant 1 : i32
      %add3A_154 = arith.addi %add3A_153, %mul3A_152 : i32
      %dma_wait3A_155 = arith.constant 0 : i32
      %dma_wait3A_156 = arith.constant 0 : i32
      %dma_wait3A_157 = tpu.memref_slice %arg7[%dma_wait3A_155, %dma_wait3A_156] : memref<158x128xi32, #tpu.memory_space<vmem>> -> memref<1x128xi32, #tpu.memory_space<vmem>>
      %dma_wait3A_158 = tpu.memref_squeeze %dma_wait3A_157 : memref<1x128xi32, #tpu.memory_space<vmem>> -> memref<128xi32, #tpu.memory_space<vmem>>
      %dma_wait3A_159 = arith.constant 0 : i32
      %dma_wait3A_160 = arith.constant 0 : i32
      %dma_wait3A_161 = tpu.memref_slice %arg2[%arg0, %dma_wait3A_159, %dma_wait3A_160] : memref<2x10112x64xf32, #tpu.memory_space<hbm>> -> memref<1x10112x64xf32, #tpu.memory_space<hbm>>
      %dma_wait3A_162 = tpu.memref_squeeze %dma_wait3A_161 : memref<1x10112x64xf32, #tpu.memory_space<hbm>> -> memref<10112x64xf32, #tpu.memory_space<hbm>>
      %dma_wait3A_163 = arith.constant 0 : i32
      %dma_wait3A_164 = arith.constant 0 : i32
      %dma_wait3A_165 = tpu.memref_slice %dma_wait3A_162[%dma_wait3A_163, %dma_wait3A_164] : memref<10112x64xf32, #tpu.memory_space<hbm>> -> memref<10112x64xf32, #tpu.memory_space<hbm>>
      tpu.wait_indirect_dma semaphore(%arg13 : memref<!tpu.dma_semaphore, #tpu.memory_space<semaphore_mem>>) src(%dma_wait3A_165 : memref<10112x64xf32, #tpu.memory_space<hbm>>) dst(%arg11 : memref<128x64xf32, #tpu.memory_space<vmem>>)
      %dma_wait3A_166 = arith.constant 0 : i32
      %dma_wait3A_167 = arith.constant 0 : i32
      %dma_wait3A_168 = tpu.memref_slice %arg8[%dma_wait3A_166, %dma_wait3A_167] : memref<158x128xi32, #tpu.memory_space<vmem>> -> memref<1x128xi32, #tpu.memory_space<vmem>>
      %dma_wait3A_169 = tpu.memref_squeeze %dma_wait3A_168 : memref<1x128xi32, #tpu.memory_space<vmem>> -> memref<128xi32, #tpu.memory_space<vmem>>
      %dma_wait3A_170 = arith.constant 0 : i32
      %dma_wait3A_171 = arith.constant 0 : i32
      %dma_wait3A_172 = tpu.memref_slice %arg12[%dma_wait3A_170, %dma_wait3A_171] : memref<10112x64xf32, #tpu.memory_space<vmem_shared>> -> memref<10112x64xf32, #tpu.memory_space<vmem_shared>>
      tpu.wait_indirect_dma semaphore(%arg14 : memref<!tpu.dma_semaphore, #tpu.memory_space<semaphore_mem>>) src(%arg10 : memref<128x64xf32, #tpu.memory_space<vmem>>) dst(%dma_wait3A_172 : memref<10112x64xf32, #tpu.memory_space<vmem_shared>>)
      %add3A_173 = arith.constant 1 : i32
      %add3A_174 = arith.addi %add3A_154, %add3A_173 : i32
      %dma_start3A_175 = arith.constant 0 : i32
      %dma_start3A_176 = tpu.memref_slice %arg7[%add3A_174, %dma_start3A_175] : memref<158x128xi32, #tpu.memory_space<vmem>> -> memref<1x128xi32, #tpu.memory_space<vmem>>
      %dma_start3A_177 = tpu.memref_squeeze %dma_start3A_176 : memref<1x128xi32, #tpu.memory_space<vmem>> -> memref<128xi32, #tpu.memory_space<vmem>>
      %dma_start3A_178 = arith.constant 0 : i32
      %dma_start3A_179 = arith.constant 0 : i32
      %dma_start3A_180 = tpu.memref_slice %arg2[%arg0, %dma_start3A_178, %dma_start3A_179] : memref<2x10112x64xf32, #tpu.memory_space<hbm>> -> memref<1x10112x64xf32, #tpu.memory_space<hbm>>
      %dma_start3A_181 = tpu.memref_squeeze %dma_start3A_180 : memref<1x10112x64xf32, #tpu.memory_space<hbm>> -> memref<10112x64xf32, #tpu.memory_space<hbm>>
      %dma_start3A_182 = arith.constant 0 : i32
      %dma_start3A_183 = arith.constant 0 : i32
      %dma_start3A_184 = tpu.memref_slice %dma_start3A_181[%dma_start3A_182, %dma_start3A_183] : memref<10112x64xf32, #tpu.memory_space<hbm>> -> memref<10112x64xf32, #tpu.memory_space<hbm>>
      tpu.enqueue_indirect_dma source(%dma_start3A_184 : memref<10112x64xf32, #tpu.memory_space<hbm>>) target(%arg10 : memref<128x64xf32, #tpu.memory_space<vmem>>) offsets(%dma_start3A_177 : memref<128xi32, #tpu.memory_space<vmem>>) semaphore(%arg13 : memref<!tpu.dma_semaphore, #tpu.memory_space<semaphore_mem>>)
      %dma_start3A_185 = arith.constant 0 : i32
      %dma_start3A_186 = tpu.memref_slice %arg8[%add3A_154, %dma_start3A_185] : memref<158x128xi32, #tpu.memory_space<vmem>> -> memref<1x128xi32, #tpu.memory_space<vmem>>
      %dma_start3A_187 = tpu.memref_squeeze %dma_start3A_186 : memref<1x128xi32, #tpu.memory_space<vmem>> -> memref<128xi32, #tpu.memory_space<vmem>>
      %dma_start3A_188 = arith.constant 0 : i32
      %dma_start3A_189 = arith.constant 0 : i32
      %dma_start3A_190 = tpu.memref_slice %arg12[%dma_start3A_188, %dma_start3A_189] : memref<10112x64xf32, #tpu.memory_space<vmem_shared>> -> memref<10112x64xf32, #tpu.memory_space<vmem_shared>>
      tpu.enqueue_indirect_dma source(%arg11 : memref<128x64xf32, #tpu.memory_space<vmem>>) target(%dma_start3A_190 : memref<10112x64xf32, #tpu.memory_space<vmem_shared>>) offsets(%dma_start3A_187 : memref<128xi32, #tpu.memory_space<vmem>>) semaphore(%arg14 : memref<!tpu.dma_semaphore, #tpu.memory_space<semaphore_mem>>) {add = true}
      %dma_wait3A_191 = arith.constant 0 : i32
      %dma_wait3A_192 = arith.constant 0 : i32
      %dma_wait3A_193 = tpu.memref_slice %arg7[%dma_wait3A_191, %dma_wait3A_192] : memref<158x128xi32, #tpu.memory_space<vmem>> -> memref<1x128xi32, #tpu.memory_space<vmem>>
      %dma_wait3A_194 = tpu.memref_squeeze %dma_wait3A_193 : memref<1x128xi32, #tpu.memory_space<vmem>> -> memref<128xi32, #tpu.memory_space<vmem>>
      %dma_wait3A_195 = arith.constant 0 : i32
      %dma_wait3A_196 = arith.constant 0 : i32
      %dma_wait3A_197 = tpu.memref_slice %arg2[%arg0, %dma_wait3A_195, %dma_wait3A_196] : memref<2x10112x64xf32, #tpu.memory_space<hbm>> -> memref<1x10112x64xf32, #tpu.memory_space<hbm>>
      %dma_wait3A_198 = tpu.memref_squeeze %dma_wait3A_197 : memref<1x10112x64xf32, #tpu.memory_space<hbm>> -> memref<10112x64xf32, #tpu.memory_space<hbm>>
      %dma_wait3A_199 = arith.constant 0 : i32
      %dma_wait3A_200 = arith.constant 0 : i32
      %dma_wait3A_201 = tpu.memref_slice %dma_wait3A_198[%dma_wait3A_199, %dma_wait3A_200] : memref<10112x64xf32, #tpu.memory_space<hbm>> -> memref<10112x64xf32, #tpu.memory_space<hbm>>
      tpu.wait_indirect_dma semaphore(%arg13 : memref<!tpu.dma_semaphore, #tpu.memory_space<semaphore_mem>>) src(%dma_wait3A_201 : memref<10112x64xf32, #tpu.memory_space<hbm>>) dst(%arg10 : memref<128x64xf32, #tpu.memory_space<vmem>>)
      %dma_wait3A_202 = arith.constant 0 : i32
      %dma_wait3A_203 = arith.constant 0 : i32
      %dma_wait3A_204 = tpu.memref_slice %arg8[%dma_wait3A_202, %dma_wait3A_203] : memref<158x128xi32, #tpu.memory_space<vmem>> -> memref<1x128xi32, #tpu.memory_space<vmem>>
      %dma_wait3A_205 = tpu.memref_squeeze %dma_wait3A_204 : memref<1x128xi32, #tpu.memory_space<vmem>> -> memref<128xi32, #tpu.memory_space<vmem>>
      %dma_wait3A_206 = arith.constant 0 : i32
      %dma_wait3A_207 = arith.constant 0 : i32
      %dma_wait3A_208 = tpu.memref_slice %arg12[%dma_wait3A_206, %dma_wait3A_207] : memref<10112x64xf32, #tpu.memory_space<vmem_shared>> -> memref<10112x64xf32, #tpu.memory_space<vmem_shared>>
      tpu.wait_indirect_dma semaphore(%arg14 : memref<!tpu.dma_semaphore, #tpu.memory_space<semaphore_mem>>) src(%arg11 : memref<128x64xf32, #tpu.memory_space<vmem>>) dst(%dma_wait3A_208 : memref<10112x64xf32, #tpu.memory_space<vmem_shared>>)
      %add3A_209 = arith.constant 2 : i32
      %add3A_210 = arith.addi %add3A_154, %add3A_209 : i32
      %dma_start3A_211 = arith.constant 0 : i32
      %dma_start3A_212 = tpu.memref_slice %arg7[%add3A_210, %dma_start3A_211] : memref<158x128xi32, #tpu.memory_space<vmem>> -> memref<1x128xi32, #tpu.memory_space<vmem>>
      %dma_start3A_213 = tpu.memref_squeeze %dma_start3A_212 : memref<1x128xi32, #tpu.memory_space<vmem>> -> memref<128xi32, #tpu.memory_space<vmem>>
      %dma_start3A_214 = arith.constant 0 : i32
      %dma_start3A_215 = arith.constant 0 : i32
      %dma_start3A_216 = tpu.memref_slice %arg2[%arg0, %dma_start3A_214, %dma_start3A_215] : memref<2x10112x64xf32, #tpu.memory_space<hbm>> -> memref<1x10112x64xf32, #tpu.memory_space<hbm>>
      %dma_start3A_217 = tpu.memref_squeeze %dma_start3A_216 : memref<1x10112x64xf32, #tpu.memory_space<hbm>> -> memref<10112x64xf32, #tpu.memory_space<hbm>>
      %dma_start3A_218 = arith.constant 0 : i32
      %dma_start3A_219 = arith.constant 0 : i32
      %dma_start3A_220 = tpu.memref_slice %dma_start3A_217[%dma_start3A_218, %dma_start3A_219] : memref<10112x64xf32, #tpu.memory_space<hbm>> -> memref<10112x64xf32, #tpu.memory_space<hbm>>
      tpu.enqueue_indirect_dma source(%dma_start3A_220 : memref<10112x64xf32, #tpu.memory_space<hbm>>) target(%arg11 : memref<128x64xf32, #tpu.memory_space<vmem>>) offsets(%dma_start3A_213 : memref<128xi32, #tpu.memory_space<vmem>>) semaphore(%arg13 : memref<!tpu.dma_semaphore, #tpu.memory_space<semaphore_mem>>)
      %add3A_221 = arith.constant 1 : i32
      %add3A_222 = arith.addi %add3A_154, %add3A_221 : i32
      %dma_start3A_223 = arith.constant 0 : i32
      %dma_start3A_224 = tpu.memref_slice %arg8[%add3A_222, %dma_start3A_223] : memref<158x128xi32, #tpu.memory_space<vmem>> -> memref<1x128xi32, #tpu.memory_space<vmem>>
      %dma_start3A_225 = tpu.memref_squeeze %dma_start3A_224 : memref<1x128xi32, #tpu.memory_space<vmem>> -> memref<128xi32, #tpu.memory_space<vmem>>
      %dma_start3A_226 = arith.constant 0 : i32
      %dma_start3A_227 = arith.constant 0 : i32
      %dma_start3A_228 = tpu.memref_slice %arg12[%dma_start3A_226, %dma_start3A_227] : memref<10112x64xf32, #tpu.memory_space<vmem_shared>> -> memref<10112x64xf32, #tpu.memory_space<vmem_shared>>
      tpu.enqueue_indirect_dma source(%arg10 : memref<128x64xf32, #tpu.memory_space<vmem>>) target(%dma_start3A_228 : memref<10112x64xf32, #tpu.memory_space<vmem_shared>>) offsets(%dma_start3A_225 : memref<128xi32, #tpu.memory_space<vmem>>) semaphore(%arg14 : memref<!tpu.dma_semaphore, #tpu.memory_space<semaphore_mem>>) {add = true}
      %scan3A_229 = arith.constant 0 : i32
      scf.yield %scan3A_229 : i32
    }
    %scan3A_60 = arith.constant 78 : i32
    %dma_wait3A_61 = arith.constant 0 : i32
    %dma_wait3A_62 = arith.constant 0 : i32
    %dma_wait3A_63 = tpu.memref_slice %arg7[%dma_wait3A_61, %dma_wait3A_62] : memref<158x128xi32, #tpu.memory_space<vmem>> -> memref<1x128xi32, #tpu.memory_space<vmem>>
    %dma_wait3A_64 = tpu.memref_squeeze %dma_wait3A_63 : memref<1x128xi32, #tpu.memory_space<vmem>> -> memref<128xi32, #tpu.memory_space<vmem>>
    %dma_wait3A_65 = arith.constant 0 : i32
    %dma_wait3A_66 = arith.constant 0 : i32
    %dma_wait3A_67 = tpu.memref_slice %arg2[%arg0, %dma_wait3A_65, %dma_wait3A_66] : memref<2x10112x64xf32, #tpu.memory_space<hbm>> -> memref<1x10112x64xf32, #tpu.memory_space<hbm>>
    %dma_wait3A_68 = tpu.memref_squeeze %dma_wait3A_67 : memref<1x10112x64xf32, #tpu.memory_space<hbm>> -> memref<10112x64xf32, #tpu.memory_space<hbm>>
    %dma_wait3A_69 = arith.constant 0 : i32
    %dma_wait3A_70 = arith.constant 0 : i32
    %dma_wait3A_71 = tpu.memref_slice %dma_wait3A_68[%dma_wait3A_69, %dma_wait3A_70] : memref<10112x64xf32, #tpu.memory_space<hbm>> -> memref<10112x64xf32, #tpu.memory_space<hbm>>
    tpu.wait_indirect_dma semaphore(%arg13 : memref<!tpu.dma_semaphore, #tpu.memory_space<semaphore_mem>>) src(%dma_wait3A_71 : memref<10112x64xf32, #tpu.memory_space<hbm>>) dst(%arg11 : memref<128x64xf32, #tpu.memory_space<vmem>>)
    %dma_wait3A_72 = arith.constant 0 : i32
    %dma_wait3A_73 = arith.constant 0 : i32
    %dma_wait3A_74 = tpu.memref_slice %arg8[%dma_wait3A_72, %dma_wait3A_73] : memref<158x128xi32, #tpu.memory_space<vmem>> -> memref<1x128xi32, #tpu.memory_space<vmem>>
    %dma_wait3A_75 = tpu.memref_squeeze %dma_wait3A_74 : memref<1x128xi32, #tpu.memory_space<vmem>> -> memref<128xi32, #tpu.memory_space<vmem>>
    %dma_wait3A_76 = arith.constant 0 : i32
    %dma_wait3A_77 = arith.constant 0 : i32
    %dma_wait3A_78 = tpu.memref_slice %arg12[%dma_wait3A_76, %dma_wait3A_77] : memref<10112x64xf32, #tpu.memory_space<vmem_shared>> -> memref<10112x64xf32, #tpu.memory_space<vmem_shared>>
    tpu.wait_indirect_dma semaphore(%arg14 : memref<!tpu.dma_semaphore, #tpu.memory_space<semaphore_mem>>) src(%arg10 : memref<128x64xf32, #tpu.memory_space<vmem>>) dst(%dma_wait3A_78 : memref<10112x64xf32, #tpu.memory_space<vmem_shared>>)
    %dma_start3A_79 = arith.constant 157 : i32
    %dma_start3A_80 = arith.constant 0 : i32
    %dma_start3A_81 = tpu.memref_slice %arg8[%dma_start3A_79, %dma_start3A_80] : memref<158x128xi32, #tpu.memory_space<vmem>> -> memref<1x128xi32, #tpu.memory_space<vmem>>
    %dma_start3A_82 = tpu.memref_squeeze %dma_start3A_81 : memref<1x128xi32, #tpu.memory_space<vmem>> -> memref<128xi32, #tpu.memory_space<vmem>>
    %dma_start3A_83 = arith.constant 0 : i32
    %dma_start3A_84 = arith.constant 0 : i32
    %dma_start3A_85 = tpu.memref_slice %arg12[%dma_start3A_83, %dma_start3A_84] : memref<10112x64xf32, #tpu.memory_space<vmem_shared>> -> memref<10112x64xf32, #tpu.memory_space<vmem_shared>>
    tpu.enqueue_indirect_dma source(%arg11 : memref<128x64xf32, #tpu.memory_space<vmem>>) target(%dma_start3A_85 : memref<10112x64xf32, #tpu.memory_space<vmem_shared>>) offsets(%dma_start3A_82 : memref<128xi32, #tpu.memory_space<vmem>>) semaphore(%arg14 : memref<!tpu.dma_semaphore, #tpu.memory_space<semaphore_mem>>) {add = true}
    %dma_wait3A_86 = arith.constant 0 : i32
    %dma_wait3A_87 = arith.constant 0 : i32
    %dma_wait3A_88 = tpu.memref_slice %arg8[%dma_wait3A_86, %dma_wait3A_87] : memref<158x128xi32, #tpu.memory_space<vmem>> -> memref<1x128xi32, #tpu.memory_space<vmem>>
    %dma_wait3A_89 = tpu.memref_squeeze %dma_wait3A_88 : memref<1x128xi32, #tpu.memory_space<vmem>> -> memref<128xi32, #tpu.memory_space<vmem>>
    %dma_wait3A_90 = arith.constant 0 : i32
    %dma_wait3A_91 = arith.constant 0 : i32
    %dma_wait3A_92 = tpu.memref_slice %arg12[%dma_wait3A_90, %dma_wait3A_91] : memref<10112x64xf32, #tpu.memory_space<vmem_shared>> -> memref<10112x64xf32, #tpu.memory_space<vmem_shared>>
    tpu.wait_indirect_dma semaphore(%arg14 : memref<!tpu.dma_semaphore, #tpu.memory_space<semaphore_mem>>) src(%arg11 : memref<128x64xf32, #tpu.memory_space<vmem>>) dst(%dma_wait3A_92 : memref<10112x64xf32, #tpu.memory_space<vmem_shared>>)
    %barrier3A_93 = arith.constant 0 : index
    tpu.barrier barrier_id(%barrier3A_93)
    %add3A_94 = arith.constant 0 : i32
    %add3A_95 = arith.addi %mul3A_0, %add3A_94 : i32
    "tpu.region"() ({
      %run_scoped3A = tpu.sem_alloc : memref<!tpu.dma_semaphore, #tpu.memory_space<semaphore_mem>>
      %dma_start3A_149 = arith.constant 0 : i32
      %dma_start3A_150 = arith.constant 0 : i32
      %dma_start3A_151 = tpu.memref_slice %arg10[%dma_start3A_149, %dma_start3A_150] : memref<128x64xf32, #tpu.memory_space<vmem>> -> memref<128x64xf32, #tpu.memory_space<vmem>>
      %dma_start3A_152 = arith.constant 0 : i32
      %dma_start3A_153 = tpu.memref_slice %arg12[%add3A_95, %dma_start3A_152] : memref<10112x64xf32, #tpu.memory_space<vmem_shared>> -> memref<128x64xf32, #tpu.memory_space<vmem_shared>>
      %dma_start3A_154 = arith.constant 0 : i32
      %dma_start3A_155 = arith.constant 0 : i32
      %dma_start3A_156 = tpu.memref_slice %arg10[%dma_start3A_154, %dma_start3A_155] : memref<128x64xf32, #tpu.memory_space<vmem>> -> memref<128x64xf32, #tpu.memory_space<vmem>>
      %dma_start3A_157 = arith.constant 0 : i32
      %dma_start3A_158 = tpu.memref_slice %arg12[%add3A_95, %dma_start3A_157] : memref<10112x64xf32, #tpu.memory_space<vmem_shared>> -> memref<128x64xf32, #tpu.memory_space<vmem_shared>>
      tpu.enqueue_dma source(%dma_start3A_158 : memref<128x64xf32, #tpu.memory_space<vmem_shared>>) target(%dma_start3A_156 : memref<128x64xf32, #tpu.memory_space<vmem>>) target_semaphore(%run_scoped3A : memref<!tpu.dma_semaphore, #tpu.memory_space<semaphore_mem>>)
      %dma_wait3A_159 = arith.constant 0 : i32
      %dma_wait3A_160 = arith.constant 0 : i32
      %dma_wait3A_161 = tpu.memref_slice %arg10[%dma_wait3A_159, %dma_wait3A_160] : memref<128x64xf32, #tpu.memory_space<vmem>> -> memref<128x64xf32, #tpu.memory_space<vmem>>
      %dma_wait3A_162 = arith.constant 0 : i32
      %dma_wait3A_163 = tpu.memref_slice %arg12[%add3A_95, %dma_wait3A_162] : memref<10112x64xf32, #tpu.memory_space<vmem_shared>> -> memref<128x64xf32, #tpu.memory_space<vmem_shared>>
      %dma_wait3A_164 = arith.constant 0 : i32
      %dma_wait3A_165 = arith.constant 0 : i32
      %dma_wait3A_166 = tpu.memref_slice %arg10[%dma_wait3A_164, %dma_wait3A_165] : memref<128x64xf32, #tpu.memory_space<vmem>> -> memref<128x64xf32, #tpu.memory_space<vmem>>
      %dma_wait3A_167 = arith.constant 0 : i32
      %dma_wait3A_168 = tpu.memref_slice %arg12[%add3A_95, %dma_wait3A_167] : memref<10112x64xf32, #tpu.memory_space<vmem_shared>> -> memref<128x64xf32, #tpu.memory_space<vmem_shared>>
      tpu.wait_dma2 semaphore(%run_scoped3A : memref<!tpu.dma_semaphore, #tpu.memory_space<semaphore_mem>>) src(%dma_wait3A_168 : memref<128x64xf32, #tpu.memory_space<vmem_shared>>) dst(%dma_wait3A_166 : memref<128x64xf32, #tpu.memory_space<vmem>>)
      tpu.yield
    }) : () -> ()
    %scan3A_96 = arith.constant 0 : i32
    %scan3A_97 = arith.constant 0 : i32
    %scan3A_98 = arith.constant 128 : i32
    %scan3A_99 = arith.addi %scan3A_97, %scan3A_98 : i32
    %scan3A_100 = arith.constant 1 : i32
    %scan3A_101 = scf.for %scan3A_149 = %scan3A_97 to %scan3A_99 step %scan3A_100 iter_args(%scan3A_150 = %scan3A_96) -> (i32)  : i32 {
      %add3A_151 = arith.constant 0 : i32
      %add3A_152 = arith.addi %add3A_151, %scan3A_149 : i32
      %get3A = arith.index_cast %add3A_152 : i32 to index
      %get3A_153 = tpu.vector_load %arg9[%get3A] {strides = array<i32>} : memref<648xf32, #tpu.memory_space<vmem>>, vector<16xf32>,
      %get3A_154 = vector.shape_cast %get3A_153 : vector<16xf32> to vector<16xf32>
      %slice3A = vector.extract_strided_slice %get3A_154 {offsets = [0], sizes = [1], strides = [1]} : vector<16xf32> to vector<1xf32>
      %squeeze3A = vector.extract %slice3A[0] : f32 from vector<1xf32>
      %broadcast_in_dim3A = vector.broadcast %squeeze3A : f32 to vector<16xf32>
      %get3A_155 = arith.index_cast %scan3A_149 : i32 to index
      %get3A_156 = arith.constant 0 : index
      %get3A_157 = tpu.vector_load %arg10[%get3A_155, %get3A_156] {strides = array<i32>} : memref<128x64xf32, #tpu.memory_space<vmem>>, vector<1x16xf32>,
      %get3A_158 = vector.shape_cast %get3A_157 : vector<1x16xf32> to vector<16xf32>
      %mul3A_159 = arith.mulf %get3A_158, %broadcast_in_dim3A : vector<16xf32>
      %swap3A = arith.index_cast %scan3A_149 : i32 to index
      %swap3A_160 = arith.constant 0 : index
      %swap3A_161 = tpu.vector_load %arg10[%swap3A, %swap3A_160] {strides = array<i32>} : memref<128x64xf32, #tpu.memory_space<vmem>>, vector<1x16xf32>,
      %swap3A_162 = vector.shape_cast %swap3A_161 : vector<1x16xf32> to vector<16xf32>
      %swap3A_163 = vector.shape_cast %mul3A_159 : vector<16xf32> to vector<1x16xf32>
      tpu.vector_store %arg10[%swap3A, %swap3A_160], %swap3A_163 {strides = array<i32>} : memref<128x64xf32, #tpu.memory_space<vmem>>, vector<1x16xf32>,
      %get3A_164 = arith.index_cast %scan3A_149 : i32 to index
      %get3A_165 = arith.constant 16 : index
      %get3A_166 = tpu.vector_load %arg10[%get3A_164, %get3A_165] {strides = array<i32>} : memref<128x64xf32, #tpu.memory_space<vmem>>, vector<1x16xf32>,
      %get3A_167 = vector.shape_cast %get3A_166 : vector<1x16xf32> to vector<16xf32>
      %mul3A_168 = arith.mulf %get3A_167, %broadcast_in_dim3A : vector<16xf32>
      %swap3A_169 = arith.index_cast %scan3A_149 : i32 to index
      %swap3A_170 = arith.constant 16 : index
      %swap3A_171 = tpu.vector_load %arg10[%swap3A_169, %swap3A_170] {strides = array<i32>} : memref<128x64xf32, #tpu.memory_space<vmem>>, vector<1x16xf32>,
      %swap3A_172 = vector.shape_cast %swap3A_171 : vector<1x16xf32> to vector<16xf32>
      %swap3A_173 = vector.shape_cast %mul3A_168 : vector<16xf32> to vector<1x16xf32>
      tpu.vector_store %arg10[%swap3A_169, %swap3A_170], %swap3A_173 {strides = array<i32>} : memref<128x64xf32, #tpu.memory_space<vmem>>, vector<1x16xf32>,
      %get3A_174 = arith.index_cast %scan3A_149 : i32 to index
      %get3A_175 = arith.constant 32 : index
      %get3A_176 = tpu.vector_load %arg10[%get3A_174, %get3A_175] {strides = array<i32>} : memref<128x64xf32, #tpu.memory_space<vmem>>, vector<1x16xf32>,
      %get3A_177 = vector.shape_cast %get3A_176 : vector<1x16xf32> to vector<16xf32>
      %mul3A_178 = arith.mulf %get3A_177, %broadcast_in_dim3A : vector<16xf32>
      %swap3A_179 = arith.index_cast %scan3A_149 : i32 to index
      %swap3A_180 = arith.constant 32 : index
      %swap3A_181 = tpu.vector_load %arg10[%swap3A_179, %swap3A_180] {strides = array<i32>} : memref<128x64xf32, #tpu.memory_space<vmem>>, vector<1x16xf32>,
      %swap3A_182 = vector.shape_cast %swap3A_181 : vector<1x16xf32> to vector<16xf32>
      %swap3A_183 = vector.shape_cast %mul3A_178 : vector<16xf32> to vector<1x16xf32>
      tpu.vector_store %arg10[%swap3A_179, %swap3A_180], %swap3A_183 {strides = array<i32>} : memref<128x64xf32, #tpu.memory_space<vmem>>, vector<1x16xf32>,
      %get3A_184 = arith.index_cast %scan3A_149 : i32 to index
      %get3A_185 = arith.constant 48 : index
      %get3A_186 = tpu.vector_load %arg10[%get3A_184, %get3A_185] {strides = array<i32>} : memref<128x64xf32, #tpu.memory_space<vmem>>, vector<1x16xf32>,
      %get3A_187 = vector.shape_cast %get3A_186 : vector<1x16xf32> to vector<16xf32>
      %mul3A_188 = arith.mulf %get3A_187, %broadcast_in_dim3A : vector<16xf32>
      %swap3A_189 = arith.index_cast %scan3A_149 : i32 to index
      %swap3A_190 = arith.constant 48 : index
      %swap3A_191 = tpu.vector_load %arg10[%swap3A_189, %swap3A_190] {strides = array<i32>} : memref<128x64xf32, #tpu.memory_space<vmem>>, vector<1x16xf32>,
      %swap3A_192 = vector.shape_cast %swap3A_191 : vector<1x16xf32> to vector<16xf32>
      %swap3A_193 = vector.shape_cast %mul3A_188 : vector<16xf32> to vector<1x16xf32>
      tpu.vector_store %arg10[%swap3A_189, %swap3A_190], %swap3A_193 {strides = array<i32>} : memref<128x64xf32, #tpu.memory_space<vmem>>, vector<1x16xf32>,
      %scan3A_194 = arith.constant 0 : i32
      scf.yield %scan3A_194 : i32
    }
    %scan3A_102 = arith.constant 128 : i32
    %add3A_103 = arith.constant 0 : i32
    %add3A_104 = arith.addi %mul3A_0, %add3A_103 : i32
    "tpu.region"() ({
      %run_scoped3A = tpu.sem_alloc : memref<!tpu.dma_semaphore, #tpu.memory_space<semaphore_mem>>
      %dma_start3A_149 = arith.constant 0 : i32
      %dma_start3A_150 = arith.constant 0 : i32
      %dma_start3A_151 = tpu.memref_slice %arg10[%dma_start3A_149, %dma_start3A_150] : memref<128x64xf32, #tpu.memory_space<vmem>> -> memref<128x64xf32, #tpu.memory_space<vmem>>
      %dma_start3A_152 = arith.constant 0 : i32
      %dma_start3A_153 = tpu.memref_slice %arg6[%arg0, %add3A_104, %dma_start3A_152] : memref<2x10112x64xf32, #tpu.memory_space<hbm>> -> memref<1x128x64xf32, #tpu.memory_space<hbm>>
      %dma_start3A_154 = tpu.memref_squeeze %dma_start3A_153 : memref<1x128x64xf32, #tpu.memory_space<hbm>> -> memref<128x64xf32, #tpu.memory_space<hbm>>
      %dma_start3A_155 = arith.constant 0 : i32
      %dma_start3A_156 = tpu.memref_slice %arg6[%arg0, %add3A_104, %dma_start3A_155] : memref<2x10112x64xf32, #tpu.memory_space<hbm>> -> memref<1x128x64xf32, #tpu.memory_space<hbm>>
      %dma_start3A_157 = tpu.memref_squeeze %dma_start3A_156 : memref<1x128x64xf32, #tpu.memory_space<hbm>> -> memref<128x64xf32, #tpu.memory_space<hbm>>
      %dma_start3A_158 = arith.constant 0 : i32
      %dma_start3A_159 = arith.constant 0 : i32
      %dma_start3A_160 = tpu.memref_slice %arg10[%dma_start3A_158, %dma_start3A_159] : memref<128x64xf32, #tpu.memory_space<vmem>> -> memref<128x64xf32, #tpu.memory_space<vmem>>
      tpu.enqueue_dma source(%dma_start3A_160 : memref<128x64xf32, #tpu.memory_space<vmem>>) target(%dma_start3A_157 : memref<128x64xf32, #tpu.memory_space<hbm>>) target_semaphore(%run_scoped3A : memref<!tpu.dma_semaphore, #tpu.memory_space<semaphore_mem>>)
      %dma_wait3A_161 = arith.constant 0 : i32
      %dma_wait3A_162 = arith.constant 0 : i32
      %dma_wait3A_163 = tpu.memref_slice %arg10[%dma_wait3A_161, %dma_wait3A_162] : memref<128x64xf32, #tpu.memory_space<vmem>> -> memref<128x64xf32, #tpu.memory_space<vmem>>
      %dma_wait3A_164 = arith.constant 0 : i32
      %dma_wait3A_165 = tpu.memref_slice %arg6[%arg0, %add3A_104, %dma_wait3A_164] : memref<2x10112x64xf32, #tpu.memory_space<hbm>> -> memref<1x128x64xf32, #tpu.memory_space<hbm>>
      %dma_wait3A_166 = tpu.memref_squeeze %dma_wait3A_165 : memref<1x128x64xf32, #tpu.memory_space<hbm>> -> memref<128x64xf32, #tpu.memory_space<hbm>>
      %dma_wait3A_167 = arith.constant 0 : i32
      %dma_wait3A_168 = tpu.memref_slice %arg6[%arg0, %add3A_104, %dma_wait3A_167] : memref<2x10112x64xf32, #tpu.memory_space<hbm>> -> memref<1x128x64xf32, #tpu.memory_space<hbm>>
      %dma_wait3A_169 = tpu.memref_squeeze %dma_wait3A_168 : memref<1x128x64xf32, #tpu.memory_space<hbm>> -> memref<128x64xf32, #tpu.memory_space<hbm>>
      %dma_wait3A_170 = arith.constant 0 : i32
      %dma_wait3A_171 = arith.constant 0 : i32
      %dma_wait3A_172 = tpu.memref_slice %arg10[%dma_wait3A_170, %dma_wait3A_171] : memref<128x64xf32, #tpu.memory_space<vmem>> -> memref<128x64xf32, #tpu.memory_space<vmem>>
      tpu.wait_dma2 semaphore(%run_scoped3A : memref<!tpu.dma_semaphore, #tpu.memory_space<semaphore_mem>>) src(%dma_wait3A_172 : memref<128x64xf32, #tpu.memory_space<vmem>>) dst(%dma_wait3A_169 : memref<128x64xf32, #tpu.memory_space<hbm>>)
      tpu.yield
    }) : () -> ()
    %add3A_105 = arith.constant 128 : i32
    %add3A_106 = arith.addi %mul3A_0, %add3A_105 : i32
    "tpu.region"() ({
      %run_scoped3A = tpu.sem_alloc : memref<!tpu.dma_semaphore, #tpu.memory_space<semaphore_mem>>
      %dma_start3A_149 = arith.constant 0 : i32
      %dma_start3A_150 = arith.constant 0 : i32
      %dma_start3A_151 = tpu.memref_slice %arg11[%dma_start3A_149, %dma_start3A_150] : memref<128x64xf32, #tpu.memory_space<vmem>> -> memref<128x64xf32, #tpu.memory_space<vmem>>
      %dma_start3A_152 = arith.constant 0 : i32
      %dma_start3A_153 = tpu.memref_slice %arg12[%add3A_106, %dma_start3A_152] : memref<10112x64xf32, #tpu.memory_space<vmem_shared>> -> memref<128x64xf32, #tpu.memory_space<vmem_shared>>
      %dma_start3A_154 = arith.constant 0 : i32
      %dma_start3A_155 = arith.constant 0 : i32
      %dma_start3A_156 = tpu.memref_slice %arg11[%dma_start3A_154, %dma_start3A_155] : memref<128x64xf32, #tpu.memory_space<vmem>> -> memref<128x64xf32, #tpu.memory_space<vmem>>
      %dma_start3A_157 = arith.constant 0 : i32
      %dma_start3A_158 = tpu.memref_slice %arg12[%add3A_106, %dma_start3A_157] : memref<10112x64xf32, #tpu.memory_space<vmem_shared>> -> memref<128x64xf32, #tpu.memory_space<vmem_shared>>
      tpu.enqueue_dma source(%dma_start3A_158 : memref<128x64xf32, #tpu.memory_space<vmem_shared>>) target(%dma_start3A_156 : memref<128x64xf32, #tpu.memory_space<vmem>>) target_semaphore(%run_scoped3A : memref<!tpu.dma_semaphore, #tpu.memory_space<semaphore_mem>>)
      %dma_wait3A_159 = arith.constant 0 : i32
      %dma_wait3A_160 = arith.constant 0 : i32
      %dma_wait3A_161 = tpu.memref_slice %arg11[%dma_wait3A_159, %dma_wait3A_160] : memref<128x64xf32, #tpu.memory_space<vmem>> -> memref<128x64xf32, #tpu.memory_space<vmem>>
      %dma_wait3A_162 = arith.constant 0 : i32
      %dma_wait3A_163 = tpu.memref_slice %arg12[%add3A_106, %dma_wait3A_162] : memref<10112x64xf32, #tpu.memory_space<vmem_shared>> -> memref<128x64xf32, #tpu.memory_space<vmem_shared>>
      %dma_wait3A_164 = arith.constant 0 : i32
      %dma_wait3A_165 = arith.constant 0 : i32
      %dma_wait3A_166 = tpu.memref_slice %arg11[%dma_wait3A_164, %dma_wait3A_165] : memref<128x64xf32, #tpu.memory_space<vmem>> -> memref<128x64xf32, #tpu.memory_space<vmem>>
      %dma_wait3A_167 = arith.constant 0 : i32
      %dma_wait3A_168 = tpu.memref_slice %arg12[%add3A_106, %dma_wait3A_167] : memref<10112x64xf32, #tpu.memory_space<vmem_shared>> -> memref<128x64xf32, #tpu.memory_space<vmem_shared>>
      tpu.wait_dma2 semaphore(%run_scoped3A : memref<!tpu.dma_semaphore, #tpu.memory_space<semaphore_mem>>) src(%dma_wait3A_168 : memref<128x64xf32, #tpu.memory_space<vmem_shared>>) dst(%dma_wait3A_166 : memref<128x64xf32, #tpu.memory_space<vmem>>)
      tpu.yield
    }) : () -> ()
    %scan3A_107 = arith.constant 0 : i32
    %scan3A_108 = arith.constant 0 : i32
    %scan3A_109 = arith.constant 128 : i32
    %scan3A_110 = arith.addi %scan3A_108, %scan3A_109 : i32
    %scan3A_111 = arith.constant 1 : i32
    %scan3A_112 = scf.for %scan3A_149 = %scan3A_108 to %scan3A_110 step %scan3A_111 iter_args(%scan3A_150 = %scan3A_107) -> (i32)  : i32 {
      %add3A_151 = arith.constant 128 : i32
      %add3A_152 = arith.addi %add3A_151, %scan3A_149 : i32
      %get3A = arith.index_cast %add3A_152 : i32 to index
      %get3A_153 = tpu.vector_load %arg9[%get3A] {strides = array<i32>} : memref<648xf32, #tpu.memory_space<vmem>>, vector<16xf32>,
      %get3A_154 = vector.shape_cast %get3A_153 : vector<16xf32> to vector<16xf32>
      %slice3A = vector.extract_strided_slice %get3A_154 {offsets = [0], sizes = [1], strides = [1]} : vector<16xf32> to vector<1xf32>
      %squeeze3A = vector.extract %slice3A[0] : f32 from vector<1xf32>
      %broadcast_in_dim3A = vector.broadcast %squeeze3A : f32 to vector<16xf32>
      %get3A_155 = arith.index_cast %scan3A_149 : i32 to index
      %get3A_156 = arith.constant 0 : index
      %get3A_157 = tpu.vector_load %arg11[%get3A_155, %get3A_156] {strides = array<i32>} : memref<128x64xf32, #tpu.memory_space<vmem>>, vector<1x16xf32>,
      %get3A_158 = vector.shape_cast %get3A_157 : vector<1x16xf32> to vector<16xf32>
      %mul3A_159 = arith.mulf %get3A_158, %broadcast_in_dim3A : vector<16xf32>
      %swap3A = arith.index_cast %scan3A_149 : i32 to index
      %swap3A_160 = arith.constant 0 : index
      %swap3A_161 = tpu.vector_load %arg11[%swap3A, %swap3A_160] {strides = array<i32>} : memref<128x64xf32, #tpu.memory_space<vmem>>, vector<1x16xf32>,
      %swap3A_162 = vector.shape_cast %swap3A_161 : vector<1x16xf32> to vector<16xf32>
      %swap3A_163 = vector.shape_cast %mul3A_159 : vector<16xf32> to vector<1x16xf32>
      tpu.vector_store %arg11[%swap3A, %swap3A_160], %swap3A_163 {strides = array<i32>} : memref<128x64xf32, #tpu.memory_space<vmem>>, vector<1x16xf32>,
      %get3A_164 = arith.index_cast %scan3A_149 : i32 to index
      %get3A_165 = arith.constant 16 : index
      %get3A_166 = tpu.vector_load %arg11[%get3A_164, %get3A_165] {strides = array<i32>} : memref<128x64xf32, #tpu.memory_space<vmem>>, vector<1x16xf32>,
      %get3A_167 = vector.shape_cast %get3A_166 : vector<1x16xf32> to vector<16xf32>
      %mul3A_168 = arith.mulf %get3A_167, %broadcast_in_dim3A : vector<16xf32>
      %swap3A_169 = arith.index_cast %scan3A_149 : i32 to index
      %swap3A_170 = arith.constant 16 : index
      %swap3A_171 = tpu.vector_load %arg11[%swap3A_169, %swap3A_170] {strides = array<i32>} : memref<128x64xf32, #tpu.memory_space<vmem>>, vector<1x16xf32>,
      %swap3A_172 = vector.shape_cast %swap3A_171 : vector<1x16xf32> to vector<16xf32>
      %swap3A_173 = vector.shape_cast %mul3A_168 : vector<16xf32> to vector<1x16xf32>
      tpu.vector_store %arg11[%swap3A_169, %swap3A_170], %swap3A_173 {strides = array<i32>} : memref<128x64xf32, #tpu.memory_space<vmem>>, vector<1x16xf32>,
      %get3A_174 = arith.index_cast %scan3A_149 : i32 to index
      %get3A_175 = arith.constant 32 : index
      %get3A_176 = tpu.vector_load %arg11[%get3A_174, %get3A_175] {strides = array<i32>} : memref<128x64xf32, #tpu.memory_space<vmem>>, vector<1x16xf32>,
      %get3A_177 = vector.shape_cast %get3A_176 : vector<1x16xf32> to vector<16xf32>
      %mul3A_178 = arith.mulf %get3A_177, %broadcast_in_dim3A : vector<16xf32>
      %swap3A_179 = arith.index_cast %scan3A_149 : i32 to index
      %swap3A_180 = arith.constant 32 : index
      %swap3A_181 = tpu.vector_load %arg11[%swap3A_179, %swap3A_180] {strides = array<i32>} : memref<128x64xf32, #tpu.memory_space<vmem>>, vector<1x16xf32>,
      %swap3A_182 = vector.shape_cast %swap3A_181 : vector<1x16xf32> to vector<16xf32>
      %swap3A_183 = vector.shape_cast %mul3A_178 : vector<16xf32> to vector<1x16xf32>
      tpu.vector_store %arg11[%swap3A_179, %swap3A_180], %swap3A_183 {strides = array<i32>} : memref<128x64xf32, #tpu.memory_space<vmem>>, vector<1x16xf32>,
      %get3A_184 = arith.index_cast %scan3A_149 : i32 to index
      %get3A_185 = arith.constant 48 : index
      %get3A_186 = tpu.vector_load %arg11[%get3A_184, %get3A_185] {strides = array<i32>} : memref<128x64xf32, #tpu.memory_space<vmem>>, vector<1x16xf32>,
      %get3A_187 = vector.shape_cast %get3A_186 : vector<1x16xf32> to vector<16xf32>
      %mul3A_188 = arith.mulf %get3A_187, %broadcast_in_dim3A : vector<16xf32>
      %swap3A_189 = arith.index_cast %scan3A_149 : i32 to index
      %swap3A_190 = arith.constant 48 : index
      %swap3A_191 = tpu.vector_load %arg11[%swap3A_189, %swap3A_190] {strides = array<i32>} : memref<128x64xf32, #tpu.memory_space<vmem>>, vector<1x16xf32>,
      %swap3A_192 = vector.shape_cast %swap3A_191 : vector<1x16xf32> to vector<16xf32>
      %swap3A_193 = vector.shape_cast %mul3A_188 : vector<16xf32> to vector<1x16xf32>
      tpu.vector_store %arg11[%swap3A_189, %swap3A_190], %swap3A_193 {strides = array<i32>} : memref<128x64xf32, #tpu.memory_space<vmem>>, vector<1x16xf32>,
      %scan3A_194 = arith.constant 0 : i32
      scf.yield %scan3A_194 : i32
    }
    %scan3A_113 = arith.constant 128 : i32
    %add3A_114 = arith.constant 128 : i32
    %add3A_115 = arith.addi %mul3A_0, %add3A_114 : i32
    "tpu.region"() ({
      %run_scoped3A = tpu.sem_alloc : memref<!tpu.dma_semaphore, #tpu.memory_space<semaphore_mem>>
      %dma_start3A_149 = arith.constant 0 : i32
      %dma_start3A_150 = arith.constant 0 : i32
      %dma_start3A_151 = tpu.memref_slice %arg11[%dma_start3A_149, %dma_start3A_150] : memref<128x64xf32, #tpu.memory_space<vmem>> -> memref<128x64xf32, #tpu.memory_space<vmem>>
      %dma_start3A_152 = arith.constant 0 : i32
      %dma_start3A_153 = tpu.memref_slice %arg6[%arg0, %add3A_115, %dma_start3A_152] : memref<2x10112x64xf32, #tpu.memory_space<hbm>> -> memref<1x128x64xf32, #tpu.memory_space<hbm>>
      %dma_start3A_154 = tpu.memref_squeeze %dma_start3A_153 : memref<1x128x64xf32, #tpu.memory_space<hbm>> -> memref<128x64xf32, #tpu.memory_space<hbm>>
      %dma_start3A_155 = arith.constant 0 : i32
      %dma_start3A_156 = tpu.memref_slice %arg6[%arg0, %add3A_115, %dma_start3A_155] : memref<2x10112x64xf32, #tpu.memory_space<hbm>> -> memref<1x128x64xf32, #tpu.memory_space<hbm>>
      %dma_start3A_157 = tpu.memref_squeeze %dma_start3A_156 : memref<1x128x64xf32, #tpu.memory_space<hbm>> -> memref<128x64xf32, #tpu.memory_space<hbm>>
      %dma_start3A_158 = arith.constant 0 : i32
      %dma_start3A_159 = arith.constant 0 : i32
      %dma_start3A_160 = tpu.memref_slice %arg11[%dma_start3A_158, %dma_start3A_159] : memref<128x64xf32, #tpu.memory_space<vmem>> -> memref<128x64xf32, #tpu.memory_space<vmem>>
      tpu.enqueue_dma source(%dma_start3A_160 : memref<128x64xf32, #tpu.memory_space<vmem>>) target(%dma_start3A_157 : memref<128x64xf32, #tpu.memory_space<hbm>>) target_semaphore(%run_scoped3A : memref<!tpu.dma_semaphore, #tpu.memory_space<semaphore_mem>>)
      %dma_wait3A_161 = arith.constant 0 : i32
      %dma_wait3A_162 = arith.constant 0 : i32
      %dma_wait3A_163 = tpu.memref_slice %arg11[%dma_wait3A_161, %dma_wait3A_162] : memref<128x64xf32, #tpu.memory_space<vmem>> -> memref<128x64xf32, #tpu.memory_space<vmem>>
      %dma_wait3A_164 = arith.constant 0 : i32
      %dma_wait3A_165 = tpu.memref_slice %arg6[%arg0, %add3A_115, %dma_wait3A_164] : memref<2x10112x64xf32, #tpu.memory_space<hbm>> -> memref<1x128x64xf32, #tpu.memory_space<hbm>>
      %dma_wait3A_166 = tpu.memref_squeeze %dma_wait3A_165 : memref<1x128x64xf32, #tpu.memory_space<hbm>> -> memref<128x64xf32, #tpu.memory_space<hbm>>
      %dma_wait3A_167 = arith.constant 0 : i32
      %dma_wait3A_168 = tpu.memref_slice %arg6[%arg0, %add3A_115, %dma_wait3A_167] : memref<2x10112x64xf32, #tpu.memory_space<hbm>> -> memref<1x128x64xf32, #tpu.memory_space<hbm>>
      %dma_wait3A_169 = tpu.memref_squeeze %dma_wait3A_168 : memref<1x128x64xf32, #tpu.memory_space<hbm>> -> memref<128x64xf32, #tpu.memory_space<hbm>>
      %dma_wait3A_170 = arith.constant 0 : i32
      %dma_wait3A_171 = arith.constant 0 : i32
      %dma_wait3A_172 = tpu.memref_slice %arg11[%dma_wait3A_170, %dma_wait3A_171] : memref<128x64xf32, #tpu.memory_space<vmem>> -> memref<128x64xf32, #tpu.memory_space<vmem>>
      tpu.wait_dma2 semaphore(%run_scoped3A : memref<!tpu.dma_semaphore, #tpu.memory_space<semaphore_mem>>) src(%dma_wait3A_172 : memref<128x64xf32, #tpu.memory_space<vmem>>) dst(%dma_wait3A_169 : memref<128x64xf32, #tpu.memory_space<hbm>>)
      tpu.yield
    }) : () -> ()
    %add3A_116 = arith.constant 256 : i32
    %add3A_117 = arith.addi %mul3A_0, %add3A_116 : i32
    "tpu.region"() ({
      %run_scoped3A = tpu.sem_alloc : memref<!tpu.dma_semaphore, #tpu.memory_space<semaphore_mem>>
      %dma_start3A_149 = arith.constant 0 : i32
      %dma_start3A_150 = arith.constant 0 : i32
      %dma_start3A_151 = tpu.memref_slice %arg10[%dma_start3A_149, %dma_start3A_150] : memref<128x64xf32, #tpu.memory_space<vmem>> -> memref<128x64xf32, #tpu.memory_space<vmem>>
      %dma_start3A_152 = arith.constant 0 : i32
      %dma_start3A_153 = tpu.memref_slice %arg12[%add3A_117, %dma_start3A_152] : memref<10112x64xf32, #tpu.memory_space<vmem_shared>> -> memref<128x64xf32, #tpu.memory_space<vmem_shared>>
      %dma_start3A_154 = arith.constant 0 : i32
      %dma_start3A_155 = arith.constant 0 : i32
      %dma_start3A_156 = tpu.memref_slice %arg10[%dma_start3A_154, %dma_start3A_155] : memref<128x64xf32, #tpu.memory_space<vmem>> -> memref<128x64xf32, #tpu.memory_space<vmem>>
      %dma_start3A_157 = arith.constant 0 : i32
      %dma_start3A_158 = tpu.memref_slice %arg12[%add3A_117, %dma_start3A_157] : memref<10112x64xf32, #tpu.memory_space<vmem_shared>> -> memref<128x64xf32, #tpu.memory_space<vmem_shared>>
      tpu.enqueue_dma source(%dma_start3A_158 : memref<128x64xf32, #tpu.memory_space<vmem_shared>>) target(%dma_start3A_156 : memref<128x64xf32, #tpu.memory_space<vmem>>) target_semaphore(%run_scoped3A : memref<!tpu.dma_semaphore, #tpu.memory_space<semaphore_mem>>)
      %dma_wait3A_159 = arith.constant 0 : i32
      %dma_wait3A_160 = arith.constant 0 : i32
      %dma_wait3A_161 = tpu.memref_slice %arg10[%dma_wait3A_159, %dma_wait3A_160] : memref<128x64xf32, #tpu.memory_space<vmem>> -> memref<128x64xf32, #tpu.memory_space<vmem>>
      %dma_wait3A_162 = arith.constant 0 : i32
      %dma_wait3A_163 = tpu.memref_slice %arg12[%add3A_117, %dma_wait3A_162] : memref<10112x64xf32, #tpu.memory_space<vmem_shared>> -> memref<128x64xf32, #tpu.memory_space<vmem_shared>>
      %dma_wait3A_164 = arith.constant 0 : i32
      %dma_wait3A_165 = arith.constant 0 : i32
      %dma_wait3A_166 = tpu.memref_slice %arg10[%dma_wait3A_164, %dma_wait3A_165] : memref<128x64xf32, #tpu.memory_space<vmem>> -> memref<128x64xf32, #tpu.memory_space<vmem>>
      %dma_wait3A_167 = arith.constant 0 : i32
      %dma_wait3A_168 = tpu.memref_slice %arg12[%add3A_117, %dma_wait3A_167] : memref<10112x64xf32, #tpu.memory_space<vmem_shared>> -> memref<128x64xf32, #tpu.memory_space<vmem_shared>>
      tpu.wait_dma2 semaphore(%run_scoped3A : memref<!tpu.dma_semaphore, #tpu.memory_space<semaphore_mem>>) src(%dma_wait3A_168 : memref<128x64xf32, #tpu.memory_space<vmem_shared>>) dst(%dma_wait3A_166 : memref<128x64xf32, #tpu.memory_space<vmem>>)
      tpu.yield
    }) : () -> ()
    %scan3A_118 = arith.constant 0 : i32
    %scan3A_119 = arith.constant 0 : i32
    %scan3A_120 = arith.constant 128 : i32
    %scan3A_121 = arith.addi %scan3A_119, %scan3A_120 : i32
    %scan3A_122 = arith.constant 1 : i32
    %scan3A_123 = scf.for %scan3A_149 = %scan3A_119 to %scan3A_121 step %scan3A_122 iter_args(%scan3A_150 = %scan3A_118) -> (i32)  : i32 {
      %add3A_151 = arith.constant 256 : i32
      %add3A_152 = arith.addi %add3A_151, %scan3A_149 : i32
      %get3A = arith.index_cast %add3A_152 : i32 to index
      %get3A_153 = tpu.vector_load %arg9[%get3A] {strides = array<i32>} : memref<648xf32, #tpu.memory_space<vmem>>, vector<16xf32>,
      %get3A_154 = vector.shape_cast %get3A_153 : vector<16xf32> to vector<16xf32>
      %slice3A = vector.extract_strided_slice %get3A_154 {offsets = [0], sizes = [1], strides = [1]} : vector<16xf32> to vector<1xf32>
      %squeeze3A = vector.extract %slice3A[0] : f32 from vector<1xf32>
      %broadcast_in_dim3A = vector.broadcast %squeeze3A : f32 to vector<16xf32>
      %get3A_155 = arith.index_cast %scan3A_149 : i32 to index
      %get3A_156 = arith.constant 0 : index
      %get3A_157 = tpu.vector_load %arg10[%get3A_155, %get3A_156] {strides = array<i32>} : memref<128x64xf32, #tpu.memory_space<vmem>>, vector<1x16xf32>,
      %get3A_158 = vector.shape_cast %get3A_157 : vector<1x16xf32> to vector<16xf32>
      %mul3A_159 = arith.mulf %get3A_158, %broadcast_in_dim3A : vector<16xf32>
      %swap3A = arith.index_cast %scan3A_149 : i32 to index
      %swap3A_160 = arith.constant 0 : index
      %swap3A_161 = tpu.vector_load %arg10[%swap3A, %swap3A_160] {strides = array<i32>} : memref<128x64xf32, #tpu.memory_space<vmem>>, vector<1x16xf32>,
      %swap3A_162 = vector.shape_cast %swap3A_161 : vector<1x16xf32> to vector<16xf32>
      %swap3A_163 = vector.shape_cast %mul3A_159 : vector<16xf32> to vector<1x16xf32>
      tpu.vector_store %arg10[%swap3A, %swap3A_160], %swap3A_163 {strides = array<i32>} : memref<128x64xf32, #tpu.memory_space<vmem>>, vector<1x16xf32>,
      %get3A_164 = arith.index_cast %scan3A_149 : i32 to index
      %get3A_165 = arith.constant 16 : index
      %get3A_166 = tpu.vector_load %arg10[%get3A_164, %get3A_165] {strides = array<i32>} : memref<128x64xf32, #tpu.memory_space<vmem>>, vector<1x16xf32>,
      %get3A_167 = vector.shape_cast %get3A_166 : vector<1x16xf32> to vector<16xf32>
      %mul3A_168 = arith.mulf %get3A_167, %broadcast_in_dim3A : vector<16xf32>
      %swap3A_169 = arith.index_cast %scan3A_149 : i32 to index
      %swap3A_170 = arith.constant 16 : index
      %swap3A_171 = tpu.vector_load %arg10[%swap3A_169, %swap3A_170] {strides = array<i32>} : memref<128x64xf32, #tpu.memory_space<vmem>>, vector<1x16xf32>,
      %swap3A_172 = vector.shape_cast %swap3A_171 : vector<1x16xf32> to vector<16xf32>
      %swap3A_173 = vector.shape_cast %mul3A_168 : vector<16xf32> to vector<1x16xf32>
      tpu.vector_store %arg10[%swap3A_169, %swap3A_170], %swap3A_173 {strides = array<i32>} : memref<128x64xf32, #tpu.memory_space<vmem>>, vector<1x16xf32>,
      %get3A_174 = arith.index_cast %scan3A_149 : i32 to index
      %get3A_175 = arith.constant 32 : index
      %get3A_176 = tpu.vector_load %arg10[%get3A_174, %get3A_175] {strides = array<i32>} : memref<128x64xf32, #tpu.memory_space<vmem>>, vector<1x16xf32>,
      %get3A_177 = vector.shape_cast %get3A_176 : vector<1x16xf32> to vector<16xf32>
      %mul3A_178 = arith.mulf %get3A_177, %broadcast_in_dim3A : vector<16xf32>
      %swap3A_179 = arith.index_cast %scan3A_149 : i32 to index
      %swap3A_180 = arith.constant 32 : index
      %swap3A_181 = tpu.vector_load %arg10[%swap3A_179, %swap3A_180] {strides = array<i32>} : memref<128x64xf32, #tpu.memory_space<vmem>>, vector<1x16xf32>,
      %swap3A_182 = vector.shape_cast %swap3A_181 : vector<1x16xf32> to vector<16xf32>
      %swap3A_183 = vector.shape_cast %mul3A_178 : vector<16xf32> to vector<1x16xf32>
      tpu.vector_store %arg10[%swap3A_179, %swap3A_180], %swap3A_183 {strides = array<i32>} : memref<128x64xf32, #tpu.memory_space<vmem>>, vector<1x16xf32>,
      %get3A_184 = arith.index_cast %scan3A_149 : i32 to index
      %get3A_185 = arith.constant 48 : index
      %get3A_186 = tpu.vector_load %arg10[%get3A_184, %get3A_185] {strides = array<i32>} : memref<128x64xf32, #tpu.memory_space<vmem>>, vector<1x16xf32>,
      %get3A_187 = vector.shape_cast %get3A_186 : vector<1x16xf32> to vector<16xf32>
      %mul3A_188 = arith.mulf %get3A_187, %broadcast_in_dim3A : vector<16xf32>
      %swap3A_189 = arith.index_cast %scan3A_149 : i32 to index
      %swap3A_190 = arith.constant 48 : index
      %swap3A_191 = tpu.vector_load %arg10[%swap3A_189, %swap3A_190] {strides = array<i32>} : memref<128x64xf32, #tpu.memory_space<vmem>>, vector<1x16xf32>,
      %swap3A_192 = vector.shape_cast %swap3A_191 : vector<1x16xf32> to vector<16xf32>
      %swap3A_193 = vector.shape_cast %mul3A_188 : vector<16xf32> to vector<1x16xf32>
      tpu.vector_store %arg10[%swap3A_189, %swap3A_190], %swap3A_193 {strides = array<i32>} : memref<128x64xf32, #tpu.memory_space<vmem>>, vector<1x16xf32>,
      %scan3A_194 = arith.constant 0 : i32
      scf.yield %scan3A_194 : i32
    }
    %scan3A_124 = arith.constant 128 : i32
    %add3A_125 = arith.constant 256 : i32
    %add3A_126 = arith.addi %mul3A_0, %add3A_125 : i32
    "tpu.region"() ({
      %run_scoped3A = tpu.sem_alloc : memref<!tpu.dma_semaphore, #tpu.memory_space<semaphore_mem>>
      %dma_start3A_149 = arith.constant 0 : i32
      %dma_start3A_150 = arith.constant 0 : i32
      %dma_start3A_151 = tpu.memref_slice %arg10[%dma_start3A_149, %dma_start3A_150] : memref<128x64xf32, #tpu.memory_space<vmem>> -> memref<128x64xf32, #tpu.memory_space<vmem>>
      %dma_start3A_152 = arith.constant 0 : i32
      %dma_start3A_153 = tpu.memref_slice %arg6[%arg0, %add3A_126, %dma_start3A_152] : memref<2x10112x64xf32, #tpu.memory_space<hbm>> -> memref<1x128x64xf32, #tpu.memory_space<hbm>>
      %dma_start3A_154 = tpu.memref_squeeze %dma_start3A_153 : memref<1x128x64xf32, #tpu.memory_space<hbm>> -> memref<128x64xf32, #tpu.memory_space<hbm>>
      %dma_start3A_155 = arith.constant 0 : i32
      %dma_start3A_156 = tpu.memref_slice %arg6[%arg0, %add3A_126, %dma_start3A_155] : memref<2x10112x64xf32, #tpu.memory_space<hbm>> -> memref<1x128x64xf32, #tpu.memory_space<hbm>>
      %dma_start3A_157 = tpu.memref_squeeze %dma_start3A_156 : memref<1x128x64xf32, #tpu.memory_space<hbm>> -> memref<128x64xf32, #tpu.memory_space<hbm>>
      %dma_start3A_158 = arith.constant 0 : i32
      %dma_start3A_159 = arith.constant 0 : i32
      %dma_start3A_160 = tpu.memref_slice %arg10[%dma_start3A_158, %dma_start3A_159] : memref<128x64xf32, #tpu.memory_space<vmem>> -> memref<128x64xf32, #tpu.memory_space<vmem>>
      tpu.enqueue_dma source(%dma_start3A_160 : memref<128x64xf32, #tpu.memory_space<vmem>>) target(%dma_start3A_157 : memref<128x64xf32, #tpu.memory_space<hbm>>) target_semaphore(%run_scoped3A : memref<!tpu.dma_semaphore, #tpu.memory_space<semaphore_mem>>)
      %dma_wait3A_161 = arith.constant 0 : i32
      %dma_wait3A_162 = arith.constant 0 : i32
      %dma_wait3A_163 = tpu.memref_slice %arg10[%dma_wait3A_161, %dma_wait3A_162] : memref<128x64xf32, #tpu.memory_space<vmem>> -> memref<128x64xf32, #tpu.memory_space<vmem>>
      %dma_wait3A_164 = arith.constant 0 : i32
      %dma_wait3A_165 = tpu.memref_slice %arg6[%arg0, %add3A_126, %dma_wait3A_164] : memref<2x10112x64xf32, #tpu.memory_space<hbm>> -> memref<1x128x64xf32, #tpu.memory_space<hbm>>
      %dma_wait3A_166 = tpu.memref_squeeze %dma_wait3A_165 : memref<1x128x64xf32, #tpu.memory_space<hbm>> -> memref<128x64xf32, #tpu.memory_space<hbm>>
      %dma_wait3A_167 = arith.constant 0 : i32
      %dma_wait3A_168 = tpu.memref_slice %arg6[%arg0, %add3A_126, %dma_wait3A_167] : memref<2x10112x64xf32, #tpu.memory_space<hbm>> -> memref<1x128x64xf32, #tpu.memory_space<hbm>>
      %dma_wait3A_169 = tpu.memref_squeeze %dma_wait3A_168 : memref<1x128x64xf32, #tpu.memory_space<hbm>> -> memref<128x64xf32, #tpu.memory_space<hbm>>
      %dma_wait3A_170 = arith.constant 0 : i32
      %dma_wait3A_171 = arith.constant 0 : i32
      %dma_wait3A_172 = tpu.memref_slice %arg10[%dma_wait3A_170, %dma_wait3A_171] : memref<128x64xf32, #tpu.memory_space<vmem>> -> memref<128x64xf32, #tpu.memory_space<vmem>>
      tpu.wait_dma2 semaphore(%run_scoped3A : memref<!tpu.dma_semaphore, #tpu.memory_space<semaphore_mem>>) src(%dma_wait3A_172 : memref<128x64xf32, #tpu.memory_space<vmem>>) dst(%dma_wait3A_169 : memref<128x64xf32, #tpu.memory_space<hbm>>)
      tpu.yield
    }) : () -> ()
    %add3A_127 = arith.constant 384 : i32
    %add3A_128 = arith.addi %mul3A_0, %add3A_127 : i32
    "tpu.region"() ({
      %run_scoped3A = tpu.sem_alloc : memref<!tpu.dma_semaphore, #tpu.memory_space<semaphore_mem>>
      %dma_start3A_149 = arith.constant 0 : i32
      %dma_start3A_150 = arith.constant 0 : i32
      %dma_start3A_151 = tpu.memref_slice %arg11[%dma_start3A_149, %dma_start3A_150] : memref<128x64xf32, #tpu.memory_space<vmem>> -> memref<128x64xf32, #tpu.memory_space<vmem>>
      %dma_start3A_152 = arith.constant 0 : i32
      %dma_start3A_153 = tpu.memref_slice %arg12[%add3A_128, %dma_start3A_152] : memref<10112x64xf32, #tpu.memory_space<vmem_shared>> -> memref<128x64xf32, #tpu.memory_space<vmem_shared>>
      %dma_start3A_154 = arith.constant 0 : i32
      %dma_start3A_155 = arith.constant 0 : i32
      %dma_start3A_156 = tpu.memref_slice %arg11[%dma_start3A_154, %dma_start3A_155] : memref<128x64xf32, #tpu.memory_space<vmem>> -> memref<128x64xf32, #tpu.memory_space<vmem>>
      %dma_start3A_157 = arith.constant 0 : i32
      %dma_start3A_158 = tpu.memref_slice %arg12[%add3A_128, %dma_start3A_157] : memref<10112x64xf32, #tpu.memory_space<vmem_shared>> -> memref<128x64xf32, #tpu.memory_space<vmem_shared>>
      tpu.enqueue_dma source(%dma_start3A_158 : memref<128x64xf32, #tpu.memory_space<vmem_shared>>) target(%dma_start3A_156 : memref<128x64xf32, #tpu.memory_space<vmem>>) target_semaphore(%run_scoped3A : memref<!tpu.dma_semaphore, #tpu.memory_space<semaphore_mem>>)
      %dma_wait3A_159 = arith.constant 0 : i32
      %dma_wait3A_160 = arith.constant 0 : i32
      %dma_wait3A_161 = tpu.memref_slice %arg11[%dma_wait3A_159, %dma_wait3A_160] : memref<128x64xf32, #tpu.memory_space<vmem>> -> memref<128x64xf32, #tpu.memory_space<vmem>>
      %dma_wait3A_162 = arith.constant 0 : i32
      %dma_wait3A_163 = tpu.memref_slice %arg12[%add3A_128, %dma_wait3A_162] : memref<10112x64xf32, #tpu.memory_space<vmem_shared>> -> memref<128x64xf32, #tpu.memory_space<vmem_shared>>
      %dma_wait3A_164 = arith.constant 0 : i32
      %dma_wait3A_165 = arith.constant 0 : i32
      %dma_wait3A_166 = tpu.memref_slice %arg11[%dma_wait3A_164, %dma_wait3A_165] : memref<128x64xf32, #tpu.memory_space<vmem>> -> memref<128x64xf32, #tpu.memory_space<vmem>>
      %dma_wait3A_167 = arith.constant 0 : i32
      %dma_wait3A_168 = tpu.memref_slice %arg12[%add3A_128, %dma_wait3A_167] : memref<10112x64xf32, #tpu.memory_space<vmem_shared>> -> memref<128x64xf32, #tpu.memory_space<vmem_shared>>
      tpu.wait_dma2 semaphore(%run_scoped3A : memref<!tpu.dma_semaphore, #tpu.memory_space<semaphore_mem>>) src(%dma_wait3A_168 : memref<128x64xf32, #tpu.memory_space<vmem_shared>>) dst(%dma_wait3A_166 : memref<128x64xf32, #tpu.memory_space<vmem>>)
      tpu.yield
    }) : () -> ()
    %scan3A_129 = arith.constant 0 : i32
    %scan3A_130 = arith.constant 0 : i32
    %scan3A_131 = arith.constant 128 : i32
    %scan3A_132 = arith.addi %scan3A_130, %scan3A_131 : i32
    %scan3A_133 = arith.constant 1 : i32
    %scan3A_134 = scf.for %scan3A_149 = %scan3A_130 to %scan3A_132 step %scan3A_133 iter_args(%scan3A_150 = %scan3A_129) -> (i32)  : i32 {
      %add3A_151 = arith.constant 384 : i32
      %add3A_152 = arith.addi %add3A_151, %scan3A_149 : i32
      %get3A = arith.index_cast %add3A_152 : i32 to index
      %get3A_153 = tpu.vector_load %arg9[%get3A] {strides = array<i32>} : memref<648xf32, #tpu.memory_space<vmem>>, vector<16xf32>,
      %get3A_154 = vector.shape_cast %get3A_153 : vector<16xf32> to vector<16xf32>
      %slice3A = vector.extract_strided_slice %get3A_154 {offsets = [0], sizes = [1], strides = [1]} : vector<16xf32> to vector<1xf32>
      %squeeze3A = vector.extract %slice3A[0] : f32 from vector<1xf32>
      %broadcast_in_dim3A = vector.broadcast %squeeze3A : f32 to vector<16xf32>
      %get3A_155 = arith.index_cast %scan3A_149 : i32 to index
      %get3A_156 = arith.constant 0 : index
      %get3A_157 = tpu.vector_load %arg11[%get3A_155, %get3A_156] {strides = array<i32>} : memref<128x64xf32, #tpu.memory_space<vmem>>, vector<1x16xf32>,
      %get3A_158 = vector.shape_cast %get3A_157 : vector<1x16xf32> to vector<16xf32>
      %mul3A_159 = arith.mulf %get3A_158, %broadcast_in_dim3A : vector<16xf32>
      %swap3A = arith.index_cast %scan3A_149 : i32 to index
      %swap3A_160 = arith.constant 0 : index
      %swap3A_161 = tpu.vector_load %arg11[%swap3A, %swap3A_160] {strides = array<i32>} : memref<128x64xf32, #tpu.memory_space<vmem>>, vector<1x16xf32>,
      %swap3A_162 = vector.shape_cast %swap3A_161 : vector<1x16xf32> to vector<16xf32>
      %swap3A_163 = vector.shape_cast %mul3A_159 : vector<16xf32> to vector<1x16xf32>
      tpu.vector_store %arg11[%swap3A, %swap3A_160], %swap3A_163 {strides = array<i32>} : memref<128x64xf32, #tpu.memory_space<vmem>>, vector<1x16xf32>,
      %get3A_164 = arith.index_cast %scan3A_149 : i32 to index
      %get3A_165 = arith.constant 16 : index
      %get3A_166 = tpu.vector_load %arg11[%get3A_164, %get3A_165] {strides = array<i32>} : memref<128x64xf32, #tpu.memory_space<vmem>>, vector<1x16xf32>,
      %get3A_167 = vector.shape_cast %get3A_166 : vector<1x16xf32> to vector<16xf32>
      %mul3A_168 = arith.mulf %get3A_167, %broadcast_in_dim3A : vector<16xf32>
      %swap3A_169 = arith.index_cast %scan3A_149 : i32 to index
      %swap3A_170 = arith.constant 16 : index
      %swap3A_171 = tpu.vector_load %arg11[%swap3A_169, %swap3A_170] {strides = array<i32>} : memref<128x64xf32, #tpu.memory_space<vmem>>, vector<1x16xf32>,
      %swap3A_172 = vector.shape_cast %swap3A_171 : vector<1x16xf32> to vector<16xf32>
      %swap3A_173 = vector.shape_cast %mul3A_168 : vector<16xf32> to vector<1x16xf32>
      tpu.vector_store %arg11[%swap3A_169, %swap3A_170], %swap3A_173 {strides = array<i32>} : memref<128x64xf32, #tpu.memory_space<vmem>>, vector<1x16xf32>,
      %get3A_174 = arith.index_cast %scan3A_149 : i32 to index
      %get3A_175 = arith.constant 32 : index
      %get3A_176 = tpu.vector_load %arg11[%get3A_174, %get3A_175] {strides = array<i32>} : memref<128x64xf32, #tpu.memory_space<vmem>>, vector<1x16xf32>,
      %get3A_177 = vector.shape_cast %get3A_176 : vector<1x16xf32> to vector<16xf32>
      %mul3A_178 = arith.mulf %get3A_177, %broadcast_in_dim3A : vector<16xf32>
      %swap3A_179 = arith.index_cast %scan3A_149 : i32 to index
      %swap3A_180 = arith.constant 32 : index
      %swap3A_181 = tpu.vector_load %arg11[%swap3A_179, %swap3A_180] {strides = array<i32>} : memref<128x64xf32, #tpu.memory_space<vmem>>, vector<1x16xf32>,
      %swap3A_182 = vector.shape_cast %swap3A_181 : vector<1x16xf32> to vector<16xf32>
      %swap3A_183 = vector.shape_cast %mul3A_178 : vector<16xf32> to vector<1x16xf32>
      tpu.vector_store %arg11[%swap3A_179, %swap3A_180], %swap3A_183 {strides = array<i32>} : memref<128x64xf32, #tpu.memory_space<vmem>>, vector<1x16xf32>,
      %get3A_184 = arith.index_cast %scan3A_149 : i32 to index
      %get3A_185 = arith.constant 48 : index
      %get3A_186 = tpu.vector_load %arg11[%get3A_184, %get3A_185] {strides = array<i32>} : memref<128x64xf32, #tpu.memory_space<vmem>>, vector<1x16xf32>,
      %get3A_187 = vector.shape_cast %get3A_186 : vector<1x16xf32> to vector<16xf32>
      %mul3A_188 = arith.mulf %get3A_187, %broadcast_in_dim3A : vector<16xf32>
      %swap3A_189 = arith.index_cast %scan3A_149 : i32 to index
      %swap3A_190 = arith.constant 48 : index
      %swap3A_191 = tpu.vector_load %arg11[%swap3A_189, %swap3A_190] {strides = array<i32>} : memref<128x64xf32, #tpu.memory_space<vmem>>, vector<1x16xf32>,
      %swap3A_192 = vector.shape_cast %swap3A_191 : vector<1x16xf32> to vector<16xf32>
      %swap3A_193 = vector.shape_cast %mul3A_188 : vector<16xf32> to vector<1x16xf32>
      tpu.vector_store %arg11[%swap3A_189, %swap3A_190], %swap3A_193 {strides = array<i32>} : memref<128x64xf32, #tpu.memory_space<vmem>>, vector<1x16xf32>,
      %scan3A_194 = arith.constant 0 : i32
      scf.yield %scan3A_194 : i32
    }
    %scan3A_135 = arith.constant 128 : i32
    %add3A_136 = arith.constant 384 : i32
    %add3A_137 = arith.addi %mul3A_0, %add3A_136 : i32
    "tpu.region"() ({
      %run_scoped3A = tpu.sem_alloc : memref<!tpu.dma_semaphore, #tpu.memory_space<semaphore_mem>>
      %dma_start3A_149 = arith.constant 0 : i32
      %dma_start3A_150 = arith.constant 0 : i32
      %dma_start3A_151 = tpu.memref_slice %arg11[%dma_start3A_149, %dma_start3A_150] : memref<128x64xf32, #tpu.memory_space<vmem>> -> memref<128x64xf32, #tpu.memory_space<vmem>>
      %dma_start3A_152 = arith.constant 0 : i32
      %dma_start3A_153 = tpu.memref_slice %arg6[%arg0, %add3A_137, %dma_start3A_152] : memref<2x10112x64xf32, #tpu.memory_space<hbm>> -> memref<1x128x64xf32, #tpu.memory_space<hbm>>
      %dma_start3A_154 = tpu.memref_squeeze %dma_start3A_153 : memref<1x128x64xf32, #tpu.memory_space<hbm>> -> memref<128x64xf32, #tpu.memory_space<hbm>>
      %dma_start3A_155 = arith.constant 0 : i32
      %dma_start3A_156 = tpu.memref_slice %arg6[%arg0, %add3A_137, %dma_start3A_155] : memref<2x10112x64xf32, #tpu.memory_space<hbm>> -> memref<1x128x64xf32, #tpu.memory_space<hbm>>
      %dma_start3A_157 = tpu.memref_squeeze %dma_start3A_156 : memref<1x128x64xf32, #tpu.memory_space<hbm>> -> memref<128x64xf32, #tpu.memory_space<hbm>>
      %dma_start3A_158 = arith.constant 0 : i32
      %dma_start3A_159 = arith.constant 0 : i32
      %dma_start3A_160 = tpu.memref_slice %arg11[%dma_start3A_158, %dma_start3A_159] : memref<128x64xf32, #tpu.memory_space<vmem>> -> memref<128x64xf32, #tpu.memory_space<vmem>>
      tpu.enqueue_dma source(%dma_start3A_160 : memref<128x64xf32, #tpu.memory_space<vmem>>) target(%dma_start3A_157 : memref<128x64xf32, #tpu.memory_space<hbm>>) target_semaphore(%run_scoped3A : memref<!tpu.dma_semaphore, #tpu.memory_space<semaphore_mem>>)
      %dma_wait3A_161 = arith.constant 0 : i32
      %dma_wait3A_162 = arith.constant 0 : i32
      %dma_wait3A_163 = tpu.memref_slice %arg11[%dma_wait3A_161, %dma_wait3A_162] : memref<128x64xf32, #tpu.memory_space<vmem>> -> memref<128x64xf32, #tpu.memory_space<vmem>>
      %dma_wait3A_164 = arith.constant 0 : i32
      %dma_wait3A_165 = tpu.memref_slice %arg6[%arg0, %add3A_137, %dma_wait3A_164] : memref<2x10112x64xf32, #tpu.memory_space<hbm>> -> memref<1x128x64xf32, #tpu.memory_space<hbm>>
      %dma_wait3A_166 = tpu.memref_squeeze %dma_wait3A_165 : memref<1x128x64xf32, #tpu.memory_space<hbm>> -> memref<128x64xf32, #tpu.memory_space<hbm>>
      %dma_wait3A_167 = arith.constant 0 : i32
      %dma_wait3A_168 = tpu.memref_slice %arg6[%arg0, %add3A_137, %dma_wait3A_167] : memref<2x10112x64xf32, #tpu.memory_space<hbm>> -> memref<1x128x64xf32, #tpu.memory_space<hbm>>
      %dma_wait3A_169 = tpu.memref_squeeze %dma_wait3A_168 : memref<1x128x64xf32, #tpu.memory_space<hbm>> -> memref<128x64xf32, #tpu.memory_space<hbm>>
      %dma_wait3A_170 = arith.constant 0 : i32
      %dma_wait3A_171 = arith.constant 0 : i32
      %dma_wait3A_172 = tpu.memref_slice %arg11[%dma_wait3A_170, %dma_wait3A_171] : memref<128x64xf32, #tpu.memory_space<vmem>> -> memref<128x64xf32, #tpu.memory_space<vmem>>
      tpu.wait_dma2 semaphore(%run_scoped3A : memref<!tpu.dma_semaphore, #tpu.memory_space<semaphore_mem>>) src(%dma_wait3A_172 : memref<128x64xf32, #tpu.memory_space<vmem>>) dst(%dma_wait3A_169 : memref<128x64xf32, #tpu.memory_space<hbm>>)
      tpu.yield
    }) : () -> ()
    %add3A_138 = arith.constant 512 : i32
    %add3A_139 = arith.addi %mul3A_0, %add3A_138 : i32
    "tpu.region"() ({
      %run_scoped3A = tpu.sem_alloc : memref<!tpu.dma_semaphore, #tpu.memory_space<semaphore_mem>>
      %dma_start3A_149 = arith.constant 0 : i32
      %dma_start3A_150 = arith.constant 0 : i32
      %dma_start3A_151 = tpu.memref_slice %arg10[%dma_start3A_149, %dma_start3A_150] : memref<128x64xf32, #tpu.memory_space<vmem>> -> memref<120x64xf32, #tpu.memory_space<vmem>>
      %dma_start3A_152 = arith.constant 0 : i32
      %dma_start3A_153 = tpu.memref_slice %arg12[%add3A_139, %dma_start3A_152] : memref<10112x64xf32, #tpu.memory_space<vmem_shared>> -> memref<120x64xf32, #tpu.memory_space<vmem_shared>>
      %dma_start3A_154 = arith.constant 0 : i32
      %dma_start3A_155 = arith.constant 0 : i32
      %dma_start3A_156 = tpu.memref_slice %arg10[%dma_start3A_154, %dma_start3A_155] : memref<128x64xf32, #tpu.memory_space<vmem>> -> memref<120x64xf32, #tpu.memory_space<vmem>>
      %dma_start3A_157 = arith.constant 0 : i32
      %dma_start3A_158 = tpu.memref_slice %arg12[%add3A_139, %dma_start3A_157] : memref<10112x64xf32, #tpu.memory_space<vmem_shared>> -> memref<120x64xf32, #tpu.memory_space<vmem_shared>>
      tpu.enqueue_dma source(%dma_start3A_158 : memref<120x64xf32, #tpu.memory_space<vmem_shared>>) target(%dma_start3A_156 : memref<120x64xf32, #tpu.memory_space<vmem>>) target_semaphore(%run_scoped3A : memref<!tpu.dma_semaphore, #tpu.memory_space<semaphore_mem>>)
      %dma_wait3A_159 = arith.constant 0 : i32
      %dma_wait3A_160 = arith.constant 0 : i32
      %dma_wait3A_161 = tpu.memref_slice %arg10[%dma_wait3A_159, %dma_wait3A_160] : memref<128x64xf32, #tpu.memory_space<vmem>> -> memref<120x64xf32, #tpu.memory_space<vmem>>
      %dma_wait3A_162 = arith.constant 0 : i32
      %dma_wait3A_163 = tpu.memref_slice %arg12[%add3A_139, %dma_wait3A_162] : memref<10112x64xf32, #tpu.memory_space<vmem_shared>> -> memref<120x64xf32, #tpu.memory_space<vmem_shared>>
      %dma_wait3A_164 = arith.constant 0 : i32
      %dma_wait3A_165 = arith.constant 0 : i32
      %dma_wait3A_166 = tpu.memref_slice %arg10[%dma_wait3A_164, %dma_wait3A_165] : memref<128x64xf32, #tpu.memory_space<vmem>> -> memref<120x64xf32, #tpu.memory_space<vmem>>
      %dma_wait3A_167 = arith.constant 0 : i32
      %dma_wait3A_168 = tpu.memref_slice %arg12[%add3A_139, %dma_wait3A_167] : memref<10112x64xf32, #tpu.memory_space<vmem_shared>> -> memref<120x64xf32, #tpu.memory_space<vmem_shared>>
      tpu.wait_dma2 semaphore(%run_scoped3A : memref<!tpu.dma_semaphore, #tpu.memory_space<semaphore_mem>>) src(%dma_wait3A_168 : memref<120x64xf32, #tpu.memory_space<vmem_shared>>) dst(%dma_wait3A_166 : memref<120x64xf32, #tpu.memory_space<vmem>>)
      tpu.yield
    }) : () -> ()
    %scan3A_140 = arith.constant 0 : i32
    %scan3A_141 = arith.constant 0 : i32
    %scan3A_142 = arith.constant 120 : i32
    %scan3A_143 = arith.addi %scan3A_141, %scan3A_142 : i32
    %scan3A_144 = arith.constant 1 : i32
    %scan3A_145 = scf.for %scan3A_149 = %scan3A_141 to %scan3A_143 step %scan3A_144 iter_args(%scan3A_150 = %scan3A_140) -> (i32)  : i32 {
      %add3A_151 = arith.constant 512 : i32
      %add3A_152 = arith.addi %add3A_151, %scan3A_149 : i32
      %get3A = arith.index_cast %add3A_152 : i32 to index
      %get3A_153 = tpu.vector_load %arg9[%get3A] {strides = array<i32>} : memref<648xf32, #tpu.memory_space<vmem>>, vector<16xf32>,
      %get3A_154 = vector.shape_cast %get3A_153 : vector<16xf32> to vector<16xf32>
      %slice3A = vector.extract_strided_slice %get3A_154 {offsets = [0], sizes = [1], strides = [1]} : vector<16xf32> to vector<1xf32>
      %squeeze3A = vector.extract %slice3A[0] : f32 from vector<1xf32>
      %broadcast_in_dim3A = vector.broadcast %squeeze3A : f32 to vector<16xf32>
      %get3A_155 = arith.index_cast %scan3A_149 : i32 to index
      %get3A_156 = arith.constant 0 : index
      %get3A_157 = tpu.vector_load %arg10[%get3A_155, %get3A_156] {strides = array<i32>} : memref<128x64xf32, #tpu.memory_space<vmem>>, vector<1x16xf32>,
      %get3A_158 = vector.shape_cast %get3A_157 : vector<1x16xf32> to vector<16xf32>
      %mul3A_159 = arith.mulf %get3A_158, %broadcast_in_dim3A : vector<16xf32>
      %swap3A = arith.index_cast %scan3A_149 : i32 to index
      %swap3A_160 = arith.constant 0 : index
      %swap3A_161 = tpu.vector_load %arg10[%swap3A, %swap3A_160] {strides = array<i32>} : memref<128x64xf32, #tpu.memory_space<vmem>>, vector<1x16xf32>,
      %swap3A_162 = vector.shape_cast %swap3A_161 : vector<1x16xf32> to vector<16xf32>
      %swap3A_163 = vector.shape_cast %mul3A_159 : vector<16xf32> to vector<1x16xf32>
      tpu.vector_store %arg10[%swap3A, %swap3A_160], %swap3A_163 {strides = array<i32>} : memref<128x64xf32, #tpu.memory_space<vmem>>, vector<1x16xf32>,
      %get3A_164 = arith.index_cast %scan3A_149 : i32 to index
      %get3A_165 = arith.constant 16 : index
      %get3A_166 = tpu.vector_load %arg10[%get3A_164, %get3A_165] {strides = array<i32>} : memref<128x64xf32, #tpu.memory_space<vmem>>, vector<1x16xf32>,
      %get3A_167 = vector.shape_cast %get3A_166 : vector<1x16xf32> to vector<16xf32>
      %mul3A_168 = arith.mulf %get3A_167, %broadcast_in_dim3A : vector<16xf32>
      %swap3A_169 = arith.index_cast %scan3A_149 : i32 to index
      %swap3A_170 = arith.constant 16 : index
      %swap3A_171 = tpu.vector_load %arg10[%swap3A_169, %swap3A_170] {strides = array<i32>} : memref<128x64xf32, #tpu.memory_space<vmem>>, vector<1x16xf32>,
      %swap3A_172 = vector.shape_cast %swap3A_171 : vector<1x16xf32> to vector<16xf32>
      %swap3A_173 = vector.shape_cast %mul3A_168 : vector<16xf32> to vector<1x16xf32>
      tpu.vector_store %arg10[%swap3A_169, %swap3A_170], %swap3A_173 {strides = array<i32>} : memref<128x64xf32, #tpu.memory_space<vmem>>, vector<1x16xf32>,
      %get3A_174 = arith.index_cast %scan3A_149 : i32 to index
      %get3A_175 = arith.constant 32 : index
      %get3A_176 = tpu.vector_load %arg10[%get3A_174, %get3A_175] {strides = array<i32>} : memref<128x64xf32, #tpu.memory_space<vmem>>, vector<1x16xf32>,
      %get3A_177 = vector.shape_cast %get3A_176 : vector<1x16xf32> to vector<16xf32>
      %mul3A_178 = arith.mulf %get3A_177, %broadcast_in_dim3A : vector<16xf32>
      %swap3A_179 = arith.index_cast %scan3A_149 : i32 to index
      %swap3A_180 = arith.constant 32 : index
      %swap3A_181 = tpu.vector_load %arg10[%swap3A_179, %swap3A_180] {strides = array<i32>} : memref<128x64xf32, #tpu.memory_space<vmem>>, vector<1x16xf32>,
      %swap3A_182 = vector.shape_cast %swap3A_181 : vector<1x16xf32> to vector<16xf32>
      %swap3A_183 = vector.shape_cast %mul3A_178 : vector<16xf32> to vector<1x16xf32>
      tpu.vector_store %arg10[%swap3A_179, %swap3A_180], %swap3A_183 {strides = array<i32>} : memref<128x64xf32, #tpu.memory_space<vmem>>, vector<1x16xf32>,
      %get3A_184 = arith.index_cast %scan3A_149 : i32 to index
      %get3A_185 = arith.constant 48 : index
      %get3A_186 = tpu.vector_load %arg10[%get3A_184, %get3A_185] {strides = array<i32>} : memref<128x64xf32, #tpu.memory_space<vmem>>, vector<1x16xf32>,
      %get3A_187 = vector.shape_cast %get3A_186 : vector<1x16xf32> to vector<16xf32>
      %mul3A_188 = arith.mulf %get3A_187, %broadcast_in_dim3A : vector<16xf32>
      %swap3A_189 = arith.index_cast %scan3A_149 : i32 to index
      %swap3A_190 = arith.constant 48 : index
      %swap3A_191 = tpu.vector_load %arg10[%swap3A_189, %swap3A_190] {strides = array<i32>} : memref<128x64xf32, #tpu.memory_space<vmem>>, vector<1x16xf32>,
      %swap3A_192 = vector.shape_cast %swap3A_191 : vector<1x16xf32> to vector<16xf32>
      %swap3A_193 = vector.shape_cast %mul3A_188 : vector<16xf32> to vector<1x16xf32>
      tpu.vector_store %arg10[%swap3A_189, %swap3A_190], %swap3A_193 {strides = array<i32>} : memref<128x64xf32, #tpu.memory_space<vmem>>, vector<1x16xf32>,
      %scan3A_194 = arith.constant 0 : i32
      scf.yield %scan3A_194 : i32
    }
    %scan3A_146 = arith.constant 120 : i32
    %add3A_147 = arith.constant 512 : i32
    %add3A_148 = arith.addi %mul3A_0, %add3A_147 : i32
    "tpu.region"() ({
      %run_scoped3A = tpu.sem_alloc : memref<!tpu.dma_semaphore, #tpu.memory_space<semaphore_mem>>
      %dma_start3A_149 = arith.constant 0 : i32
      %dma_start3A_150 = arith.constant 0 : i32
      %dma_start3A_151 = tpu.memref_slice %arg10[%dma_start3A_149, %dma_start3A_150] : memref<128x64xf32, #tpu.memory_space<vmem>> -> memref<120x64xf32, #tpu.memory_space<vmem>>
      %dma_start3A_152 = arith.constant 0 : i32
      %dma_start3A_153 = tpu.memref_slice %arg6[%arg0, %add3A_148, %dma_start3A_152] : memref<2x10112x64xf32, #tpu.memory_space<hbm>> -> memref<1x120x64xf32, #tpu.memory_space<hbm>>
      %dma_start3A_154 = tpu.memref_squeeze %dma_start3A_153 : memref<1x120x64xf32, #tpu.memory_space<hbm>> -> memref<120x64xf32, #tpu.memory_space<hbm>>
      %dma_start3A_155 = arith.constant 0 : i32
      %dma_start3A_156 = tpu.memref_slice %arg6[%arg0, %add3A_148, %dma_start3A_155] : memref<2x10112x64xf32, #tpu.memory_space<hbm>> -> memref<1x120x64xf32, #tpu.memory_space<hbm>>
      %dma_start3A_157 = tpu.memref_squeeze %dma_start3A_156 : memref<1x120x64xf32, #tpu.memory_space<hbm>> -> memref<120x64xf32, #tpu.memory_space<hbm>>
      %dma_start3A_158 = arith.constant 0 : i32
      %dma_start3A_159 = arith.constant 0 : i32
      %dma_start3A_160 = tpu.memref_slice %arg10[%dma_start3A_158, %dma_start3A_159] : memref<128x64xf32, #tpu.memory_space<vmem>> -> memref<120x64xf32, #tpu.memory_space<vmem>>
      tpu.enqueue_dma source(%dma_start3A_160 : memref<120x64xf32, #tpu.memory_space<vmem>>) target(%dma_start3A_157 : memref<120x64xf32, #tpu.memory_space<hbm>>) target_semaphore(%run_scoped3A : memref<!tpu.dma_semaphore, #tpu.memory_space<semaphore_mem>>)
      %dma_wait3A_161 = arith.constant 0 : i32
      %dma_wait3A_162 = arith.constant 0 : i32
      %dma_wait3A_163 = tpu.memref_slice %arg10[%dma_wait3A_161, %dma_wait3A_162] : memref<128x64xf32, #tpu.memory_space<vmem>> -> memref<120x64xf32, #tpu.memory_space<vmem>>
      %dma_wait3A_164 = arith.constant 0 : i32
      %dma_wait3A_165 = tpu.memref_slice %arg6[%arg0, %add3A_148, %dma_wait3A_164] : memref<2x10112x64xf32, #tpu.memory_space<hbm>> -> memref<1x120x64xf32, #tpu.memory_space<hbm>>
      %dma_wait3A_166 = tpu.memref_squeeze %dma_wait3A_165 : memref<1x120x64xf32, #tpu.memory_space<hbm>> -> memref<120x64xf32, #tpu.memory_space<hbm>>
      %dma_wait3A_167 = arith.constant 0 : i32
      %dma_wait3A_168 = tpu.memref_slice %arg6[%arg0, %add3A_148, %dma_wait3A_167] : memref<2x10112x64xf32, #tpu.memory_space<hbm>> -> memref<1x120x64xf32, #tpu.memory_space<hbm>>
      %dma_wait3A_169 = tpu.memref_squeeze %dma_wait3A_168 : memref<1x120x64xf32, #tpu.memory_space<hbm>> -> memref<120x64xf32, #tpu.memory_space<hbm>>
      %dma_wait3A_170 = arith.constant 0 : i32
      %dma_wait3A_171 = arith.constant 0 : i32
      %dma_wait3A_172 = tpu.memref_slice %arg10[%dma_wait3A_170, %dma_wait3A_171] : memref<128x64xf32, #tpu.memory_space<vmem>> -> memref<120x64xf32, #tpu.memory_space<vmem>>
      tpu.wait_dma2 semaphore(%run_scoped3A : memref<!tpu.dma_semaphore, #tpu.memory_space<semaphore_mem>>) src(%dma_wait3A_172 : memref<120x64xf32, #tpu.memory_space<vmem>>) dst(%dma_wait3A_169 : memref<120x64xf32, #tpu.memory_space<hbm>>)
      tpu.yield
    }) : () -> ()
    return
  }
}

#map = affine_map<(d0, d1) -> (0, 0, 0, 0)>
#map1 = affine_map<(d0, d1) -> (0, 0)>
module attributes {stable_mosaic.version = 14 : i64} {
  func.func @_deg_body(%arg0: i32, %arg1: i32, %arg2: memref<2x16x80x128xi32, #tpu.memory_space<hbm>>, %arg3: memref<2x10240xf32, #tpu.memory_space<hbm>>, %arg4: memref<80x128xi32, #tpu.memory_space<vmem>>, %arg5: memref<128xf32, #tpu.memory_space<vmem>>, %arg6: memref<640xf32, #tpu.memory_space<vmem>>, %arg7: memref<10240xf32, #tpu.memory_space<vmem_shared>>) attributes {dimension_semantics = [#tpu.dimension_semantics<core_parallel>, #tpu.dimension_semantics<subcore_parallel>], iteration_bounds = array<i64: 2, 16>, scalar_prefetch = 0 : i64, scratch_operands = 4 : i64, tpu.core_type = #tpu.core_type<sc_vector_subcore>, window_params = [{transform_indices = #map}, {transform_indices = #map1}]} {
    "tpu.region"() ({
      %run_scoped3A = tpu.sem_alloc : memref<!tpu.dma_semaphore, #tpu.memory_space<semaphore_mem>>
      %dma_start3A = arith.constant 0 : i32
      %dma_start3A_24 = arith.constant 0 : i32
      %dma_start3A_25 = tpu.memref_slice %arg2[%arg0, %arg1, %dma_start3A, %dma_start3A_24] : memref<2x16x80x128xi32, #tpu.memory_space<hbm>> -> memref<1x1x80x128xi32, #tpu.memory_space<hbm>>
      %dma_start3A_26 = tpu.memref_squeeze %dma_start3A_25 : memref<1x1x80x128xi32, #tpu.memory_space<hbm>> -> memref<80x128xi32, #tpu.memory_space<hbm>>
      %dma_start3A_27 = arith.constant 0 : i32
      %dma_start3A_28 = arith.constant 0 : i32
      %dma_start3A_29 = tpu.memref_slice %arg2[%arg0, %arg1, %dma_start3A_27, %dma_start3A_28] : memref<2x16x80x128xi32, #tpu.memory_space<hbm>> -> memref<1x1x80x128xi32, #tpu.memory_space<hbm>>
      %dma_start3A_30 = tpu.memref_squeeze %dma_start3A_29 : memref<1x1x80x128xi32, #tpu.memory_space<hbm>> -> memref<80x128xi32, #tpu.memory_space<hbm>>
      tpu.enqueue_dma source(%dma_start3A_30 : memref<80x128xi32, #tpu.memory_space<hbm>>) target(%arg4 : memref<80x128xi32, #tpu.memory_space<vmem>>) target_semaphore(%run_scoped3A : memref<!tpu.dma_semaphore, #tpu.memory_space<semaphore_mem>>)
      %dma_wait3A = arith.constant 0 : i32
      %dma_wait3A_31 = arith.constant 0 : i32
      %dma_wait3A_32 = tpu.memref_slice %arg2[%arg0, %arg1, %dma_wait3A, %dma_wait3A_31] : memref<2x16x80x128xi32, #tpu.memory_space<hbm>> -> memref<1x1x80x128xi32, #tpu.memory_space<hbm>>
      %dma_wait3A_33 = tpu.memref_squeeze %dma_wait3A_32 : memref<1x1x80x128xi32, #tpu.memory_space<hbm>> -> memref<80x128xi32, #tpu.memory_space<hbm>>
      %dma_wait3A_34 = arith.constant 0 : i32
      %dma_wait3A_35 = arith.constant 0 : i32
      %dma_wait3A_36 = tpu.memref_slice %arg2[%arg0, %arg1, %dma_wait3A_34, %dma_wait3A_35] : memref<2x16x80x128xi32, #tpu.memory_space<hbm>> -> memref<1x1x80x128xi32, #tpu.memory_space<hbm>>
      %dma_wait3A_37 = tpu.memref_squeeze %dma_wait3A_36 : memref<1x1x80x128xi32, #tpu.memory_space<hbm>> -> memref<80x128xi32, #tpu.memory_space<hbm>>
      tpu.wait_dma2 semaphore(%run_scoped3A : memref<!tpu.dma_semaphore, #tpu.memory_space<semaphore_mem>>) src(%dma_wait3A_37 : memref<80x128xi32, #tpu.memory_space<hbm>>) dst(%arg4 : memref<80x128xi32, #tpu.memory_space<vmem>>)
      tpu.yield
    }) : () -> ()
    %scan3A = arith.constant 0 : i32
    %scan3A_0 = arith.constant 0 : i32
    %scan3A_1 = arith.constant 40 : i32
    %scan3A_2 = arith.addi %scan3A_0, %scan3A_1 : i32
    %scan3A_3 = arith.constant 1 : i32
    %scan3A_4 = scf.for %scan3A_24 = %scan3A_0 to %scan3A_2 step %scan3A_3 iter_args(%scan3A_25 = %scan3A) -> (i32)  : i32 {
      %broadcast_in_dim3A = arith.constant 0.000000e+00 : f32
      %broadcast_in_dim3A_26 = vector.broadcast %broadcast_in_dim3A : f32 to vector<16xf32>
      %mul3A_27 = arith.constant 16 : i32
      %mul3A_28 = arith.muli %scan3A_24, %mul3A_27 : i32
      %swap3A = arith.index_cast %mul3A_28 : i32 to index
      %swap3A_29 = tpu.vector_load %arg6[%swap3A] {strides = array<i32>} : memref<640xf32, #tpu.memory_space<vmem>>, vector<16xf32>,
      %swap3A_30 = vector.shape_cast %swap3A_29 : vector<16xf32> to vector<16xf32>
      %swap3A_31 = vector.shape_cast %broadcast_in_dim3A_26 : vector<16xf32> to vector<16xf32>
      tpu.vector_store %arg6[%swap3A], %swap3A_31 {strides = array<i32>} : memref<640xf32, #tpu.memory_space<vmem>>, vector<16xf32>,
      %scan3A_32 = arith.constant 0 : i32
      scf.yield %scan3A_32 : i32
    }
    %scan3A_5 = arith.constant 40 : i32
    %scan3A_6 = arith.constant 0 : i32
    %scan3A_7 = arith.constant 0 : i32
    %scan3A_8 = arith.constant 8 : i32
    %scan3A_9 = arith.addi %scan3A_7, %scan3A_8 : i32
    %scan3A_10 = arith.constant 1 : i32
    %scan3A_11 = scf.for %scan3A_24 = %scan3A_7 to %scan3A_9 step %scan3A_10 iter_args(%scan3A_25 = %scan3A_6) -> (i32)  : i32 {
      %broadcast_in_dim3A = arith.constant 1.000000e+00 : f32
      %broadcast_in_dim3A_26 = vector.broadcast %broadcast_in_dim3A : f32 to vector<16xf32>
      %mul3A_27 = arith.constant 16 : i32
      %mul3A_28 = arith.muli %scan3A_24, %mul3A_27 : i32
      %swap3A = arith.index_cast %mul3A_28 : i32 to index
      %swap3A_29 = tpu.vector_load %arg5[%swap3A] {strides = array<i32>} : memref<128xf32, #tpu.memory_space<vmem>>, vector<16xf32>,
      %swap3A_30 = vector.shape_cast %swap3A_29 : vector<16xf32> to vector<16xf32>
      %swap3A_31 = vector.shape_cast %broadcast_in_dim3A_26 : vector<16xf32> to vector<16xf32>
      tpu.vector_store %arg5[%swap3A], %swap3A_31 {strides = array<i32>} : memref<128xf32, #tpu.memory_space<vmem>>, vector<16xf32>,
      %scan3A_32 = arith.constant 0 : i32
      scf.yield %scan3A_32 : i32
    }
    %scan3A_12 = arith.constant 8 : i32
    %mul3A = arith.constant 640 : i32
    %mul3A_13 = arith.muli %arg1, %mul3A : i32
    "tpu.region"() ({
      %run_scoped3A = tpu.sem_alloc : memref<!tpu.dma_semaphore, #tpu.memory_space<semaphore_mem>>
      %dma_start3A = tpu.memref_slice %arg7[%mul3A_13] : memref<10240xf32, #tpu.memory_space<vmem_shared>> -> memref<640xf32, #tpu.memory_space<vmem_shared>>
      %dma_start3A_24 = tpu.memref_slice %arg7[%mul3A_13] : memref<10240xf32, #tpu.memory_space<vmem_shared>> -> memref<640xf32, #tpu.memory_space<vmem_shared>>
      tpu.enqueue_dma source(%arg6 : memref<640xf32, #tpu.memory_space<vmem>>) target(%dma_start3A_24 : memref<640xf32, #tpu.memory_space<vmem_shared>>) target_semaphore(%run_scoped3A : memref<!tpu.dma_semaphore, #tpu.memory_space<semaphore_mem>>)
      %dma_wait3A = tpu.memref_slice %arg7[%mul3A_13] : memref<10240xf32, #tpu.memory_space<vmem_shared>> -> memref<640xf32, #tpu.memory_space<vmem_shared>>
      %dma_wait3A_25 = tpu.memref_slice %arg7[%mul3A_13] : memref<10240xf32, #tpu.memory_space<vmem_shared>> -> memref<640xf32, #tpu.memory_space<vmem_shared>>
      tpu.wait_dma2 semaphore(%run_scoped3A : memref<!tpu.dma_semaphore, #tpu.memory_space<semaphore_mem>>) src(%arg6 : memref<640xf32, #tpu.memory_space<vmem>>) dst(%dma_wait3A_25 : memref<640xf32, #tpu.memory_space<vmem_shared>>)
      tpu.yield
    }) : () -> ()
    %barrier3A = arith.constant 0 : index
    tpu.barrier barrier_id(%barrier3A)
    %scan3A_14 = arith.constant 0 : i32
    %scan3A_15 = arith.constant 0 : i32
    %scan3A_16 = arith.constant 80 : i32
    %scan3A_17 = arith.addi %scan3A_15, %scan3A_16 : i32
    %scan3A_18 = arith.constant 1 : i32
    %scan3A_19 = scf.for %scan3A_24 = %scan3A_15 to %scan3A_17 step %scan3A_18 iter_args(%scan3A_25 = %scan3A_14) -> (i32)  : i32 {
      "tpu.region"() ({
        %run_scoped3A = tpu.sem_alloc : memref<!tpu.dma_semaphore, #tpu.memory_space<semaphore_mem>>
        %dma_start3A = arith.constant 0 : i32
        %dma_start3A_27 = tpu.memref_slice %arg4[%scan3A_24, %dma_start3A] : memref<80x128xi32, #tpu.memory_space<vmem>> -> memref<1x128xi32, #tpu.memory_space<vmem>>
        %dma_start3A_28 = tpu.memref_squeeze %dma_start3A_27 : memref<1x128xi32, #tpu.memory_space<vmem>> -> memref<128xi32, #tpu.memory_space<vmem>>
        %dma_start3A_29 = arith.constant 0 : i32
        %dma_start3A_30 = tpu.memref_slice %arg7[%dma_start3A_29] : memref<10240xf32, #tpu.memory_space<vmem_shared>> -> memref<10240xf32, #tpu.memory_space<vmem_shared>>
        tpu.enqueue_indirect_dma source(%arg5 : memref<128xf32, #tpu.memory_space<vmem>>) target(%dma_start3A_30 : memref<10240xf32, #tpu.memory_space<vmem_shared>>) offsets(%dma_start3A_28 : memref<128xi32, #tpu.memory_space<vmem>>) semaphore(%run_scoped3A : memref<!tpu.dma_semaphore, #tpu.memory_space<semaphore_mem>>) {add = true}
        %dma_wait3A = arith.constant 0 : i32
        %dma_wait3A_31 = tpu.memref_slice %arg4[%scan3A_24, %dma_wait3A] : memref<80x128xi32, #tpu.memory_space<vmem>> -> memref<1x128xi32, #tpu.memory_space<vmem>>
        %dma_wait3A_32 = tpu.memref_squeeze %dma_wait3A_31 : memref<1x128xi32, #tpu.memory_space<vmem>> -> memref<128xi32, #tpu.memory_space<vmem>>
        %dma_wait3A_33 = arith.constant 0 : i32
        %dma_wait3A_34 = tpu.memref_slice %arg7[%dma_wait3A_33] : memref<10240xf32, #tpu.memory_space<vmem_shared>> -> memref<10240xf32, #tpu.memory_space<vmem_shared>>
        tpu.wait_indirect_dma semaphore(%run_scoped3A : memref<!tpu.dma_semaphore, #tpu.memory_space<semaphore_mem>>) src(%arg5 : memref<128xf32, #tpu.memory_space<vmem>>) dst(%dma_wait3A_34 : memref<10240xf32, #tpu.memory_space<vmem_shared>>)
        tpu.yield
      }) : () -> ()
      %scan3A_26 = arith.constant 0 : i32
      scf.yield %scan3A_26 : i32
    }
    %scan3A_20 = arith.constant 80 : i32
    %barrier3A_21 = arith.constant 0 : index
    tpu.barrier barrier_id(%barrier3A_21)
    %mul3A_22 = arith.constant 640 : i32
    %mul3A_23 = arith.muli %arg1, %mul3A_22 : i32
    "tpu.region"() ({
      %run_scoped3A = tpu.sem_alloc : memref<!tpu.dma_semaphore, #tpu.memory_space<semaphore_mem>>
      %dma_start3A = tpu.memref_slice %arg7[%mul3A_23] : memref<10240xf32, #tpu.memory_space<vmem_shared>> -> memref<640xf32, #tpu.memory_space<vmem_shared>>
      %dma_start3A_24 = tpu.memref_slice %arg7[%mul3A_23] : memref<10240xf32, #tpu.memory_space<vmem_shared>> -> memref<640xf32, #tpu.memory_space<vmem_shared>>
      tpu.enqueue_dma source(%dma_start3A_24 : memref<640xf32, #tpu.memory_space<vmem_shared>>) target(%arg6 : memref<640xf32, #tpu.memory_space<vmem>>) target_semaphore(%run_scoped3A : memref<!tpu.dma_semaphore, #tpu.memory_space<semaphore_mem>>)
      %dma_wait3A = tpu.memref_slice %arg7[%mul3A_23] : memref<10240xf32, #tpu.memory_space<vmem_shared>> -> memref<640xf32, #tpu.memory_space<vmem_shared>>
      %dma_wait3A_25 = tpu.memref_slice %arg7[%mul3A_23] : memref<10240xf32, #tpu.memory_space<vmem_shared>> -> memref<640xf32, #tpu.memory_space<vmem_shared>>
      tpu.wait_dma2 semaphore(%run_scoped3A : memref<!tpu.dma_semaphore, #tpu.memory_space<semaphore_mem>>) src(%dma_wait3A_25 : memref<640xf32, #tpu.memory_space<vmem_shared>>) dst(%arg6 : memref<640xf32, #tpu.memory_space<vmem>>)
      tpu.yield
    }) : () -> ()
    "tpu.region"() ({
      %run_scoped3A = tpu.sem_alloc : memref<!tpu.dma_semaphore, #tpu.memory_space<semaphore_mem>>
      %dma_start3A = tpu.memref_slice %arg3[%arg0, %mul3A_23] : memref<2x10240xf32, #tpu.memory_space<hbm>> -> memref<1x640xf32, #tpu.memory_space<hbm>>
      %dma_start3A_24 = tpu.memref_squeeze %dma_start3A : memref<1x640xf32, #tpu.memory_space<hbm>> -> memref<640xf32, #tpu.memory_space<hbm>>
      %dma_start3A_25 = tpu.memref_slice %arg3[%arg0, %mul3A_23] : memref<2x10240xf32, #tpu.memory_space<hbm>> -> memref<1x640xf32, #tpu.memory_space<hbm>>
      %dma_start3A_26 = tpu.memref_squeeze %dma_start3A_25 : memref<1x640xf32, #tpu.memory_space<hbm>> -> memref<640xf32, #tpu.memory_space<hbm>>
      tpu.enqueue_dma source(%arg6 : memref<640xf32, #tpu.memory_space<vmem>>) target(%dma_start3A_26 : memref<640xf32, #tpu.memory_space<hbm>>) target_semaphore(%run_scoped3A : memref<!tpu.dma_semaphore, #tpu.memory_space<semaphore_mem>>)
      %dma_wait3A = tpu.memref_slice %arg3[%arg0, %mul3A_23] : memref<2x10240xf32, #tpu.memory_space<hbm>> -> memref<1x640xf32, #tpu.memory_space<hbm>>
      %dma_wait3A_27 = tpu.memref_squeeze %dma_wait3A : memref<1x640xf32, #tpu.memory_space<hbm>> -> memref<640xf32, #tpu.memory_space<hbm>>
      %dma_wait3A_28 = tpu.memref_slice %arg3[%arg0, %mul3A_23] : memref<2x10240xf32, #tpu.memory_space<hbm>> -> memref<1x640xf32, #tpu.memory_space<hbm>>
      %dma_wait3A_29 = tpu.memref_squeeze %dma_wait3A_28 : memref<1x640xf32, #tpu.memory_space<hbm>> -> memref<640xf32, #tpu.memory_space<hbm>>
      tpu.wait_dma2 semaphore(%run_scoped3A : memref<!tpu.dma_semaphore, #tpu.memory_space<semaphore_mem>>) src(%arg6 : memref<640xf32, #tpu.memory_space<vmem>>) dst(%dma_wait3A_29 : memref<640xf32, #tpu.memory_space<hbm>>)
      tpu.yield
    }) : () -> ()
    return
  }
}

#map = affine_map<(d0, d1) -> (0, 0, 0)>
#map1 = affine_map<(d0, d1) -> (0)>
module attributes {stable_mosaic.version = 14 : i64} {
  func.func @_hop_body(%arg0: i32, %arg1: i32, %arg2: memref<2x10000x64xf32, #tpu.memory_space<hbm>>, %arg3: memref<10112xf32, #tpu.memory_space<hbm>>, %arg4: memref<16x158x128xi32, #tpu.memory_space<hbm>>, %arg5: memref<16x158x128xi32, #tpu.memory_space<hbm>>, %arg6: memref<2x10112x64xf32, #tpu.memory_space<hbm>>, %arg7: memref<158x128xi32, #tpu.memory_space<vmem>>, %arg8: memref<158x128xi32, #tpu.memory_space<vmem>>, %arg9: memref<648xf32, #tpu.memory_space<vmem>>, %arg10: memref<128x64xf32, #tpu.memory_space<vmem>>, %arg11: memref<128x64xf32, #tpu.memory_space<vmem>>, %arg12: memref<10112x64xf32, #tpu.memory_space<vmem_shared>>, %arg13: memref<!tpu.dma_semaphore, #tpu.memory_space<semaphore_mem>>, %arg14: memref<!tpu.dma_semaphore, #tpu.memory_space<semaphore_mem>>) attributes {dimension_semantics = [#tpu.dimension_semantics<core_parallel>, #tpu.dimension_semantics<subcore_parallel>], iteration_bounds = array<i64: 2, 16>, scalar_prefetch = 0 : i64, scratch_operands = 8 : i64, tpu.core_type = #tpu.core_type<sc_vector_subcore>, window_params = [{transform_indices = #map}, {transform_indices = #map1}, {transform_indices = #map}, {transform_indices = #map}, {transform_indices = #map}]} {
    "tpu.region"() ({
      %run_scoped3A = tpu.sem_alloc : memref<!tpu.dma_semaphore, #tpu.memory_space<semaphore_mem>>
      %dma_start3A_149 = arith.constant 0 : i32
      %dma_start3A_150 = arith.constant 0 : i32
      %dma_start3A_151 = tpu.memref_slice %arg4[%arg1, %dma_start3A_149, %dma_start3A_150] : memref<16x158x128xi32, #tpu.memory_space<hbm>> -> memref<1x158x128xi32, #tpu.memory_space<hbm>>
      %dma_start3A_152 = tpu.memref_squeeze %dma_start3A_151 : memref<1x158x128xi32, #tpu.memory_space<hbm>> -> memref<158x128xi32, #tpu.memory_space<hbm>>
      %dma_start3A_153 = arith.constant 0 : i32
      %dma_start3A_154 = arith.constant 0 : i32
      %dma_start3A_155 = tpu.memref_slice %arg4[%arg1, %dma_start3A_153, %dma_start3A_154] : memref<16x158x128xi32, #tpu.memory_space<hbm>> -> memref<1x158x128xi32, #tpu.memory_space<hbm>>
      %dma_start3A_156 = tpu.memref_squeeze %dma_start3A_155 : memref<1x158x128xi32, #tpu.memory_space<hbm>> -> memref<158x128xi32, #tpu.memory_space<hbm>>
      tpu.enqueue_dma source(%dma_start3A_156 : memref<158x128xi32, #tpu.memory_space<hbm>>) target(%arg7 : memref<158x128xi32, #tpu.memory_space<vmem>>) target_semaphore(%run_scoped3A : memref<!tpu.dma_semaphore, #tpu.memory_space<semaphore_mem>>)
      %dma_wait3A_157 = arith.constant 0 : i32
      %dma_wait3A_158 = arith.constant 0 : i32
      %dma_wait3A_159 = tpu.memref_slice %arg4[%arg1, %dma_wait3A_157, %dma_wait3A_158] : memref<16x158x128xi32, #tpu.memory_space<hbm>> -> memref<1x158x128xi32, #tpu.memory_space<hbm>>
      %dma_wait3A_160 = tpu.memref_squeeze %dma_wait3A_159 : memref<1x158x128xi32, #tpu.memory_space<hbm>> -> memref<158x128xi32, #tpu.memory_space<hbm>>
      %dma_wait3A_161 = arith.constant 0 : i32
      %dma_wait3A_162 = arith.constant 0 : i32
      %dma_wait3A_163 = tpu.memref_slice %arg4[%arg1, %dma_wait3A_161, %dma_wait3A_162] : memref<16x158x128xi32, #tpu.memory_space<hbm>> -> memref<1x158x128xi32, #tpu.memory_space<hbm>>
      %dma_wait3A_164 = tpu.memref_squeeze %dma_wait3A_163 : memref<1x158x128xi32, #tpu.memory_space<hbm>> -> memref<158x128xi32, #tpu.memory_space<hbm>>
      tpu.wait_dma2 semaphore(%run_scoped3A : memref<!tpu.dma_semaphore, #tpu.memory_space<semaphore_mem>>) src(%dma_wait3A_164 : memref<158x128xi32, #tpu.memory_space<hbm>>) dst(%arg7 : memref<158x128xi32, #tpu.memory_space<vmem>>)
      tpu.yield
    }) : () -> ()
    "tpu.region"() ({
      %run_scoped3A = tpu.sem_alloc : memref<!tpu.dma_semaphore, #tpu.memory_space<semaphore_mem>>
      %dma_start3A_149 = arith.constant 0 : i32
      %dma_start3A_150 = arith.constant 0 : i32
      %dma_start3A_151 = tpu.memref_slice %arg5[%arg1, %dma_start3A_149, %dma_start3A_150] : memref<16x158x128xi32, #tpu.memory_space<hbm>> -> memref<1x158x128xi32, #tpu.memory_space<hbm>>
      %dma_start3A_152 = tpu.memref_squeeze %dma_start3A_151 : memref<1x158x128xi32, #tpu.memory_space<hbm>> -> memref<158x128xi32, #tpu.memory_space<hbm>>
      %dma_start3A_153 = arith.constant 0 : i32
      %dma_start3A_154 = arith.constant 0 : i32
      %dma_start3A_155 = tpu.memref_slice %arg5[%arg1, %dma_start3A_153, %dma_start3A_154] : memref<16x158x128xi32, #tpu.memory_space<hbm>> -> memref<1x158x128xi32, #tpu.memory_space<hbm>>
      %dma_start3A_156 = tpu.memref_squeeze %dma_start3A_155 : memref<1x158x128xi32, #tpu.memory_space<hbm>> -> memref<158x128xi32, #tpu.memory_space<hbm>>
      tpu.enqueue_dma source(%dma_start3A_156 : memref<158x128xi32, #tpu.memory_space<hbm>>) target(%arg8 : memref<158x128xi32, #tpu.memory_space<vmem>>) target_semaphore(%run_scoped3A : memref<!tpu.dma_semaphore, #tpu.memory_space<semaphore_mem>>)
      %dma_wait3A_157 = arith.constant 0 : i32
      %dma_wait3A_158 = arith.constant 0 : i32
      %dma_wait3A_159 = tpu.memref_slice %arg5[%arg1, %dma_wait3A_157, %dma_wait3A_158] : memref<16x158x128xi32, #tpu.memory_space<hbm>> -> memref<1x158x128xi32, #tpu.memory_space<hbm>>
      %dma_wait3A_160 = tpu.memref_squeeze %dma_wait3A_159 : memref<1x158x128xi32, #tpu.memory_space<hbm>> -> memref<158x128xi32, #tpu.memory_space<hbm>>
      %dma_wait3A_161 = arith.constant 0 : i32
      %dma_wait3A_162 = arith.constant 0 : i32
      %dma_wait3A_163 = tpu.memref_slice %arg5[%arg1, %dma_wait3A_161, %dma_wait3A_162] : memref<16x158x128xi32, #tpu.memory_space<hbm>> -> memref<1x158x128xi32, #tpu.memory_space<hbm>>
      %dma_wait3A_164 = tpu.memref_squeeze %dma_wait3A_163 : memref<1x158x128xi32, #tpu.memory_space<hbm>> -> memref<158x128xi32, #tpu.memory_space<hbm>>
      tpu.wait_dma2 semaphore(%run_scoped3A : memref<!tpu.dma_semaphore, #tpu.memory_space<semaphore_mem>>) src(%dma_wait3A_164 : memref<158x128xi32, #tpu.memory_space<hbm>>) dst(%arg8 : memref<158x128xi32, #tpu.memory_space<vmem>>)
      tpu.yield
    }) : () -> ()
    %mul3A = arith.constant 632 : i32
    %mul3A_0 = arith.muli %arg1, %mul3A : i32
    "tpu.region"() ({
      %run_scoped3A = tpu.sem_alloc : memref<!tpu.dma_semaphore, #tpu.memory_space<semaphore_mem>>
      %dma_start3A_149 = arith.constant 0 : i32
      %dma_start3A_150 = tpu.memref_slice %arg9[%dma_start3A_149] : memref<648xf32, #tpu.memory_space<vmem>> -> memref<632xf32, #tpu.memory_space<vmem>>
      %dma_start3A_151 = tpu.memref_slice %arg3[%mul3A_0] : memref<10112xf32, #tpu.memory_space<hbm>> -> memref<632xf32, #tpu.memory_space<hbm>>
      %dma_start3A_152 = arith.constant 0 : i32
      %dma_start3A_153 = tpu.memref_slice %arg9[%dma_start3A_152] : memref<648xf32, #tpu.memory_space<vmem>> -> memref<632xf32, #tpu.memory_space<vmem>>
      %dma_start3A_154 = tpu.memref_slice %arg3[%mul3A_0] : memref<10112xf32, #tpu.memory_space<hbm>> -> memref<632xf32, #tpu.memory_space<hbm>>
      tpu.enqueue_dma source(%dma_start3A_154 : memref<632xf32, #tpu.memory_space<hbm>>) target(%dma_start3A_153 : memref<632xf32, #tpu.memory_space<vmem>>) target_semaphore(%run_scoped3A : memref<!tpu.dma_semaphore, #tpu.memory_space<semaphore_mem>>)
      %dma_wait3A_155 = arith.constant 0 : i32
      %dma_wait3A_156 = tpu.memref_slice %arg9[%dma_wait3A_155] : memref<648xf32, #tpu.memory_space<vmem>> -> memref<632xf32, #tpu.memory_space<vmem>>
      %dma_wait3A_157 = tpu.memref_slice %arg3[%mul3A_0] : memref<10112xf32, #tpu.memory_space<hbm>> -> memref<632xf32, #tpu.memory_space<hbm>>
      %dma_wait3A_158 = arith.constant 0 : i32
      %dma_wait3A_159 = tpu.memref_slice %arg9[%dma_wait3A_158] : memref<648xf32, #tpu.memory_space<vmem>> -> memref<632xf32, #tpu.memory_space<vmem>>
      %dma_wait3A_160 = tpu.memref_slice %arg3[%mul3A_0] : memref<10112xf32, #tpu.memory_space<hbm>> -> memref<632xf32, #tpu.memory_space<hbm>>
      tpu.wait_dma2 semaphore(%run_scoped3A : memref<!tpu.dma_semaphore, #tpu.memory_space<semaphore_mem>>) src(%dma_wait3A_160 : memref<632xf32, #tpu.memory_space<hbm>>) dst(%dma_wait3A_159 : memref<632xf32, #tpu.memory_space<vmem>>)
      tpu.yield
    }) : () -> ()
    %scan3A = arith.constant 0 : i32
    %scan3A_1 = arith.constant 0 : i32
    %scan3A_2 = arith.constant 128 : i32
    %scan3A_3 = arith.addi %scan3A_1, %scan3A_2 : i32
    %scan3A_4 = arith.constant 1 : i32
    %scan3A_5 = scf.for %scan3A_149 = %scan3A_1 to %scan3A_3 step %scan3A_4 iter_args(%scan3A_150 = %scan3A) -> (i32)  : i32 {
      %broadcast_in_dim3A = arith.constant 0.000000e+00 : f32
      %broadcast_in_dim3A_151 = vector.broadcast %broadcast_in_dim3A : f32 to vector<16xf32>
      %swap3A = arith.index_cast %scan3A_149 : i32 to index
      %swap3A_152 = arith.constant 0 : index
      %swap3A_153 = tpu.vector_load %arg10[%swap3A, %swap3A_152] {strides = array<i32>} : memref<128x64xf32, #tpu.memory_space<vmem>>, vector<1x16xf32>,
      %swap3A_154 = vector.shape_cast %swap3A_153 : vector<1x16xf32> to vector<16xf32>
      %swap3A_155 = vector.shape_cast %broadcast_in_dim3A_151 : vector<16xf32> to vector<1x16xf32>
      tpu.vector_store %arg10[%swap3A, %swap3A_152], %swap3A_155 {strides = array<i32>} : memref<128x64xf32, #tpu.memory_space<vmem>>, vector<1x16xf32>,
      %swap3A_156 = arith.index_cast %scan3A_149 : i32 to index
      %swap3A_157 = arith.constant 16 : index
      %swap3A_158 = tpu.vector_load %arg10[%swap3A_156, %swap3A_157] {strides = array<i32>} : memref<128x64xf32, #tpu.memory_space<vmem>>, vector<1x16xf32>,
      %swap3A_159 = vector.shape_cast %swap3A_158 : vector<1x16xf32> to vector<16xf32>
      %swap3A_160 = vector.shape_cast %broadcast_in_dim3A_151 : vector<16xf32> to vector<1x16xf32>
      tpu.vector_store %arg10[%swap3A_156, %swap3A_157], %swap3A_160 {strides = array<i32>} : memref<128x64xf32, #tpu.memory_space<vmem>>, vector<1x16xf32>,
      %swap3A_161 = arith.index_cast %scan3A_149 : i32 to index
      %swap3A_162 = arith.constant 32 : index
      %swap3A_163 = tpu.vector_load %arg10[%swap3A_161, %swap3A_162] {strides = array<i32>} : memref<128x64xf32, #tpu.memory_space<vmem>>, vector<1x16xf32>,
      %swap3A_164 = vector.shape_cast %swap3A_163 : vector<1x16xf32> to vector<16xf32>
      %swap3A_165 = vector.shape_cast %broadcast_in_dim3A_151 : vector<16xf32> to vector<1x16xf32>
      tpu.vector_store %arg10[%swap3A_161, %swap3A_162], %swap3A_165 {strides = array<i32>} : memref<128x64xf32, #tpu.memory_space<vmem>>, vector<1x16xf32>,
      %swap3A_166 = arith.index_cast %scan3A_149 : i32 to index
      %swap3A_167 = arith.constant 48 : index
      %swap3A_168 = tpu.vector_load %arg10[%swap3A_166, %swap3A_167] {strides = array<i32>} : memref<128x64xf32, #tpu.memory_space<vmem>>, vector<1x16xf32>,
      %swap3A_169 = vector.shape_cast %swap3A_168 : vector<1x16xf32> to vector<16xf32>
      %swap3A_170 = vector.shape_cast %broadcast_in_dim3A_151 : vector<16xf32> to vector<1x16xf32>
      tpu.vector_store %arg10[%swap3A_166, %swap3A_167], %swap3A_170 {strides = array<i32>} : memref<128x64xf32, #tpu.memory_space<vmem>>, vector<1x16xf32>,
      %scan3A_171 = arith.constant 0 : i32
      scf.yield %scan3A_171 : i32
    }
    %scan3A_6 = arith.constant 128 : i32
    %add3A = arith.constant 0 : i32
    %add3A_7 = arith.addi %mul3A_0, %add3A : i32
    "tpu.region"() ({
      %run_scoped3A = tpu.sem_alloc : memref<!tpu.dma_semaphore, #tpu.memory_space<semaphore_mem>>
      %dma_start3A_149 = arith.constant 0 : i32
      %dma_start3A_150 = tpu.memref_slice %arg12[%add3A_7, %dma_start3A_149] : memref<10112x64xf32, #tpu.memory_space<vmem_shared>> -> memref<128x64xf32, #tpu.memory_space<vmem_shared>>
      %dma_start3A_151 = arith.constant 0 : i32
      %dma_start3A_152 = tpu.memref_slice %arg12[%add3A_7, %dma_start3A_151] : memref<10112x64xf32, #tpu.memory_space<vmem_shared>> -> memref<128x64xf32, #tpu.memory_space<vmem_shared>>
      tpu.enqueue_dma source(%arg10 : memref<128x64xf32, #tpu.memory_space<vmem>>) target(%dma_start3A_152 : memref<128x64xf32, #tpu.memory_space<vmem_shared>>) target_semaphore(%run_scoped3A : memref<!tpu.dma_semaphore, #tpu.memory_space<semaphore_mem>>)
      %dma_wait3A_153 = arith.constant 0 : i32
      %dma_wait3A_154 = tpu.memref_slice %arg12[%add3A_7, %dma_wait3A_153] : memref<10112x64xf32, #tpu.memory_space<vmem_shared>> -> memref<128x64xf32, #tpu.memory_space<vmem_shared>>
      %dma_wait3A_155 = arith.constant 0 : i32
      %dma_wait3A_156 = tpu.memref_slice %arg12[%add3A_7, %dma_wait3A_155] : memref<10112x64xf32, #tpu.memory_space<vmem_shared>> -> memref<128x64xf32, #tpu.memory_space<vmem_shared>>
      tpu.wait_dma2 semaphore(%run_scoped3A : memref<!tpu.dma_semaphore, #tpu.memory_space<semaphore_mem>>) src(%arg10 : memref<128x64xf32, #tpu.memory_space<vmem>>) dst(%dma_wait3A_156 : memref<128x64xf32, #tpu.memory_space<vmem_shared>>)
      tpu.yield
    }) : () -> ()
    %add3A_8 = arith.constant 128 : i32
    %add3A_9 = arith.addi %mul3A_0, %add3A_8 : i32
    "tpu.region"() ({
      %run_scoped3A = tpu.sem_alloc : memref<!tpu.dma_semaphore, #tpu.memory_space<semaphore_mem>>
      %dma_start3A_149 = arith.constant 0 : i32
      %dma_start3A_150 = tpu.memref_slice %arg12[%add3A_9, %dma_start3A_149] : memref<10112x64xf32, #tpu.memory_space<vmem_shared>> -> memref<128x64xf32, #tpu.memory_space<vmem_shared>>
      %dma_start3A_151 = arith.constant 0 : i32
      %dma_start3A_152 = tpu.memref_slice %arg12[%add3A_9, %dma_start3A_151] : memref<10112x64xf32, #tpu.memory_space<vmem_shared>> -> memref<128x64xf32, #tpu.memory_space<vmem_shared>>
      tpu.enqueue_dma source(%arg10 : memref<128x64xf32, #tpu.memory_space<vmem>>) target(%dma_start3A_152 : memref<128x64xf32, #tpu.memory_space<vmem_shared>>) target_semaphore(%run_scoped3A : memref<!tpu.dma_semaphore, #tpu.memory_space<semaphore_mem>>)
      %dma_wait3A_153 = arith.constant 0 : i32
      %dma_wait3A_154 = tpu.memref_slice %arg12[%add3A_9, %dma_wait3A_153] : memref<10112x64xf32, #tpu.memory_space<vmem_shared>> -> memref<128x64xf32, #tpu.memory_space<vmem_shared>>
      %dma_wait3A_155 = arith.constant 0 : i32
      %dma_wait3A_156 = tpu.memref_slice %arg12[%add3A_9, %dma_wait3A_155] : memref<10112x64xf32, #tpu.memory_space<vmem_shared>> -> memref<128x64xf32, #tpu.memory_space<vmem_shared>>
      tpu.wait_dma2 semaphore(%run_scoped3A : memref<!tpu.dma_semaphore, #tpu.memory_space<semaphore_mem>>) src(%arg10 : memref<128x64xf32, #tpu.memory_space<vmem>>) dst(%dma_wait3A_156 : memref<128x64xf32, #tpu.memory_space<vmem_shared>>)
      tpu.yield
    }) : () -> ()
    %add3A_10 = arith.constant 256 : i32
    %add3A_11 = arith.addi %mul3A_0, %add3A_10 : i32
    "tpu.region"() ({
      %run_scoped3A = tpu.sem_alloc : memref<!tpu.dma_semaphore, #tpu.memory_space<semaphore_mem>>
      %dma_start3A_149 = arith.constant 0 : i32
      %dma_start3A_150 = tpu.memref_slice %arg12[%add3A_11, %dma_start3A_149] : memref<10112x64xf32, #tpu.memory_space<vmem_shared>> -> memref<128x64xf32, #tpu.memory_space<vmem_shared>>
      %dma_start3A_151 = arith.constant 0 : i32
      %dma_start3A_152 = tpu.memref_slice %arg12[%add3A_11, %dma_start3A_151] : memref<10112x64xf32, #tpu.memory_space<vmem_shared>> -> memref<128x64xf32, #tpu.memory_space<vmem_shared>>
      tpu.enqueue_dma source(%arg10 : memref<128x64xf32, #tpu.memory_space<vmem>>) target(%dma_start3A_152 : memref<128x64xf32, #tpu.memory_space<vmem_shared>>) target_semaphore(%run_scoped3A : memref<!tpu.dma_semaphore, #tpu.memory_space<semaphore_mem>>)
      %dma_wait3A_153 = arith.constant 0 : i32
      %dma_wait3A_154 = tpu.memref_slice %arg12[%add3A_11, %dma_wait3A_153] : memref<10112x64xf32, #tpu.memory_space<vmem_shared>> -> memref<128x64xf32, #tpu.memory_space<vmem_shared>>
      %dma_wait3A_155 = arith.constant 0 : i32
      %dma_wait3A_156 = tpu.memref_slice %arg12[%add3A_11, %dma_wait3A_155] : memref<10112x64xf32, #tpu.memory_space<vmem_shared>> -> memref<128x64xf32, #tpu.memory_space<vmem_shared>>
      tpu.wait_dma2 semaphore(%run_scoped3A : memref<!tpu.dma_semaphore, #tpu.memory_space<semaphore_mem>>) src(%arg10 : memref<128x64xf32, #tpu.memory_space<vmem>>) dst(%dma_wait3A_156 : memref<128x64xf32, #tpu.memory_space<vmem_shared>>)
      tpu.yield
    }) : () -> ()
    %add3A_12 = arith.constant 384 : i32
    %add3A_13 = arith.addi %mul3A_0, %add3A_12 : i32
    "tpu.region"() ({
      %run_scoped3A = tpu.sem_alloc : memref<!tpu.dma_semaphore, #tpu.memory_space<semaphore_mem>>
      %dma_start3A_149 = arith.constant 0 : i32
      %dma_start3A_150 = tpu.memref_slice %arg12[%add3A_13, %dma_start3A_149] : memref<10112x64xf32, #tpu.memory_space<vmem_shared>> -> memref<128x64xf32, #tpu.memory_space<vmem_shared>>
      %dma_start3A_151 = arith.constant 0 : i32
      %dma_start3A_152 = tpu.memref_slice %arg12[%add3A_13, %dma_start3A_151] : memref<10112x64xf32, #tpu.memory_space<vmem_shared>> -> memref<128x64xf32, #tpu.memory_space<vmem_shared>>
      tpu.enqueue_dma source(%arg10 : memref<128x64xf32, #tpu.memory_space<vmem>>) target(%dma_start3A_152 : memref<128x64xf32, #tpu.memory_space<vmem_shared>>) target_semaphore(%run_scoped3A : memref<!tpu.dma_semaphore, #tpu.memory_space<semaphore_mem>>)
      %dma_wait3A_153 = arith.constant 0 : i32
      %dma_wait3A_154 = tpu.memref_slice %arg12[%add3A_13, %dma_wait3A_153] : memref<10112x64xf32, #tpu.memory_space<vmem_shared>> -> memref<128x64xf32, #tpu.memory_space<vmem_shared>>
      %dma_wait3A_155 = arith.constant 0 : i32
      %dma_wait3A_156 = tpu.memref_slice %arg12[%add3A_13, %dma_wait3A_155] : memref<10112x64xf32, #tpu.memory_space<vmem_shared>> -> memref<128x64xf32, #tpu.memory_space<vmem_shared>>
      tpu.wait_dma2 semaphore(%run_scoped3A : memref<!tpu.dma_semaphore, #tpu.memory_space<semaphore_mem>>) src(%arg10 : memref<128x64xf32, #tpu.memory_space<vmem>>) dst(%dma_wait3A_156 : memref<128x64xf32, #tpu.memory_space<vmem_shared>>)
      tpu.yield
    }) : () -> ()
    %add3A_14 = arith.constant 512 : i32
    %add3A_15 = arith.addi %mul3A_0, %add3A_14 : i32
    "tpu.region"() ({
      %run_scoped3A = tpu.sem_alloc : memref<!tpu.dma_semaphore, #tpu.memory_space<semaphore_mem>>
      %dma_start3A_149 = arith.constant 0 : i32
      %dma_start3A_150 = arith.constant 0 : i32
      %dma_start3A_151 = tpu.memref_slice %arg10[%dma_start3A_149, %dma_start3A_150] : memref<128x64xf32, #tpu.memory_space<vmem>> -> memref<120x64xf32, #tpu.memory_space<vmem>>
      %dma_start3A_152 = arith.constant 0 : i32
      %dma_start3A_153 = tpu.memref_slice %arg12[%add3A_15, %dma_start3A_152] : memref<10112x64xf32, #tpu.memory_space<vmem_shared>> -> memref<120x64xf32, #tpu.memory_space<vmem_shared>>
      %dma_start3A_154 = arith.constant 0 : i32
      %dma_start3A_155 = tpu.memref_slice %arg12[%add3A_15, %dma_start3A_154] : memref<10112x64xf32, #tpu.memory_space<vmem_shared>> -> memref<120x64xf32, #tpu.memory_space<vmem_shared>>
      %dma_start3A_156 = arith.constant 0 : i32
      %dma_start3A_157 = arith.constant 0 : i32
      %dma_start3A_158 = tpu.memref_slice %arg10[%dma_start3A_156, %dma_start3A_157] : memref<128x64xf32, #tpu.memory_space<vmem>> -> memref<120x64xf32, #tpu.memory_space<vmem>>
      tpu.enqueue_dma source(%dma_start3A_158 : memref<120x64xf32, #tpu.memory_space<vmem>>) target(%dma_start3A_155 : memref<120x64xf32, #tpu.memory_space<vmem_shared>>) target_semaphore(%run_scoped3A : memref<!tpu.dma_semaphore, #tpu.memory_space<semaphore_mem>>)
      %dma_wait3A_159 = arith.constant 0 : i32
      %dma_wait3A_160 = arith.constant 0 : i32
      %dma_wait3A_161 = tpu.memref_slice %arg10[%dma_wait3A_159, %dma_wait3A_160] : memref<128x64xf32, #tpu.memory_space<vmem>> -> memref<120x64xf32, #tpu.memory_space<vmem>>
      %dma_wait3A_162 = arith.constant 0 : i32
      %dma_wait3A_163 = tpu.memref_slice %arg12[%add3A_15, %dma_wait3A_162] : memref<10112x64xf32, #tpu.memory_space<vmem_shared>> -> memref<120x64xf32, #tpu.memory_space<vmem_shared>>
      %dma_wait3A_164 = arith.constant 0 : i32
      %dma_wait3A_165 = tpu.memref_slice %arg12[%add3A_15, %dma_wait3A_164] : memref<10112x64xf32, #tpu.memory_space<vmem_shared>> -> memref<120x64xf32, #tpu.memory_space<vmem_shared>>
      %dma_wait3A_166 = arith.constant 0 : i32
      %dma_wait3A_167 = arith.constant 0 : i32
      %dma_wait3A_168 = tpu.memref_slice %arg10[%dma_wait3A_166, %dma_wait3A_167] : memref<128x64xf32, #tpu.memory_space<vmem>> -> memref<120x64xf32, #tpu.memory_space<vmem>>
      tpu.wait_dma2 semaphore(%run_scoped3A : memref<!tpu.dma_semaphore, #tpu.memory_space<semaphore_mem>>) src(%dma_wait3A_168 : memref<120x64xf32, #tpu.memory_space<vmem>>) dst(%dma_wait3A_165 : memref<120x64xf32, #tpu.memory_space<vmem_shared>>)
      tpu.yield
    }) : () -> ()
    %barrier3A = arith.constant 0 : index
    tpu.barrier barrier_id(%barrier3A)
    %dma_start3A = arith.constant 0 : i32
    %dma_start3A_16 = arith.constant 0 : i32
    %dma_start3A_17 = tpu.memref_slice %arg7[%dma_start3A, %dma_start3A_16] : memref<158x128xi32, #tpu.memory_space<vmem>> -> memref<1x128xi32, #tpu.memory_space<vmem>>
    %dma_start3A_18 = tpu.memref_squeeze %dma_start3A_17 : memref<1x128xi32, #tpu.memory_space<vmem>> -> memref<128xi32, #tpu.memory_space<vmem>>
    %dma_start3A_19 = arith.constant 0 : i32
    %dma_start3A_20 = arith.constant 0 : i32
    %dma_start3A_21 = tpu.memref_slice %arg2[%arg0, %dma_start3A_19, %dma_start3A_20] : memref<2x10000x64xf32, #tpu.memory_space<hbm>> -> memref<1x10000x64xf32, #tpu.memory_space<hbm>>
    %dma_start3A_22 = tpu.memref_squeeze %dma_start3A_21 : memref<1x10000x64xf32, #tpu.memory_space<hbm>> -> memref<10000x64xf32, #tpu.memory_space<hbm>>
    %dma_start3A_23 = arith.constant 0 : i32
    %dma_start3A_24 = arith.constant 0 : i32
    %dma_start3A_25 = tpu.memref_slice %dma_start3A_22[%dma_start3A_23, %dma_start3A_24] : memref<10000x64xf32, #tpu.memory_space<hbm>> -> memref<10000x64xf32, #tpu.memory_space<hbm>>
    tpu.enqueue_indirect_dma source(%dma_start3A_25 : memref<10000x64xf32, #tpu.memory_space<hbm>>) target(%arg10 : memref<128x64xf32, #tpu.memory_space<vmem>>) offsets(%dma_start3A_18 : memref<128xi32, #tpu.memory_space<vmem>>) semaphore(%arg13 : memref<!tpu.dma_semaphore, #tpu.memory_space<semaphore_mem>>)
    %dma_wait3A = arith.constant 0 : i32
    %dma_wait3A_26 = arith.constant 0 : i32
    %dma_wait3A_27 = tpu.memref_slice %arg7[%dma_wait3A, %dma_wait3A_26] : memref<158x128xi32, #tpu.memory_space<vmem>> -> memref<1x128xi32, #tpu.memory_space<vmem>>
    %dma_wait3A_28 = tpu.memref_squeeze %dma_wait3A_27 : memref<1x128xi32, #tpu.memory_space<vmem>> -> memref<128xi32, #tpu.memory_space<vmem>>
    %dma_wait3A_29 = arith.constant 0 : i32
    %dma_wait3A_30 = arith.constant 0 : i32
    %dma_wait3A_31 = tpu.memref_slice %arg2[%arg0, %dma_wait3A_29, %dma_wait3A_30] : memref<2x10000x64xf32, #tpu.memory_space<hbm>> -> memref<1x10000x64xf32, #tpu.memory_space<hbm>>
    %dma_wait3A_32 = tpu.memref_squeeze %dma_wait3A_31 : memref<1x10000x64xf32, #tpu.memory_space<hbm>> -> memref<10000x64xf32, #tpu.memory_space<hbm>>
    %dma_wait3A_33 = arith.constant 0 : i32
    %dma_wait3A_34 = arith.constant 0 : i32
    %dma_wait3A_35 = tpu.memref_slice %dma_wait3A_32[%dma_wait3A_33, %dma_wait3A_34] : memref<10000x64xf32, #tpu.memory_space<hbm>> -> memref<10000x64xf32, #tpu.memory_space<hbm>>
    tpu.wait_indirect_dma semaphore(%arg13 : memref<!tpu.dma_semaphore, #tpu.memory_space<semaphore_mem>>) src(%dma_wait3A_35 : memref<10000x64xf32, #tpu.memory_space<hbm>>) dst(%arg10 : memref<128x64xf32, #tpu.memory_space<vmem>>)
    %dma_start3A_36 = arith.constant 1 : i32
    %dma_start3A_37 = arith.constant 0 : i32
    %dma_start3A_38 = tpu.memref_slice %arg7[%dma_start3A_36, %dma_start3A_37] : memref<158x128xi32, #tpu.memory_space<vmem>> -> memref<1x128xi32, #tpu.memory_space<vmem>>
    %dma_start3A_39 = tpu.memref_squeeze %dma_start3A_38 : memref<1x128xi32, #tpu.memory_space<vmem>> -> memref<128xi32, #tpu.memory_space<vmem>>
    %dma_start3A_40 = arith.constant 0 : i32
    %dma_start3A_41 = arith.constant 0 : i32
    %dma_start3A_42 = tpu.memref_slice %arg2[%arg0, %dma_start3A_40, %dma_start3A_41] : memref<2x10000x64xf32, #tpu.memory_space<hbm>> -> memref<1x10000x64xf32, #tpu.memory_space<hbm>>
    %dma_start3A_43 = tpu.memref_squeeze %dma_start3A_42 : memref<1x10000x64xf32, #tpu.memory_space<hbm>> -> memref<10000x64xf32, #tpu.memory_space<hbm>>
    %dma_start3A_44 = arith.constant 0 : i32
    %dma_start3A_45 = arith.constant 0 : i32
    %dma_start3A_46 = tpu.memref_slice %dma_start3A_43[%dma_start3A_44, %dma_start3A_45] : memref<10000x64xf32, #tpu.memory_space<hbm>> -> memref<10000x64xf32, #tpu.memory_space<hbm>>
    tpu.enqueue_indirect_dma source(%dma_start3A_46 : memref<10000x64xf32, #tpu.memory_space<hbm>>) target(%arg11 : memref<128x64xf32, #tpu.memory_space<vmem>>) offsets(%dma_start3A_39 : memref<128xi32, #tpu.memory_space<vmem>>) semaphore(%arg13 : memref<!tpu.dma_semaphore, #tpu.memory_space<semaphore_mem>>)
    %dma_start3A_47 = arith.constant 0 : i32
    %dma_start3A_48 = arith.constant 0 : i32
    %dma_start3A_49 = tpu.memref_slice %arg8[%dma_start3A_47, %dma_start3A_48] : memref<158x128xi32, #tpu.memory_space<vmem>> -> memref<1x128xi32, #tpu.memory_space<vmem>>
    %dma_start3A_50 = tpu.memref_squeeze %dma_start3A_49 : memref<1x128xi32, #tpu.memory_space<vmem>> -> memref<128xi32, #tpu.memory_space<vmem>>
    %dma_start3A_51 = arith.constant 0 : i32
    %dma_start3A_52 = arith.constant 0 : i32
    %dma_start3A_53 = tpu.memref_slice %arg12[%dma_start3A_51, %dma_start3A_52] : memref<10112x64xf32, #tpu.memory_space<vmem_shared>> -> memref<10112x64xf32, #tpu.memory_space<vmem_shared>>
    tpu.enqueue_indirect_dma source(%arg10 : memref<128x64xf32, #tpu.memory_space<vmem>>) target(%dma_start3A_53 : memref<10112x64xf32, #tpu.memory_space<vmem_shared>>) offsets(%dma_start3A_50 : memref<128xi32, #tpu.memory_space<vmem>>) semaphore(%arg14 : memref<!tpu.dma_semaphore, #tpu.memory_space<semaphore_mem>>) {add = true}
    %scan3A_54 = arith.constant 0 : i32
    %scan3A_55 = arith.constant 0 : i32
    %scan3A_56 = arith.constant 78 : i32
    %scan3A_57 = arith.addi %scan3A_55, %scan3A_56 : i32
    %scan3A_58 = arith.constant 1 : i32
    %scan3A_59 = scf.for %scan3A_149 = %scan3A_55 to %scan3A_57 step %scan3A_58 iter_args(%scan3A_150 = %scan3A_54) -> (i32)  : i32 {
      %mul3A_151 = arith.constant 2 : i32
      %mul3A_152 = arith.muli %mul3A_151, %scan3A_149 : i32
      %add3A_153 = arith.constant 1 : i32
      %add3A_154 = arith.addi %add3A_153, %mul3A_152 : i32
      %dma_wait3A_155 = arith.constant 0 : i32
      %dma_wait3A_156 = arith.constant 0 : i32
      %dma_wait3A_157 = tpu.memref_slice %arg7[%dma_wait3A_155, %dma_wait3A_156] : memref<158x128xi32, #tpu.memory_space<vmem>> -> memref<1x128xi32, #tpu.memory_space<vmem>>
      %dma_wait3A_158 = tpu.memref_squeeze %dma_wait3A_157 : memref<1x128xi32, #tpu.memory_space<vmem>> -> memref<128xi32, #tpu.memory_space<vmem>>
      %dma_wait3A_159 = arith.constant 0 : i32
      %dma_wait3A_160 = arith.constant 0 : i32
      %dma_wait3A_161 = tpu.memref_slice %arg2[%arg0, %dma_wait3A_159, %dma_wait3A_160] : memref<2x10000x64xf32, #tpu.memory_space<hbm>> -> memref<1x10000x64xf32, #tpu.memory_space<hbm>>
      %dma_wait3A_162 = tpu.memref_squeeze %dma_wait3A_161 : memref<1x10000x64xf32, #tpu.memory_space<hbm>> -> memref<10000x64xf32, #tpu.memory_space<hbm>>
      %dma_wait3A_163 = arith.constant 0 : i32
      %dma_wait3A_164 = arith.constant 0 : i32
      %dma_wait3A_165 = tpu.memref_slice %dma_wait3A_162[%dma_wait3A_163, %dma_wait3A_164] : memref<10000x64xf32, #tpu.memory_space<hbm>> -> memref<10000x64xf32, #tpu.memory_space<hbm>>
      tpu.wait_indirect_dma semaphore(%arg13 : memref<!tpu.dma_semaphore, #tpu.memory_space<semaphore_mem>>) src(%dma_wait3A_165 : memref<10000x64xf32, #tpu.memory_space<hbm>>) dst(%arg11 : memref<128x64xf32, #tpu.memory_space<vmem>>)
      %dma_wait3A_166 = arith.constant 0 : i32
      %dma_wait3A_167 = arith.constant 0 : i32
      %dma_wait3A_168 = tpu.memref_slice %arg8[%dma_wait3A_166, %dma_wait3A_167] : memref<158x128xi32, #tpu.memory_space<vmem>> -> memref<1x128xi32, #tpu.memory_space<vmem>>
      %dma_wait3A_169 = tpu.memref_squeeze %dma_wait3A_168 : memref<1x128xi32, #tpu.memory_space<vmem>> -> memref<128xi32, #tpu.memory_space<vmem>>
      %dma_wait3A_170 = arith.constant 0 : i32
      %dma_wait3A_171 = arith.constant 0 : i32
      %dma_wait3A_172 = tpu.memref_slice %arg12[%dma_wait3A_170, %dma_wait3A_171] : memref<10112x64xf32, #tpu.memory_space<vmem_shared>> -> memref<10112x64xf32, #tpu.memory_space<vmem_shared>>
      tpu.wait_indirect_dma semaphore(%arg14 : memref<!tpu.dma_semaphore, #tpu.memory_space<semaphore_mem>>) src(%arg10 : memref<128x64xf32, #tpu.memory_space<vmem>>) dst(%dma_wait3A_172 : memref<10112x64xf32, #tpu.memory_space<vmem_shared>>)
      %add3A_173 = arith.constant 1 : i32
      %add3A_174 = arith.addi %add3A_154, %add3A_173 : i32
      %dma_start3A_175 = arith.constant 0 : i32
      %dma_start3A_176 = tpu.memref_slice %arg7[%add3A_174, %dma_start3A_175] : memref<158x128xi32, #tpu.memory_space<vmem>> -> memref<1x128xi32, #tpu.memory_space<vmem>>
      %dma_start3A_177 = tpu.memref_squeeze %dma_start3A_176 : memref<1x128xi32, #tpu.memory_space<vmem>> -> memref<128xi32, #tpu.memory_space<vmem>>
      %dma_start3A_178 = arith.constant 0 : i32
      %dma_start3A_179 = arith.constant 0 : i32
      %dma_start3A_180 = tpu.memref_slice %arg2[%arg0, %dma_start3A_178, %dma_start3A_179] : memref<2x10000x64xf32, #tpu.memory_space<hbm>> -> memref<1x10000x64xf32, #tpu.memory_space<hbm>>
      %dma_start3A_181 = tpu.memref_squeeze %dma_start3A_180 : memref<1x10000x64xf32, #tpu.memory_space<hbm>> -> memref<10000x64xf32, #tpu.memory_space<hbm>>
      %dma_start3A_182 = arith.constant 0 : i32
      %dma_start3A_183 = arith.constant 0 : i32
      %dma_start3A_184 = tpu.memref_slice %dma_start3A_181[%dma_start3A_182, %dma_start3A_183] : memref<10000x64xf32, #tpu.memory_space<hbm>> -> memref<10000x64xf32, #tpu.memory_space<hbm>>
      tpu.enqueue_indirect_dma source(%dma_start3A_184 : memref<10000x64xf32, #tpu.memory_space<hbm>>) target(%arg10 : memref<128x64xf32, #tpu.memory_space<vmem>>) offsets(%dma_start3A_177 : memref<128xi32, #tpu.memory_space<vmem>>) semaphore(%arg13 : memref<!tpu.dma_semaphore, #tpu.memory_space<semaphore_mem>>)
      %dma_start3A_185 = arith.constant 0 : i32
      %dma_start3A_186 = tpu.memref_slice %arg8[%add3A_154, %dma_start3A_185] : memref<158x128xi32, #tpu.memory_space<vmem>> -> memref<1x128xi32, #tpu.memory_space<vmem>>
      %dma_start3A_187 = tpu.memref_squeeze %dma_start3A_186 : memref<1x128xi32, #tpu.memory_space<vmem>> -> memref<128xi32, #tpu.memory_space<vmem>>
      %dma_start3A_188 = arith.constant 0 : i32
      %dma_start3A_189 = arith.constant 0 : i32
      %dma_start3A_190 = tpu.memref_slice %arg12[%dma_start3A_188, %dma_start3A_189] : memref<10112x64xf32, #tpu.memory_space<vmem_shared>> -> memref<10112x64xf32, #tpu.memory_space<vmem_shared>>
      tpu.enqueue_indirect_dma source(%arg11 : memref<128x64xf32, #tpu.memory_space<vmem>>) target(%dma_start3A_190 : memref<10112x64xf32, #tpu.memory_space<vmem_shared>>) offsets(%dma_start3A_187 : memref<128xi32, #tpu.memory_space<vmem>>) semaphore(%arg14 : memref<!tpu.dma_semaphore, #tpu.memory_space<semaphore_mem>>) {add = true}
      %dma_wait3A_191 = arith.constant 0 : i32
      %dma_wait3A_192 = arith.constant 0 : i32
      %dma_wait3A_193 = tpu.memref_slice %arg7[%dma_wait3A_191, %dma_wait3A_192] : memref<158x128xi32, #tpu.memory_space<vmem>> -> memref<1x128xi32, #tpu.memory_space<vmem>>
      %dma_wait3A_194 = tpu.memref_squeeze %dma_wait3A_193 : memref<1x128xi32, #tpu.memory_space<vmem>> -> memref<128xi32, #tpu.memory_space<vmem>>
      %dma_wait3A_195 = arith.constant 0 : i32
      %dma_wait3A_196 = arith.constant 0 : i32
      %dma_wait3A_197 = tpu.memref_slice %arg2[%arg0, %dma_wait3A_195, %dma_wait3A_196] : memref<2x10000x64xf32, #tpu.memory_space<hbm>> -> memref<1x10000x64xf32, #tpu.memory_space<hbm>>
      %dma_wait3A_198 = tpu.memref_squeeze %dma_wait3A_197 : memref<1x10000x64xf32, #tpu.memory_space<hbm>> -> memref<10000x64xf32, #tpu.memory_space<hbm>>
      %dma_wait3A_199 = arith.constant 0 : i32
      %dma_wait3A_200 = arith.constant 0 : i32
      %dma_wait3A_201 = tpu.memref_slice %dma_wait3A_198[%dma_wait3A_199, %dma_wait3A_200] : memref<10000x64xf32, #tpu.memory_space<hbm>> -> memref<10000x64xf32, #tpu.memory_space<hbm>>
      tpu.wait_indirect_dma semaphore(%arg13 : memref<!tpu.dma_semaphore, #tpu.memory_space<semaphore_mem>>) src(%dma_wait3A_201 : memref<10000x64xf32, #tpu.memory_space<hbm>>) dst(%arg10 : memref<128x64xf32, #tpu.memory_space<vmem>>)
      %dma_wait3A_202 = arith.constant 0 : i32
      %dma_wait3A_203 = arith.constant 0 : i32
      %dma_wait3A_204 = tpu.memref_slice %arg8[%dma_wait3A_202, %dma_wait3A_203] : memref<158x128xi32, #tpu.memory_space<vmem>> -> memref<1x128xi32, #tpu.memory_space<vmem>>
      %dma_wait3A_205 = tpu.memref_squeeze %dma_wait3A_204 : memref<1x128xi32, #tpu.memory_space<vmem>> -> memref<128xi32, #tpu.memory_space<vmem>>
      %dma_wait3A_206 = arith.constant 0 : i32
      %dma_wait3A_207 = arith.constant 0 : i32
      %dma_wait3A_208 = tpu.memref_slice %arg12[%dma_wait3A_206, %dma_wait3A_207] : memref<10112x64xf32, #tpu.memory_space<vmem_shared>> -> memref<10112x64xf32, #tpu.memory_space<vmem_shared>>
      tpu.wait_indirect_dma semaphore(%arg14 : memref<!tpu.dma_semaphore, #tpu.memory_space<semaphore_mem>>) src(%arg11 : memref<128x64xf32, #tpu.memory_space<vmem>>) dst(%dma_wait3A_208 : memref<10112x64xf32, #tpu.memory_space<vmem_shared>>)
      %add3A_209 = arith.constant 2 : i32
      %add3A_210 = arith.addi %add3A_154, %add3A_209 : i32
      %dma_start3A_211 = arith.constant 0 : i32
      %dma_start3A_212 = tpu.memref_slice %arg7[%add3A_210, %dma_start3A_211] : memref<158x128xi32, #tpu.memory_space<vmem>> -> memref<1x128xi32, #tpu.memory_space<vmem>>
      %dma_start3A_213 = tpu.memref_squeeze %dma_start3A_212 : memref<1x128xi32, #tpu.memory_space<vmem>> -> memref<128xi32, #tpu.memory_space<vmem>>
      %dma_start3A_214 = arith.constant 0 : i32
      %dma_start3A_215 = arith.constant 0 : i32
      %dma_start3A_216 = tpu.memref_slice %arg2[%arg0, %dma_start3A_214, %dma_start3A_215] : memref<2x10000x64xf32, #tpu.memory_space<hbm>> -> memref<1x10000x64xf32, #tpu.memory_space<hbm>>
      %dma_start3A_217 = tpu.memref_squeeze %dma_start3A_216 : memref<1x10000x64xf32, #tpu.memory_space<hbm>> -> memref<10000x64xf32, #tpu.memory_space<hbm>>
      %dma_start3A_218 = arith.constant 0 : i32
      %dma_start3A_219 = arith.constant 0 : i32
      %dma_start3A_220 = tpu.memref_slice %dma_start3A_217[%dma_start3A_218, %dma_start3A_219] : memref<10000x64xf32, #tpu.memory_space<hbm>> -> memref<10000x64xf32, #tpu.memory_space<hbm>>
      tpu.enqueue_indirect_dma source(%dma_start3A_220 : memref<10000x64xf32, #tpu.memory_space<hbm>>) target(%arg11 : memref<128x64xf32, #tpu.memory_space<vmem>>) offsets(%dma_start3A_213 : memref<128xi32, #tpu.memory_space<vmem>>) semaphore(%arg13 : memref<!tpu.dma_semaphore, #tpu.memory_space<semaphore_mem>>)
      %add3A_221 = arith.constant 1 : i32
      %add3A_222 = arith.addi %add3A_154, %add3A_221 : i32
      %dma_start3A_223 = arith.constant 0 : i32
      %dma_start3A_224 = tpu.memref_slice %arg8[%add3A_222, %dma_start3A_223] : memref<158x128xi32, #tpu.memory_space<vmem>> -> memref<1x128xi32, #tpu.memory_space<vmem>>
      %dma_start3A_225 = tpu.memref_squeeze %dma_start3A_224 : memref<1x128xi32, #tpu.memory_space<vmem>> -> memref<128xi32, #tpu.memory_space<vmem>>
      %dma_start3A_226 = arith.constant 0 : i32
      %dma_start3A_227 = arith.constant 0 : i32
      %dma_start3A_228 = tpu.memref_slice %arg12[%dma_start3A_226, %dma_start3A_227] : memref<10112x64xf32, #tpu.memory_space<vmem_shared>> -> memref<10112x64xf32, #tpu.memory_space<vmem_shared>>
      tpu.enqueue_indirect_dma source(%arg10 : memref<128x64xf32, #tpu.memory_space<vmem>>) target(%dma_start3A_228 : memref<10112x64xf32, #tpu.memory_space<vmem_shared>>) offsets(%dma_start3A_225 : memref<128xi32, #tpu.memory_space<vmem>>) semaphore(%arg14 : memref<!tpu.dma_semaphore, #tpu.memory_space<semaphore_mem>>) {add = true}
      %scan3A_229 = arith.constant 0 : i32
      scf.yield %scan3A_229 : i32
    }
    %scan3A_60 = arith.constant 78 : i32
    %dma_wait3A_61 = arith.constant 0 : i32
    %dma_wait3A_62 = arith.constant 0 : i32
    %dma_wait3A_63 = tpu.memref_slice %arg7[%dma_wait3A_61, %dma_wait3A_62] : memref<158x128xi32, #tpu.memory_space<vmem>> -> memref<1x128xi32, #tpu.memory_space<vmem>>
    %dma_wait3A_64 = tpu.memref_squeeze %dma_wait3A_63 : memref<1x128xi32, #tpu.memory_space<vmem>> -> memref<128xi32, #tpu.memory_space<vmem>>
    %dma_wait3A_65 = arith.constant 0 : i32
    %dma_wait3A_66 = arith.constant 0 : i32
    %dma_wait3A_67 = tpu.memref_slice %arg2[%arg0, %dma_wait3A_65, %dma_wait3A_66] : memref<2x10000x64xf32, #tpu.memory_space<hbm>> -> memref<1x10000x64xf32, #tpu.memory_space<hbm>>
    %dma_wait3A_68 = tpu.memref_squeeze %dma_wait3A_67 : memref<1x10000x64xf32, #tpu.memory_space<hbm>> -> memref<10000x64xf32, #tpu.memory_space<hbm>>
    %dma_wait3A_69 = arith.constant 0 : i32
    %dma_wait3A_70 = arith.constant 0 : i32
    %dma_wait3A_71 = tpu.memref_slice %dma_wait3A_68[%dma_wait3A_69, %dma_wait3A_70] : memref<10000x64xf32, #tpu.memory_space<hbm>> -> memref<10000x64xf32, #tpu.memory_space<hbm>>
    tpu.wait_indirect_dma semaphore(%arg13 : memref<!tpu.dma_semaphore, #tpu.memory_space<semaphore_mem>>) src(%dma_wait3A_71 : memref<10000x64xf32, #tpu.memory_space<hbm>>) dst(%arg11 : memref<128x64xf32, #tpu.memory_space<vmem>>)
    %dma_wait3A_72 = arith.constant 0 : i32
    %dma_wait3A_73 = arith.constant 0 : i32
    %dma_wait3A_74 = tpu.memref_slice %arg8[%dma_wait3A_72, %dma_wait3A_73] : memref<158x128xi32, #tpu.memory_space<vmem>> -> memref<1x128xi32, #tpu.memory_space<vmem>>
    %dma_wait3A_75 = tpu.memref_squeeze %dma_wait3A_74 : memref<1x128xi32, #tpu.memory_space<vmem>> -> memref<128xi32, #tpu.memory_space<vmem>>
    %dma_wait3A_76 = arith.constant 0 : i32
    %dma_wait3A_77 = arith.constant 0 : i32
    %dma_wait3A_78 = tpu.memref_slice %arg12[%dma_wait3A_76, %dma_wait3A_77] : memref<10112x64xf32, #tpu.memory_space<vmem_shared>> -> memref<10112x64xf32, #tpu.memory_space<vmem_shared>>
    tpu.wait_indirect_dma semaphore(%arg14 : memref<!tpu.dma_semaphore, #tpu.memory_space<semaphore_mem>>) src(%arg10 : memref<128x64xf32, #tpu.memory_space<vmem>>) dst(%dma_wait3A_78 : memref<10112x64xf32, #tpu.memory_space<vmem_shared>>)
    %dma_start3A_79 = arith.constant 157 : i32
    %dma_start3A_80 = arith.constant 0 : i32
    %dma_start3A_81 = tpu.memref_slice %arg8[%dma_start3A_79, %dma_start3A_80] : memref<158x128xi32, #tpu.memory_space<vmem>> -> memref<1x128xi32, #tpu.memory_space<vmem>>
    %dma_start3A_82 = tpu.memref_squeeze %dma_start3A_81 : memref<1x128xi32, #tpu.memory_space<vmem>> -> memref<128xi32, #tpu.memory_space<vmem>>
    %dma_start3A_83 = arith.constant 0 : i32
    %dma_start3A_84 = arith.constant 0 : i32
    %dma_start3A_85 = tpu.memref_slice %arg12[%dma_start3A_83, %dma_start3A_84] : memref<10112x64xf32, #tpu.memory_space<vmem_shared>> -> memref<10112x64xf32, #tpu.memory_space<vmem_shared>>
    tpu.enqueue_indirect_dma source(%arg11 : memref<128x64xf32, #tpu.memory_space<vmem>>) target(%dma_start3A_85 : memref<10112x64xf32, #tpu.memory_space<vmem_shared>>) offsets(%dma_start3A_82 : memref<128xi32, #tpu.memory_space<vmem>>) semaphore(%arg14 : memref<!tpu.dma_semaphore, #tpu.memory_space<semaphore_mem>>) {add = true}
    %dma_wait3A_86 = arith.constant 0 : i32
    %dma_wait3A_87 = arith.constant 0 : i32
    %dma_wait3A_88 = tpu.memref_slice %arg8[%dma_wait3A_86, %dma_wait3A_87] : memref<158x128xi32, #tpu.memory_space<vmem>> -> memref<1x128xi32, #tpu.memory_space<vmem>>
    %dma_wait3A_89 = tpu.memref_squeeze %dma_wait3A_88 : memref<1x128xi32, #tpu.memory_space<vmem>> -> memref<128xi32, #tpu.memory_space<vmem>>
    %dma_wait3A_90 = arith.constant 0 : i32
    %dma_wait3A_91 = arith.constant 0 : i32
    %dma_wait3A_92 = tpu.memref_slice %arg12[%dma_wait3A_90, %dma_wait3A_91] : memref<10112x64xf32, #tpu.memory_space<vmem_shared>> -> memref<10112x64xf32, #tpu.memory_space<vmem_shared>>
    tpu.wait_indirect_dma semaphore(%arg14 : memref<!tpu.dma_semaphore, #tpu.memory_space<semaphore_mem>>) src(%arg11 : memref<128x64xf32, #tpu.memory_space<vmem>>) dst(%dma_wait3A_92 : memref<10112x64xf32, #tpu.memory_space<vmem_shared>>)
    %barrier3A_93 = arith.constant 0 : index
    tpu.barrier barrier_id(%barrier3A_93)
    %add3A_94 = arith.constant 0 : i32
    %add3A_95 = arith.addi %mul3A_0, %add3A_94 : i32
    "tpu.region"() ({
      %run_scoped3A = tpu.sem_alloc : memref<!tpu.dma_semaphore, #tpu.memory_space<semaphore_mem>>
      %dma_start3A_149 = arith.constant 0 : i32
      %dma_start3A_150 = arith.constant 0 : i32
      %dma_start3A_151 = tpu.memref_slice %arg10[%dma_start3A_149, %dma_start3A_150] : memref<128x64xf32, #tpu.memory_space<vmem>> -> memref<128x64xf32, #tpu.memory_space<vmem>>
      %dma_start3A_152 = arith.constant 0 : i32
      %dma_start3A_153 = tpu.memref_slice %arg12[%add3A_95, %dma_start3A_152] : memref<10112x64xf32, #tpu.memory_space<vmem_shared>> -> memref<128x64xf32, #tpu.memory_space<vmem_shared>>
      %dma_start3A_154 = arith.constant 0 : i32
      %dma_start3A_155 = arith.constant 0 : i32
      %dma_start3A_156 = tpu.memref_slice %arg10[%dma_start3A_154, %dma_start3A_155] : memref<128x64xf32, #tpu.memory_space<vmem>> -> memref<128x64xf32, #tpu.memory_space<vmem>>
      %dma_start3A_157 = arith.constant 0 : i32
      %dma_start3A_158 = tpu.memref_slice %arg12[%add3A_95, %dma_start3A_157] : memref<10112x64xf32, #tpu.memory_space<vmem_shared>> -> memref<128x64xf32, #tpu.memory_space<vmem_shared>>
      tpu.enqueue_dma source(%dma_start3A_158 : memref<128x64xf32, #tpu.memory_space<vmem_shared>>) target(%dma_start3A_156 : memref<128x64xf32, #tpu.memory_space<vmem>>) target_semaphore(%run_scoped3A : memref<!tpu.dma_semaphore, #tpu.memory_space<semaphore_mem>>)
      %dma_wait3A_159 = arith.constant 0 : i32
      %dma_wait3A_160 = arith.constant 0 : i32
      %dma_wait3A_161 = tpu.memref_slice %arg10[%dma_wait3A_159, %dma_wait3A_160] : memref<128x64xf32, #tpu.memory_space<vmem>> -> memref<128x64xf32, #tpu.memory_space<vmem>>
      %dma_wait3A_162 = arith.constant 0 : i32
      %dma_wait3A_163 = tpu.memref_slice %arg12[%add3A_95, %dma_wait3A_162] : memref<10112x64xf32, #tpu.memory_space<vmem_shared>> -> memref<128x64xf32, #tpu.memory_space<vmem_shared>>
      %dma_wait3A_164 = arith.constant 0 : i32
      %dma_wait3A_165 = arith.constant 0 : i32
      %dma_wait3A_166 = tpu.memref_slice %arg10[%dma_wait3A_164, %dma_wait3A_165] : memref<128x64xf32, #tpu.memory_space<vmem>> -> memref<128x64xf32, #tpu.memory_space<vmem>>
      %dma_wait3A_167 = arith.constant 0 : i32
      %dma_wait3A_168 = tpu.memref_slice %arg12[%add3A_95, %dma_wait3A_167] : memref<10112x64xf32, #tpu.memory_space<vmem_shared>> -> memref<128x64xf32, #tpu.memory_space<vmem_shared>>
      tpu.wait_dma2 semaphore(%run_scoped3A : memref<!tpu.dma_semaphore, #tpu.memory_space<semaphore_mem>>) src(%dma_wait3A_168 : memref<128x64xf32, #tpu.memory_space<vmem_shared>>) dst(%dma_wait3A_166 : memref<128x64xf32, #tpu.memory_space<vmem>>)
      tpu.yield
    }) : () -> ()
    %scan3A_96 = arith.constant 0 : i32
    %scan3A_97 = arith.constant 0 : i32
    %scan3A_98 = arith.constant 128 : i32
    %scan3A_99 = arith.addi %scan3A_97, %scan3A_98 : i32
    %scan3A_100 = arith.constant 1 : i32
    %scan3A_101 = scf.for %scan3A_149 = %scan3A_97 to %scan3A_99 step %scan3A_100 iter_args(%scan3A_150 = %scan3A_96) -> (i32)  : i32 {
      %add3A_151 = arith.constant 0 : i32
      %add3A_152 = arith.addi %add3A_151, %scan3A_149 : i32
      %get3A = arith.index_cast %add3A_152 : i32 to index
      %get3A_153 = tpu.vector_load %arg9[%get3A] {strides = array<i32>} : memref<648xf32, #tpu.memory_space<vmem>>, vector<16xf32>,
      %get3A_154 = vector.shape_cast %get3A_153 : vector<16xf32> to vector<16xf32>
      %slice3A = vector.extract_strided_slice %get3A_154 {offsets = [0], sizes = [1], strides = [1]} : vector<16xf32> to vector<1xf32>
      %squeeze3A = vector.extract %slice3A[0] : f32 from vector<1xf32>
      %broadcast_in_dim3A = vector.broadcast %squeeze3A : f32 to vector<16xf32>
      %get3A_155 = arith.index_cast %scan3A_149 : i32 to index
      %get3A_156 = arith.constant 0 : index
      %get3A_157 = tpu.vector_load %arg10[%get3A_155, %get3A_156] {strides = array<i32>} : memref<128x64xf32, #tpu.memory_space<vmem>>, vector<1x16xf32>,
      %get3A_158 = vector.shape_cast %get3A_157 : vector<1x16xf32> to vector<16xf32>
      %mul3A_159 = arith.mulf %get3A_158, %broadcast_in_dim3A : vector<16xf32>
      %swap3A = arith.index_cast %scan3A_149 : i32 to index
      %swap3A_160 = arith.constant 0 : index
      %swap3A_161 = tpu.vector_load %arg10[%swap3A, %swap3A_160] {strides = array<i32>} : memref<128x64xf32, #tpu.memory_space<vmem>>, vector<1x16xf32>,
      %swap3A_162 = vector.shape_cast %swap3A_161 : vector<1x16xf32> to vector<16xf32>
      %swap3A_163 = vector.shape_cast %mul3A_159 : vector<16xf32> to vector<1x16xf32>
      tpu.vector_store %arg10[%swap3A, %swap3A_160], %swap3A_163 {strides = array<i32>} : memref<128x64xf32, #tpu.memory_space<vmem>>, vector<1x16xf32>,
      %get3A_164 = arith.index_cast %scan3A_149 : i32 to index
      %get3A_165 = arith.constant 16 : index
      %get3A_166 = tpu.vector_load %arg10[%get3A_164, %get3A_165] {strides = array<i32>} : memref<128x64xf32, #tpu.memory_space<vmem>>, vector<1x16xf32>,
      %get3A_167 = vector.shape_cast %get3A_166 : vector<1x16xf32> to vector<16xf32>
      %mul3A_168 = arith.mulf %get3A_167, %broadcast_in_dim3A : vector<16xf32>
      %swap3A_169 = arith.index_cast %scan3A_149 : i32 to index
      %swap3A_170 = arith.constant 16 : index
      %swap3A_171 = tpu.vector_load %arg10[%swap3A_169, %swap3A_170] {strides = array<i32>} : memref<128x64xf32, #tpu.memory_space<vmem>>, vector<1x16xf32>,
      %swap3A_172 = vector.shape_cast %swap3A_171 : vector<1x16xf32> to vector<16xf32>
      %swap3A_173 = vector.shape_cast %mul3A_168 : vector<16xf32> to vector<1x16xf32>
      tpu.vector_store %arg10[%swap3A_169, %swap3A_170], %swap3A_173 {strides = array<i32>} : memref<128x64xf32, #tpu.memory_space<vmem>>, vector<1x16xf32>,
      %get3A_174 = arith.index_cast %scan3A_149 : i32 to index
      %get3A_175 = arith.constant 32 : index
      %get3A_176 = tpu.vector_load %arg10[%get3A_174, %get3A_175] {strides = array<i32>} : memref<128x64xf32, #tpu.memory_space<vmem>>, vector<1x16xf32>,
      %get3A_177 = vector.shape_cast %get3A_176 : vector<1x16xf32> to vector<16xf32>
      %mul3A_178 = arith.mulf %get3A_177, %broadcast_in_dim3A : vector<16xf32>
      %swap3A_179 = arith.index_cast %scan3A_149 : i32 to index
      %swap3A_180 = arith.constant 32 : index
      %swap3A_181 = tpu.vector_load %arg10[%swap3A_179, %swap3A_180] {strides = array<i32>} : memref<128x64xf32, #tpu.memory_space<vmem>>, vector<1x16xf32>,
      %swap3A_182 = vector.shape_cast %swap3A_181 : vector<1x16xf32> to vector<16xf32>
      %swap3A_183 = vector.shape_cast %mul3A_178 : vector<16xf32> to vector<1x16xf32>
      tpu.vector_store %arg10[%swap3A_179, %swap3A_180], %swap3A_183 {strides = array<i32>} : memref<128x64xf32, #tpu.memory_space<vmem>>, vector<1x16xf32>,
      %get3A_184 = arith.index_cast %scan3A_149 : i32 to index
      %get3A_185 = arith.constant 48 : index
      %get3A_186 = tpu.vector_load %arg10[%get3A_184, %get3A_185] {strides = array<i32>} : memref<128x64xf32, #tpu.memory_space<vmem>>, vector<1x16xf32>,
      %get3A_187 = vector.shape_cast %get3A_186 : vector<1x16xf32> to vector<16xf32>
      %mul3A_188 = arith.mulf %get3A_187, %broadcast_in_dim3A : vector<16xf32>
      %swap3A_189 = arith.index_cast %scan3A_149 : i32 to index
      %swap3A_190 = arith.constant 48 : index
      %swap3A_191 = tpu.vector_load %arg10[%swap3A_189, %swap3A_190] {strides = array<i32>} : memref<128x64xf32, #tpu.memory_space<vmem>>, vector<1x16xf32>,
      %swap3A_192 = vector.shape_cast %swap3A_191 : vector<1x16xf32> to vector<16xf32>
      %swap3A_193 = vector.shape_cast %mul3A_188 : vector<16xf32> to vector<1x16xf32>
      tpu.vector_store %arg10[%swap3A_189, %swap3A_190], %swap3A_193 {strides = array<i32>} : memref<128x64xf32, #tpu.memory_space<vmem>>, vector<1x16xf32>,
      %scan3A_194 = arith.constant 0 : i32
      scf.yield %scan3A_194 : i32
    }
    %scan3A_102 = arith.constant 128 : i32
    %add3A_103 = arith.constant 0 : i32
    %add3A_104 = arith.addi %mul3A_0, %add3A_103 : i32
    "tpu.region"() ({
      %run_scoped3A = tpu.sem_alloc : memref<!tpu.dma_semaphore, #tpu.memory_space<semaphore_mem>>
      %dma_start3A_149 = arith.constant 0 : i32
      %dma_start3A_150 = arith.constant 0 : i32
      %dma_start3A_151 = tpu.memref_slice %arg10[%dma_start3A_149, %dma_start3A_150] : memref<128x64xf32, #tpu.memory_space<vmem>> -> memref<128x64xf32, #tpu.memory_space<vmem>>
      %dma_start3A_152 = arith.constant 0 : i32
      %dma_start3A_153 = tpu.memref_slice %arg6[%arg0, %add3A_104, %dma_start3A_152] : memref<2x10112x64xf32, #tpu.memory_space<hbm>> -> memref<1x128x64xf32, #tpu.memory_space<hbm>>
      %dma_start3A_154 = tpu.memref_squeeze %dma_start3A_153 : memref<1x128x64xf32, #tpu.memory_space<hbm>> -> memref<128x64xf32, #tpu.memory_space<hbm>>
      %dma_start3A_155 = arith.constant 0 : i32
      %dma_start3A_156 = tpu.memref_slice %arg6[%arg0, %add3A_104, %dma_start3A_155] : memref<2x10112x64xf32, #tpu.memory_space<hbm>> -> memref<1x128x64xf32, #tpu.memory_space<hbm>>
      %dma_start3A_157 = tpu.memref_squeeze %dma_start3A_156 : memref<1x128x64xf32, #tpu.memory_space<hbm>> -> memref<128x64xf32, #tpu.memory_space<hbm>>
      %dma_start3A_158 = arith.constant 0 : i32
      %dma_start3A_159 = arith.constant 0 : i32
      %dma_start3A_160 = tpu.memref_slice %arg10[%dma_start3A_158, %dma_start3A_159] : memref<128x64xf32, #tpu.memory_space<vmem>> -> memref<128x64xf32, #tpu.memory_space<vmem>>
      tpu.enqueue_dma source(%dma_start3A_160 : memref<128x64xf32, #tpu.memory_space<vmem>>) target(%dma_start3A_157 : memref<128x64xf32, #tpu.memory_space<hbm>>) target_semaphore(%run_scoped3A : memref<!tpu.dma_semaphore, #tpu.memory_space<semaphore_mem>>)
      %dma_wait3A_161 = arith.constant 0 : i32
      %dma_wait3A_162 = arith.constant 0 : i32
      %dma_wait3A_163 = tpu.memref_slice %arg10[%dma_wait3A_161, %dma_wait3A_162] : memref<128x64xf32, #tpu.memory_space<vmem>> -> memref<128x64xf32, #tpu.memory_space<vmem>>
      %dma_wait3A_164 = arith.constant 0 : i32
      %dma_wait3A_165 = tpu.memref_slice %arg6[%arg0, %add3A_104, %dma_wait3A_164] : memref<2x10112x64xf32, #tpu.memory_space<hbm>> -> memref<1x128x64xf32, #tpu.memory_space<hbm>>
      %dma_wait3A_166 = tpu.memref_squeeze %dma_wait3A_165 : memref<1x128x64xf32, #tpu.memory_space<hbm>> -> memref<128x64xf32, #tpu.memory_space<hbm>>
      %dma_wait3A_167 = arith.constant 0 : i32
      %dma_wait3A_168 = tpu.memref_slice %arg6[%arg0, %add3A_104, %dma_wait3A_167] : memref<2x10112x64xf32, #tpu.memory_space<hbm>> -> memref<1x128x64xf32, #tpu.memory_space<hbm>>
      %dma_wait3A_169 = tpu.memref_squeeze %dma_wait3A_168 : memref<1x128x64xf32, #tpu.memory_space<hbm>> -> memref<128x64xf32, #tpu.memory_space<hbm>>
      %dma_wait3A_170 = arith.constant 0 : i32
      %dma_wait3A_171 = arith.constant 0 : i32
      %dma_wait3A_172 = tpu.memref_slice %arg10[%dma_wait3A_170, %dma_wait3A_171] : memref<128x64xf32, #tpu.memory_space<vmem>> -> memref<128x64xf32, #tpu.memory_space<vmem>>
      tpu.wait_dma2 semaphore(%run_scoped3A : memref<!tpu.dma_semaphore, #tpu.memory_space<semaphore_mem>>) src(%dma_wait3A_172 : memref<128x64xf32, #tpu.memory_space<vmem>>) dst(%dma_wait3A_169 : memref<128x64xf32, #tpu.memory_space<hbm>>)
      tpu.yield
    }) : () -> ()
    %add3A_105 = arith.constant 128 : i32
    %add3A_106 = arith.addi %mul3A_0, %add3A_105 : i32
    "tpu.region"() ({
      %run_scoped3A = tpu.sem_alloc : memref<!tpu.dma_semaphore, #tpu.memory_space<semaphore_mem>>
      %dma_start3A_149 = arith.constant 0 : i32
      %dma_start3A_150 = arith.constant 0 : i32
      %dma_start3A_151 = tpu.memref_slice %arg11[%dma_start3A_149, %dma_start3A_150] : memref<128x64xf32, #tpu.memory_space<vmem>> -> memref<128x64xf32, #tpu.memory_space<vmem>>
      %dma_start3A_152 = arith.constant 0 : i32
      %dma_start3A_153 = tpu.memref_slice %arg12[%add3A_106, %dma_start3A_152] : memref<10112x64xf32, #tpu.memory_space<vmem_shared>> -> memref<128x64xf32, #tpu.memory_space<vmem_shared>>
      %dma_start3A_154 = arith.constant 0 : i32
      %dma_start3A_155 = arith.constant 0 : i32
      %dma_start3A_156 = tpu.memref_slice %arg11[%dma_start3A_154, %dma_start3A_155] : memref<128x64xf32, #tpu.memory_space<vmem>> -> memref<128x64xf32, #tpu.memory_space<vmem>>
      %dma_start3A_157 = arith.constant 0 : i32
      %dma_start3A_158 = tpu.memref_slice %arg12[%add3A_106, %dma_start3A_157] : memref<10112x64xf32, #tpu.memory_space<vmem_shared>> -> memref<128x64xf32, #tpu.memory_space<vmem_shared>>
      tpu.enqueue_dma source(%dma_start3A_158 : memref<128x64xf32, #tpu.memory_space<vmem_shared>>) target(%dma_start3A_156 : memref<128x64xf32, #tpu.memory_space<vmem>>) target_semaphore(%run_scoped3A : memref<!tpu.dma_semaphore, #tpu.memory_space<semaphore_mem>>)
      %dma_wait3A_159 = arith.constant 0 : i32
      %dma_wait3A_160 = arith.constant 0 : i32
      %dma_wait3A_161 = tpu.memref_slice %arg11[%dma_wait3A_159, %dma_wait3A_160] : memref<128x64xf32, #tpu.memory_space<vmem>> -> memref<128x64xf32, #tpu.memory_space<vmem>>
      %dma_wait3A_162 = arith.constant 0 : i32
      %dma_wait3A_163 = tpu.memref_slice %arg12[%add3A_106, %dma_wait3A_162] : memref<10112x64xf32, #tpu.memory_space<vmem_shared>> -> memref<128x64xf32, #tpu.memory_space<vmem_shared>>
      %dma_wait3A_164 = arith.constant 0 : i32
      %dma_wait3A_165 = arith.constant 0 : i32
      %dma_wait3A_166 = tpu.memref_slice %arg11[%dma_wait3A_164, %dma_wait3A_165] : memref<128x64xf32, #tpu.memory_space<vmem>> -> memref<128x64xf32, #tpu.memory_space<vmem>>
      %dma_wait3A_167 = arith.constant 0 : i32
      %dma_wait3A_168 = tpu.memref_slice %arg12[%add3A_106, %dma_wait3A_167] : memref<10112x64xf32, #tpu.memory_space<vmem_shared>> -> memref<128x64xf32, #tpu.memory_space<vmem_shared>>
      tpu.wait_dma2 semaphore(%run_scoped3A : memref<!tpu.dma_semaphore, #tpu.memory_space<semaphore_mem>>) src(%dma_wait3A_168 : memref<128x64xf32, #tpu.memory_space<vmem_shared>>) dst(%dma_wait3A_166 : memref<128x64xf32, #tpu.memory_space<vmem>>)
      tpu.yield
    }) : () -> ()
    %scan3A_107 = arith.constant 0 : i32
    %scan3A_108 = arith.constant 0 : i32
    %scan3A_109 = arith.constant 128 : i32
    %scan3A_110 = arith.addi %scan3A_108, %scan3A_109 : i32
    %scan3A_111 = arith.constant 1 : i32
    %scan3A_112 = scf.for %scan3A_149 = %scan3A_108 to %scan3A_110 step %scan3A_111 iter_args(%scan3A_150 = %scan3A_107) -> (i32)  : i32 {
      %add3A_151 = arith.constant 128 : i32
      %add3A_152 = arith.addi %add3A_151, %scan3A_149 : i32
      %get3A = arith.index_cast %add3A_152 : i32 to index
      %get3A_153 = tpu.vector_load %arg9[%get3A] {strides = array<i32>} : memref<648xf32, #tpu.memory_space<vmem>>, vector<16xf32>,
      %get3A_154 = vector.shape_cast %get3A_153 : vector<16xf32> to vector<16xf32>
      %slice3A = vector.extract_strided_slice %get3A_154 {offsets = [0], sizes = [1], strides = [1]} : vector<16xf32> to vector<1xf32>
      %squeeze3A = vector.extract %slice3A[0] : f32 from vector<1xf32>
      %broadcast_in_dim3A = vector.broadcast %squeeze3A : f32 to vector<16xf32>
      %get3A_155 = arith.index_cast %scan3A_149 : i32 to index
      %get3A_156 = arith.constant 0 : index
      %get3A_157 = tpu.vector_load %arg11[%get3A_155, %get3A_156] {strides = array<i32>} : memref<128x64xf32, #tpu.memory_space<vmem>>, vector<1x16xf32>,
      %get3A_158 = vector.shape_cast %get3A_157 : vector<1x16xf32> to vector<16xf32>
      %mul3A_159 = arith.mulf %get3A_158, %broadcast_in_dim3A : vector<16xf32>
      %swap3A = arith.index_cast %scan3A_149 : i32 to index
      %swap3A_160 = arith.constant 0 : index
      %swap3A_161 = tpu.vector_load %arg11[%swap3A, %swap3A_160] {strides = array<i32>} : memref<128x64xf32, #tpu.memory_space<vmem>>, vector<1x16xf32>,
      %swap3A_162 = vector.shape_cast %swap3A_161 : vector<1x16xf32> to vector<16xf32>
      %swap3A_163 = vector.shape_cast %mul3A_159 : vector<16xf32> to vector<1x16xf32>
      tpu.vector_store %arg11[%swap3A, %swap3A_160], %swap3A_163 {strides = array<i32>} : memref<128x64xf32, #tpu.memory_space<vmem>>, vector<1x16xf32>,
      %get3A_164 = arith.index_cast %scan3A_149 : i32 to index
      %get3A_165 = arith.constant 16 : index
      %get3A_166 = tpu.vector_load %arg11[%get3A_164, %get3A_165] {strides = array<i32>} : memref<128x64xf32, #tpu.memory_space<vmem>>, vector<1x16xf32>,
      %get3A_167 = vector.shape_cast %get3A_166 : vector<1x16xf32> to vector<16xf32>
      %mul3A_168 = arith.mulf %get3A_167, %broadcast_in_dim3A : vector<16xf32>
      %swap3A_169 = arith.index_cast %scan3A_149 : i32 to index
      %swap3A_170 = arith.constant 16 : index
      %swap3A_171 = tpu.vector_load %arg11[%swap3A_169, %swap3A_170] {strides = array<i32>} : memref<128x64xf32, #tpu.memory_space<vmem>>, vector<1x16xf32>,
      %swap3A_172 = vector.shape_cast %swap3A_171 : vector<1x16xf32> to vector<16xf32>
      %swap3A_173 = vector.shape_cast %mul3A_168 : vector<16xf32> to vector<1x16xf32>
      tpu.vector_store %arg11[%swap3A_169, %swap3A_170], %swap3A_173 {strides = array<i32>} : memref<128x64xf32, #tpu.memory_space<vmem>>, vector<1x16xf32>,
      %get3A_174 = arith.index_cast %scan3A_149 : i32 to index
      %get3A_175 = arith.constant 32 : index
      %get3A_176 = tpu.vector_load %arg11[%get3A_174, %get3A_175] {strides = array<i32>} : memref<128x64xf32, #tpu.memory_space<vmem>>, vector<1x16xf32>,
      %get3A_177 = vector.shape_cast %get3A_176 : vector<1x16xf32> to vector<16xf32>
      %mul3A_178 = arith.mulf %get3A_177, %broadcast_in_dim3A : vector<16xf32>
      %swap3A_179 = arith.index_cast %scan3A_149 : i32 to index
      %swap3A_180 = arith.constant 32 : index
      %swap3A_181 = tpu.vector_load %arg11[%swap3A_179, %swap3A_180] {strides = array<i32>} : memref<128x64xf32, #tpu.memory_space<vmem>>, vector<1x16xf32>,
      %swap3A_182 = vector.shape_cast %swap3A_181 : vector<1x16xf32> to vector<16xf32>
      %swap3A_183 = vector.shape_cast %mul3A_178 : vector<16xf32> to vector<1x16xf32>
      tpu.vector_store %arg11[%swap3A_179, %swap3A_180], %swap3A_183 {strides = array<i32>} : memref<128x64xf32, #tpu.memory_space<vmem>>, vector<1x16xf32>,
      %get3A_184 = arith.index_cast %scan3A_149 : i32 to index
      %get3A_185 = arith.constant 48 : index
      %get3A_186 = tpu.vector_load %arg11[%get3A_184, %get3A_185] {strides = array<i32>} : memref<128x64xf32, #tpu.memory_space<vmem>>, vector<1x16xf32>,
      %get3A_187 = vector.shape_cast %get3A_186 : vector<1x16xf32> to vector<16xf32>
      %mul3A_188 = arith.mulf %get3A_187, %broadcast_in_dim3A : vector<16xf32>
      %swap3A_189 = arith.index_cast %scan3A_149 : i32 to index
      %swap3A_190 = arith.constant 48 : index
      %swap3A_191 = tpu.vector_load %arg11[%swap3A_189, %swap3A_190] {strides = array<i32>} : memref<128x64xf32, #tpu.memory_space<vmem>>, vector<1x16xf32>,
      %swap3A_192 = vector.shape_cast %swap3A_191 : vector<1x16xf32> to vector<16xf32>
      %swap3A_193 = vector.shape_cast %mul3A_188 : vector<16xf32> to vector<1x16xf32>
      tpu.vector_store %arg11[%swap3A_189, %swap3A_190], %swap3A_193 {strides = array<i32>} : memref<128x64xf32, #tpu.memory_space<vmem>>, vector<1x16xf32>,
      %scan3A_194 = arith.constant 0 : i32
      scf.yield %scan3A_194 : i32
    }
    %scan3A_113 = arith.constant 128 : i32
    %add3A_114 = arith.constant 128 : i32
    %add3A_115 = arith.addi %mul3A_0, %add3A_114 : i32
    "tpu.region"() ({
      %run_scoped3A = tpu.sem_alloc : memref<!tpu.dma_semaphore, #tpu.memory_space<semaphore_mem>>
      %dma_start3A_149 = arith.constant 0 : i32
      %dma_start3A_150 = arith.constant 0 : i32
      %dma_start3A_151 = tpu.memref_slice %arg11[%dma_start3A_149, %dma_start3A_150] : memref<128x64xf32, #tpu.memory_space<vmem>> -> memref<128x64xf32, #tpu.memory_space<vmem>>
      %dma_start3A_152 = arith.constant 0 : i32
      %dma_start3A_153 = tpu.memref_slice %arg6[%arg0, %add3A_115, %dma_start3A_152] : memref<2x10112x64xf32, #tpu.memory_space<hbm>> -> memref<1x128x64xf32, #tpu.memory_space<hbm>>
      %dma_start3A_154 = tpu.memref_squeeze %dma_start3A_153 : memref<1x128x64xf32, #tpu.memory_space<hbm>> -> memref<128x64xf32, #tpu.memory_space<hbm>>
      %dma_start3A_155 = arith.constant 0 : i32
      %dma_start3A_156 = tpu.memref_slice %arg6[%arg0, %add3A_115, %dma_start3A_155] : memref<2x10112x64xf32, #tpu.memory_space<hbm>> -> memref<1x128x64xf32, #tpu.memory_space<hbm>>
      %dma_start3A_157 = tpu.memref_squeeze %dma_start3A_156 : memref<1x128x64xf32, #tpu.memory_space<hbm>> -> memref<128x64xf32, #tpu.memory_space<hbm>>
      %dma_start3A_158 = arith.constant 0 : i32
      %dma_start3A_159 = arith.constant 0 : i32
      %dma_start3A_160 = tpu.memref_slice %arg11[%dma_start3A_158, %dma_start3A_159] : memref<128x64xf32, #tpu.memory_space<vmem>> -> memref<128x64xf32, #tpu.memory_space<vmem>>
      tpu.enqueue_dma source(%dma_start3A_160 : memref<128x64xf32, #tpu.memory_space<vmem>>) target(%dma_start3A_157 : memref<128x64xf32, #tpu.memory_space<hbm>>) target_semaphore(%run_scoped3A : memref<!tpu.dma_semaphore, #tpu.memory_space<semaphore_mem>>)
      %dma_wait3A_161 = arith.constant 0 : i32
      %dma_wait3A_162 = arith.constant 0 : i32
      %dma_wait3A_163 = tpu.memref_slice %arg11[%dma_wait3A_161, %dma_wait3A_162] : memref<128x64xf32, #tpu.memory_space<vmem>> -> memref<128x64xf32, #tpu.memory_space<vmem>>
      %dma_wait3A_164 = arith.constant 0 : i32
      %dma_wait3A_165 = tpu.memref_slice %arg6[%arg0, %add3A_115, %dma_wait3A_164] : memref<2x10112x64xf32, #tpu.memory_space<hbm>> -> memref<1x128x64xf32, #tpu.memory_space<hbm>>
      %dma_wait3A_166 = tpu.memref_squeeze %dma_wait3A_165 : memref<1x128x64xf32, #tpu.memory_space<hbm>> -> memref<128x64xf32, #tpu.memory_space<hbm>>
      %dma_wait3A_167 = arith.constant 0 : i32
      %dma_wait3A_168 = tpu.memref_slice %arg6[%arg0, %add3A_115, %dma_wait3A_167] : memref<2x10112x64xf32, #tpu.memory_space<hbm>> -> memref<1x128x64xf32, #tpu.memory_space<hbm>>
      %dma_wait3A_169 = tpu.memref_squeeze %dma_wait3A_168 : memref<1x128x64xf32, #tpu.memory_space<hbm>> -> memref<128x64xf32, #tpu.memory_space<hbm>>
      %dma_wait3A_170 = arith.constant 0 : i32
      %dma_wait3A_171 = arith.constant 0 : i32
      %dma_wait3A_172 = tpu.memref_slice %arg11[%dma_wait3A_170, %dma_wait3A_171] : memref<128x64xf32, #tpu.memory_space<vmem>> -> memref<128x64xf32, #tpu.memory_space<vmem>>
      tpu.wait_dma2 semaphore(%run_scoped3A : memref<!tpu.dma_semaphore, #tpu.memory_space<semaphore_mem>>) src(%dma_wait3A_172 : memref<128x64xf32, #tpu.memory_space<vmem>>) dst(%dma_wait3A_169 : memref<128x64xf32, #tpu.memory_space<hbm>>)
      tpu.yield
    }) : () -> ()
    %add3A_116 = arith.constant 256 : i32
    %add3A_117 = arith.addi %mul3A_0, %add3A_116 : i32
    "tpu.region"() ({
      %run_scoped3A = tpu.sem_alloc : memref<!tpu.dma_semaphore, #tpu.memory_space<semaphore_mem>>
      %dma_start3A_149 = arith.constant 0 : i32
      %dma_start3A_150 = arith.constant 0 : i32
      %dma_start3A_151 = tpu.memref_slice %arg10[%dma_start3A_149, %dma_start3A_150] : memref<128x64xf32, #tpu.memory_space<vmem>> -> memref<128x64xf32, #tpu.memory_space<vmem>>
      %dma_start3A_152 = arith.constant 0 : i32
      %dma_start3A_153 = tpu.memref_slice %arg12[%add3A_117, %dma_start3A_152] : memref<10112x64xf32, #tpu.memory_space<vmem_shared>> -> memref<128x64xf32, #tpu.memory_space<vmem_shared>>
      %dma_start3A_154 = arith.constant 0 : i32
      %dma_start3A_155 = arith.constant 0 : i32
      %dma_start3A_156 = tpu.memref_slice %arg10[%dma_start3A_154, %dma_start3A_155] : memref<128x64xf32, #tpu.memory_space<vmem>> -> memref<128x64xf32, #tpu.memory_space<vmem>>
      %dma_start3A_157 = arith.constant 0 : i32
      %dma_start3A_158 = tpu.memref_slice %arg12[%add3A_117, %dma_start3A_157] : memref<10112x64xf32, #tpu.memory_space<vmem_shared>> -> memref<128x64xf32, #tpu.memory_space<vmem_shared>>
      tpu.enqueue_dma source(%dma_start3A_158 : memref<128x64xf32, #tpu.memory_space<vmem_shared>>) target(%dma_start3A_156 : memref<128x64xf32, #tpu.memory_space<vmem>>) target_semaphore(%run_scoped3A : memref<!tpu.dma_semaphore, #tpu.memory_space<semaphore_mem>>)
      %dma_wait3A_159 = arith.constant 0 : i32
      %dma_wait3A_160 = arith.constant 0 : i32
      %dma_wait3A_161 = tpu.memref_slice %arg10[%dma_wait3A_159, %dma_wait3A_160] : memref<128x64xf32, #tpu.memory_space<vmem>> -> memref<128x64xf32, #tpu.memory_space<vmem>>
      %dma_wait3A_162 = arith.constant 0 : i32
      %dma_wait3A_163 = tpu.memref_slice %arg12[%add3A_117, %dma_wait3A_162] : memref<10112x64xf32, #tpu.memory_space<vmem_shared>> -> memref<128x64xf32, #tpu.memory_space<vmem_shared>>
      %dma_wait3A_164 = arith.constant 0 : i32
      %dma_wait3A_165 = arith.constant 0 : i32
      %dma_wait3A_166 = tpu.memref_slice %arg10[%dma_wait3A_164, %dma_wait3A_165] : memref<128x64xf32, #tpu.memory_space<vmem>> -> memref<128x64xf32, #tpu.memory_space<vmem>>
      %dma_wait3A_167 = arith.constant 0 : i32
      %dma_wait3A_168 = tpu.memref_slice %arg12[%add3A_117, %dma_wait3A_167] : memref<10112x64xf32, #tpu.memory_space<vmem_shared>> -> memref<128x64xf32, #tpu.memory_space<vmem_shared>>
      tpu.wait_dma2 semaphore(%run_scoped3A : memref<!tpu.dma_semaphore, #tpu.memory_space<semaphore_mem>>) src(%dma_wait3A_168 : memref<128x64xf32, #tpu.memory_space<vmem_shared>>) dst(%dma_wait3A_166 : memref<128x64xf32, #tpu.memory_space<vmem>>)
      tpu.yield
    }) : () -> ()
    %scan3A_118 = arith.constant 0 : i32
    %scan3A_119 = arith.constant 0 : i32
    %scan3A_120 = arith.constant 128 : i32
    %scan3A_121 = arith.addi %scan3A_119, %scan3A_120 : i32
    %scan3A_122 = arith.constant 1 : i32
    %scan3A_123 = scf.for %scan3A_149 = %scan3A_119 to %scan3A_121 step %scan3A_122 iter_args(%scan3A_150 = %scan3A_118) -> (i32)  : i32 {
      %add3A_151 = arith.constant 256 : i32
      %add3A_152 = arith.addi %add3A_151, %scan3A_149 : i32
      %get3A = arith.index_cast %add3A_152 : i32 to index
      %get3A_153 = tpu.vector_load %arg9[%get3A] {strides = array<i32>} : memref<648xf32, #tpu.memory_space<vmem>>, vector<16xf32>,
      %get3A_154 = vector.shape_cast %get3A_153 : vector<16xf32> to vector<16xf32>
      %slice3A = vector.extract_strided_slice %get3A_154 {offsets = [0], sizes = [1], strides = [1]} : vector<16xf32> to vector<1xf32>
      %squeeze3A = vector.extract %slice3A[0] : f32 from vector<1xf32>
      %broadcast_in_dim3A = vector.broadcast %squeeze3A : f32 to vector<16xf32>
      %get3A_155 = arith.index_cast %scan3A_149 : i32 to index
      %get3A_156 = arith.constant 0 : index
      %get3A_157 = tpu.vector_load %arg10[%get3A_155, %get3A_156] {strides = array<i32>} : memref<128x64xf32, #tpu.memory_space<vmem>>, vector<1x16xf32>,
      %get3A_158 = vector.shape_cast %get3A_157 : vector<1x16xf32> to vector<16xf32>
      %mul3A_159 = arith.mulf %get3A_158, %broadcast_in_dim3A : vector<16xf32>
      %swap3A = arith.index_cast %scan3A_149 : i32 to index
      %swap3A_160 = arith.constant 0 : index
      %swap3A_161 = tpu.vector_load %arg10[%swap3A, %swap3A_160] {strides = array<i32>} : memref<128x64xf32, #tpu.memory_space<vmem>>, vector<1x16xf32>,
      %swap3A_162 = vector.shape_cast %swap3A_161 : vector<1x16xf32> to vector<16xf32>
      %swap3A_163 = vector.shape_cast %mul3A_159 : vector<16xf32> to vector<1x16xf32>
      tpu.vector_store %arg10[%swap3A, %swap3A_160], %swap3A_163 {strides = array<i32>} : memref<128x64xf32, #tpu.memory_space<vmem>>, vector<1x16xf32>,
      %get3A_164 = arith.index_cast %scan3A_149 : i32 to index
      %get3A_165 = arith.constant 16 : index
      %get3A_166 = tpu.vector_load %arg10[%get3A_164, %get3A_165] {strides = array<i32>} : memref<128x64xf32, #tpu.memory_space<vmem>>, vector<1x16xf32>,
      %get3A_167 = vector.shape_cast %get3A_166 : vector<1x16xf32> to vector<16xf32>
      %mul3A_168 = arith.mulf %get3A_167, %broadcast_in_dim3A : vector<16xf32>
      %swap3A_169 = arith.index_cast %scan3A_149 : i32 to index
      %swap3A_170 = arith.constant 16 : index
      %swap3A_171 = tpu.vector_load %arg10[%swap3A_169, %swap3A_170] {strides = array<i32>} : memref<128x64xf32, #tpu.memory_space<vmem>>, vector<1x16xf32>,
      %swap3A_172 = vector.shape_cast %swap3A_171 : vector<1x16xf32> to vector<16xf32>
      %swap3A_173 = vector.shape_cast %mul3A_168 : vector<16xf32> to vector<1x16xf32>
      tpu.vector_store %arg10[%swap3A_169, %swap3A_170], %swap3A_173 {strides = array<i32>} : memref<128x64xf32, #tpu.memory_space<vmem>>, vector<1x16xf32>,
      %get3A_174 = arith.index_cast %scan3A_149 : i32 to index
      %get3A_175 = arith.constant 32 : index
      %get3A_176 = tpu.vector_load %arg10[%get3A_174, %get3A_175] {strides = array<i32>} : memref<128x64xf32, #tpu.memory_space<vmem>>, vector<1x16xf32>,
      %get3A_177 = vector.shape_cast %get3A_176 : vector<1x16xf32> to vector<16xf32>
      %mul3A_178 = arith.mulf %get3A_177, %broadcast_in_dim3A : vector<16xf32>
      %swap3A_179 = arith.index_cast %scan3A_149 : i32 to index
      %swap3A_180 = arith.constant 32 : index
      %swap3A_181 = tpu.vector_load %arg10[%swap3A_179, %swap3A_180] {strides = array<i32>} : memref<128x64xf32, #tpu.memory_space<vmem>>, vector<1x16xf32>,
      %swap3A_182 = vector.shape_cast %swap3A_181 : vector<1x16xf32> to vector<16xf32>
      %swap3A_183 = vector.shape_cast %mul3A_178 : vector<16xf32> to vector<1x16xf32>
      tpu.vector_store %arg10[%swap3A_179, %swap3A_180], %swap3A_183 {strides = array<i32>} : memref<128x64xf32, #tpu.memory_space<vmem>>, vector<1x16xf32>,
      %get3A_184 = arith.index_cast %scan3A_149 : i32 to index
      %get3A_185 = arith.constant 48 : index
      %get3A_186 = tpu.vector_load %arg10[%get3A_184, %get3A_185] {strides = array<i32>} : memref<128x64xf32, #tpu.memory_space<vmem>>, vector<1x16xf32>,
      %get3A_187 = vector.shape_cast %get3A_186 : vector<1x16xf32> to vector<16xf32>
      %mul3A_188 = arith.mulf %get3A_187, %broadcast_in_dim3A : vector<16xf32>
      %swap3A_189 = arith.index_cast %scan3A_149 : i32 to index
      %swap3A_190 = arith.constant 48 : index
      %swap3A_191 = tpu.vector_load %arg10[%swap3A_189, %swap3A_190] {strides = array<i32>} : memref<128x64xf32, #tpu.memory_space<vmem>>, vector<1x16xf32>,
      %swap3A_192 = vector.shape_cast %swap3A_191 : vector<1x16xf32> to vector<16xf32>
      %swap3A_193 = vector.shape_cast %mul3A_188 : vector<16xf32> to vector<1x16xf32>
      tpu.vector_store %arg10[%swap3A_189, %swap3A_190], %swap3A_193 {strides = array<i32>} : memref<128x64xf32, #tpu.memory_space<vmem>>, vector<1x16xf32>,
      %scan3A_194 = arith.constant 0 : i32
      scf.yield %scan3A_194 : i32
    }
    %scan3A_124 = arith.constant 128 : i32
    %add3A_125 = arith.constant 256 : i32
    %add3A_126 = arith.addi %mul3A_0, %add3A_125 : i32
    "tpu.region"() ({
      %run_scoped3A = tpu.sem_alloc : memref<!tpu.dma_semaphore, #tpu.memory_space<semaphore_mem>>
      %dma_start3A_149 = arith.constant 0 : i32
      %dma_start3A_150 = arith.constant 0 : i32
      %dma_start3A_151 = tpu.memref_slice %arg10[%dma_start3A_149, %dma_start3A_150] : memref<128x64xf32, #tpu.memory_space<vmem>> -> memref<128x64xf32, #tpu.memory_space<vmem>>
      %dma_start3A_152 = arith.constant 0 : i32
      %dma_start3A_153 = tpu.memref_slice %arg6[%arg0, %add3A_126, %dma_start3A_152] : memref<2x10112x64xf32, #tpu.memory_space<hbm>> -> memref<1x128x64xf32, #tpu.memory_space<hbm>>
      %dma_start3A_154 = tpu.memref_squeeze %dma_start3A_153 : memref<1x128x64xf32, #tpu.memory_space<hbm>> -> memref<128x64xf32, #tpu.memory_space<hbm>>
      %dma_start3A_155 = arith.constant 0 : i32
      %dma_start3A_156 = tpu.memref_slice %arg6[%arg0, %add3A_126, %dma_start3A_155] : memref<2x10112x64xf32, #tpu.memory_space<hbm>> -> memref<1x128x64xf32, #tpu.memory_space<hbm>>
      %dma_start3A_157 = tpu.memref_squeeze %dma_start3A_156 : memref<1x128x64xf32, #tpu.memory_space<hbm>> -> memref<128x64xf32, #tpu.memory_space<hbm>>
      %dma_start3A_158 = arith.constant 0 : i32
      %dma_start3A_159 = arith.constant 0 : i32
      %dma_start3A_160 = tpu.memref_slice %arg10[%dma_start3A_158, %dma_start3A_159] : memref<128x64xf32, #tpu.memory_space<vmem>> -> memref<128x64xf32, #tpu.memory_space<vmem>>
      tpu.enqueue_dma source(%dma_start3A_160 : memref<128x64xf32, #tpu.memory_space<vmem>>) target(%dma_start3A_157 : memref<128x64xf32, #tpu.memory_space<hbm>>) target_semaphore(%run_scoped3A : memref<!tpu.dma_semaphore, #tpu.memory_space<semaphore_mem>>)
      %dma_wait3A_161 = arith.constant 0 : i32
      %dma_wait3A_162 = arith.constant 0 : i32
      %dma_wait3A_163 = tpu.memref_slice %arg10[%dma_wait3A_161, %dma_wait3A_162] : memref<128x64xf32, #tpu.memory_space<vmem>> -> memref<128x64xf32, #tpu.memory_space<vmem>>
      %dma_wait3A_164 = arith.constant 0 : i32
      %dma_wait3A_165 = tpu.memref_slice %arg6[%arg0, %add3A_126, %dma_wait3A_164] : memref<2x10112x64xf32, #tpu.memory_space<hbm>> -> memref<1x128x64xf32, #tpu.memory_space<hbm>>
      %dma_wait3A_166 = tpu.memref_squeeze %dma_wait3A_165 : memref<1x128x64xf32, #tpu.memory_space<hbm>> -> memref<128x64xf32, #tpu.memory_space<hbm>>
      %dma_wait3A_167 = arith.constant 0 : i32
      %dma_wait3A_168 = tpu.memref_slice %arg6[%arg0, %add3A_126, %dma_wait3A_167] : memref<2x10112x64xf32, #tpu.memory_space<hbm>> -> memref<1x128x64xf32, #tpu.memory_space<hbm>>
      %dma_wait3A_169 = tpu.memref_squeeze %dma_wait3A_168 : memref<1x128x64xf32, #tpu.memory_space<hbm>> -> memref<128x64xf32, #tpu.memory_space<hbm>>
      %dma_wait3A_170 = arith.constant 0 : i32
      %dma_wait3A_171 = arith.constant 0 : i32
      %dma_wait3A_172 = tpu.memref_slice %arg10[%dma_wait3A_170, %dma_wait3A_171] : memref<128x64xf32, #tpu.memory_space<vmem>> -> memref<128x64xf32, #tpu.memory_space<vmem>>
      tpu.wait_dma2 semaphore(%run_scoped3A : memref<!tpu.dma_semaphore, #tpu.memory_space<semaphore_mem>>) src(%dma_wait3A_172 : memref<128x64xf32, #tpu.memory_space<vmem>>) dst(%dma_wait3A_169 : memref<128x64xf32, #tpu.memory_space<hbm>>)
      tpu.yield
    }) : () -> ()
    %add3A_127 = arith.constant 384 : i32
    %add3A_128 = arith.addi %mul3A_0, %add3A_127 : i32
    "tpu.region"() ({
      %run_scoped3A = tpu.sem_alloc : memref<!tpu.dma_semaphore, #tpu.memory_space<semaphore_mem>>
      %dma_start3A_149 = arith.constant 0 : i32
      %dma_start3A_150 = arith.constant 0 : i32
      %dma_start3A_151 = tpu.memref_slice %arg11[%dma_start3A_149, %dma_start3A_150] : memref<128x64xf32, #tpu.memory_space<vmem>> -> memref<128x64xf32, #tpu.memory_space<vmem>>
      %dma_start3A_152 = arith.constant 0 : i32
      %dma_start3A_153 = tpu.memref_slice %arg12[%add3A_128, %dma_start3A_152] : memref<10112x64xf32, #tpu.memory_space<vmem_shared>> -> memref<128x64xf32, #tpu.memory_space<vmem_shared>>
      %dma_start3A_154 = arith.constant 0 : i32
      %dma_start3A_155 = arith.constant 0 : i32
      %dma_start3A_156 = tpu.memref_slice %arg11[%dma_start3A_154, %dma_start3A_155] : memref<128x64xf32, #tpu.memory_space<vmem>> -> memref<128x64xf32, #tpu.memory_space<vmem>>
      %dma_start3A_157 = arith.constant 0 : i32
      %dma_start3A_158 = tpu.memref_slice %arg12[%add3A_128, %dma_start3A_157] : memref<10112x64xf32, #tpu.memory_space<vmem_shared>> -> memref<128x64xf32, #tpu.memory_space<vmem_shared>>
      tpu.enqueue_dma source(%dma_start3A_158 : memref<128x64xf32, #tpu.memory_space<vmem_shared>>) target(%dma_start3A_156 : memref<128x64xf32, #tpu.memory_space<vmem>>) target_semaphore(%run_scoped3A : memref<!tpu.dma_semaphore, #tpu.memory_space<semaphore_mem>>)
      %dma_wait3A_159 = arith.constant 0 : i32
      %dma_wait3A_160 = arith.constant 0 : i32
      %dma_wait3A_161 = tpu.memref_slice %arg11[%dma_wait3A_159, %dma_wait3A_160] : memref<128x64xf32, #tpu.memory_space<vmem>> -> memref<128x64xf32, #tpu.memory_space<vmem>>
      %dma_wait3A_162 = arith.constant 0 : i32
      %dma_wait3A_163 = tpu.memref_slice %arg12[%add3A_128, %dma_wait3A_162] : memref<10112x64xf32, #tpu.memory_space<vmem_shared>> -> memref<128x64xf32, #tpu.memory_space<vmem_shared>>
      %dma_wait3A_164 = arith.constant 0 : i32
      %dma_wait3A_165 = arith.constant 0 : i32
      %dma_wait3A_166 = tpu.memref_slice %arg11[%dma_wait3A_164, %dma_wait3A_165] : memref<128x64xf32, #tpu.memory_space<vmem>> -> memref<128x64xf32, #tpu.memory_space<vmem>>
      %dma_wait3A_167 = arith.constant 0 : i32
      %dma_wait3A_168 = tpu.memref_slice %arg12[%add3A_128, %dma_wait3A_167] : memref<10112x64xf32, #tpu.memory_space<vmem_shared>> -> memref<128x64xf32, #tpu.memory_space<vmem_shared>>
      tpu.wait_dma2 semaphore(%run_scoped3A : memref<!tpu.dma_semaphore, #tpu.memory_space<semaphore_mem>>) src(%dma_wait3A_168 : memref<128x64xf32, #tpu.memory_space<vmem_shared>>) dst(%dma_wait3A_166 : memref<128x64xf32, #tpu.memory_space<vmem>>)
      tpu.yield
    }) : () -> ()
    %scan3A_129 = arith.constant 0 : i32
    %scan3A_130 = arith.constant 0 : i32
    %scan3A_131 = arith.constant 128 : i32
    %scan3A_132 = arith.addi %scan3A_130, %scan3A_131 : i32
    %scan3A_133 = arith.constant 1 : i32
    %scan3A_134 = scf.for %scan3A_149 = %scan3A_130 to %scan3A_132 step %scan3A_133 iter_args(%scan3A_150 = %scan3A_129) -> (i32)  : i32 {
      %add3A_151 = arith.constant 384 : i32
      %add3A_152 = arith.addi %add3A_151, %scan3A_149 : i32
      %get3A = arith.index_cast %add3A_152 : i32 to index
      %get3A_153 = tpu.vector_load %arg9[%get3A] {strides = array<i32>} : memref<648xf32, #tpu.memory_space<vmem>>, vector<16xf32>,
      %get3A_154 = vector.shape_cast %get3A_153 : vector<16xf32> to vector<16xf32>
      %slice3A = vector.extract_strided_slice %get3A_154 {offsets = [0], sizes = [1], strides = [1]} : vector<16xf32> to vector<1xf32>
      %squeeze3A = vector.extract %slice3A[0] : f32 from vector<1xf32>
      %broadcast_in_dim3A = vector.broadcast %squeeze3A : f32 to vector<16xf32>
      %get3A_155 = arith.index_cast %scan3A_149 : i32 to index
      %get3A_156 = arith.constant 0 : index
      %get3A_157 = tpu.vector_load %arg11[%get3A_155, %get3A_156] {strides = array<i32>} : memref<128x64xf32, #tpu.memory_space<vmem>>, vector<1x16xf32>,
      %get3A_158 = vector.shape_cast %get3A_157 : vector<1x16xf32> to vector<16xf32>
      %mul3A_159 = arith.mulf %get3A_158, %broadcast_in_dim3A : vector<16xf32>
      %swap3A = arith.index_cast %scan3A_149 : i32 to index
      %swap3A_160 = arith.constant 0 : index
      %swap3A_161 = tpu.vector_load %arg11[%swap3A, %swap3A_160] {strides = array<i32>} : memref<128x64xf32, #tpu.memory_space<vmem>>, vector<1x16xf32>,
      %swap3A_162 = vector.shape_cast %swap3A_161 : vector<1x16xf32> to vector<16xf32>
      %swap3A_163 = vector.shape_cast %mul3A_159 : vector<16xf32> to vector<1x16xf32>
      tpu.vector_store %arg11[%swap3A, %swap3A_160], %swap3A_163 {strides = array<i32>} : memref<128x64xf32, #tpu.memory_space<vmem>>, vector<1x16xf32>,
      %get3A_164 = arith.index_cast %scan3A_149 : i32 to index
      %get3A_165 = arith.constant 16 : index
      %get3A_166 = tpu.vector_load %arg11[%get3A_164, %get3A_165] {strides = array<i32>} : memref<128x64xf32, #tpu.memory_space<vmem>>, vector<1x16xf32>,
      %get3A_167 = vector.shape_cast %get3A_166 : vector<1x16xf32> to vector<16xf32>
      %mul3A_168 = arith.mulf %get3A_167, %broadcast_in_dim3A : vector<16xf32>
      %swap3A_169 = arith.index_cast %scan3A_149 : i32 to index
      %swap3A_170 = arith.constant 16 : index
      %swap3A_171 = tpu.vector_load %arg11[%swap3A_169, %swap3A_170] {strides = array<i32>} : memref<128x64xf32, #tpu.memory_space<vmem>>, vector<1x16xf32>,
      %swap3A_172 = vector.shape_cast %swap3A_171 : vector<1x16xf32> to vector<16xf32>
      %swap3A_173 = vector.shape_cast %mul3A_168 : vector<16xf32> to vector<1x16xf32>
      tpu.vector_store %arg11[%swap3A_169, %swap3A_170], %swap3A_173 {strides = array<i32>} : memref<128x64xf32, #tpu.memory_space<vmem>>, vector<1x16xf32>,
      %get3A_174 = arith.index_cast %scan3A_149 : i32 to index
      %get3A_175 = arith.constant 32 : index
      %get3A_176 = tpu.vector_load %arg11[%get3A_174, %get3A_175] {strides = array<i32>} : memref<128x64xf32, #tpu.memory_space<vmem>>, vector<1x16xf32>,
      %get3A_177 = vector.shape_cast %get3A_176 : vector<1x16xf32> to vector<16xf32>
      %mul3A_178 = arith.mulf %get3A_177, %broadcast_in_dim3A : vector<16xf32>
      %swap3A_179 = arith.index_cast %scan3A_149 : i32 to index
      %swap3A_180 = arith.constant 32 : index
      %swap3A_181 = tpu.vector_load %arg11[%swap3A_179, %swap3A_180] {strides = array<i32>} : memref<128x64xf32, #tpu.memory_space<vmem>>, vector<1x16xf32>,
      %swap3A_182 = vector.shape_cast %swap3A_181 : vector<1x16xf32> to vector<16xf32>
      %swap3A_183 = vector.shape_cast %mul3A_178 : vector<16xf32> to vector<1x16xf32>
      tpu.vector_store %arg11[%swap3A_179, %swap3A_180], %swap3A_183 {strides = array<i32>} : memref<128x64xf32, #tpu.memory_space<vmem>>, vector<1x16xf32>,
      %get3A_184 = arith.index_cast %scan3A_149 : i32 to index
      %get3A_185 = arith.constant 48 : index
      %get3A_186 = tpu.vector_load %arg11[%get3A_184, %get3A_185] {strides = array<i32>} : memref<128x64xf32, #tpu.memory_space<vmem>>, vector<1x16xf32>,
      %get3A_187 = vector.shape_cast %get3A_186 : vector<1x16xf32> to vector<16xf32>
      %mul3A_188 = arith.mulf %get3A_187, %broadcast_in_dim3A : vector<16xf32>
      %swap3A_189 = arith.index_cast %scan3A_149 : i32 to index
      %swap3A_190 = arith.constant 48 : index
      %swap3A_191 = tpu.vector_load %arg11[%swap3A_189, %swap3A_190] {strides = array<i32>} : memref<128x64xf32, #tpu.memory_space<vmem>>, vector<1x16xf32>,
      %swap3A_192 = vector.shape_cast %swap3A_191 : vector<1x16xf32> to vector<16xf32>
      %swap3A_193 = vector.shape_cast %mul3A_188 : vector<16xf32> to vector<1x16xf32>
      tpu.vector_store %arg11[%swap3A_189, %swap3A_190], %swap3A_193 {strides = array<i32>} : memref<128x64xf32, #tpu.memory_space<vmem>>, vector<1x16xf32>,
      %scan3A_194 = arith.constant 0 : i32
      scf.yield %scan3A_194 : i32
    }
    %scan3A_135 = arith.constant 128 : i32
    %add3A_136 = arith.constant 384 : i32
    %add3A_137 = arith.addi %mul3A_0, %add3A_136 : i32
    "tpu.region"() ({
      %run_scoped3A = tpu.sem_alloc : memref<!tpu.dma_semaphore, #tpu.memory_space<semaphore_mem>>
      %dma_start3A_149 = arith.constant 0 : i32
      %dma_start3A_150 = arith.constant 0 : i32
      %dma_start3A_151 = tpu.memref_slice %arg11[%dma_start3A_149, %dma_start3A_150] : memref<128x64xf32, #tpu.memory_space<vmem>> -> memref<128x64xf32, #tpu.memory_space<vmem>>
      %dma_start3A_152 = arith.constant 0 : i32
      %dma_start3A_153 = tpu.memref_slice %arg6[%arg0, %add3A_137, %dma_start3A_152] : memref<2x10112x64xf32, #tpu.memory_space<hbm>> -> memref<1x128x64xf32, #tpu.memory_space<hbm>>
      %dma_start3A_154 = tpu.memref_squeeze %dma_start3A_153 : memref<1x128x64xf32, #tpu.memory_space<hbm>> -> memref<128x64xf32, #tpu.memory_space<hbm>>
      %dma_start3A_155 = arith.constant 0 : i32
      %dma_start3A_156 = tpu.memref_slice %arg6[%arg0, %add3A_137, %dma_start3A_155] : memref<2x10112x64xf32, #tpu.memory_space<hbm>> -> memref<1x128x64xf32, #tpu.memory_space<hbm>>
      %dma_start3A_157 = tpu.memref_squeeze %dma_start3A_156 : memref<1x128x64xf32, #tpu.memory_space<hbm>> -> memref<128x64xf32, #tpu.memory_space<hbm>>
      %dma_start3A_158 = arith.constant 0 : i32
      %dma_start3A_159 = arith.constant 0 : i32
      %dma_start3A_160 = tpu.memref_slice %arg11[%dma_start3A_158, %dma_start3A_159] : memref<128x64xf32, #tpu.memory_space<vmem>> -> memref<128x64xf32, #tpu.memory_space<vmem>>
      tpu.enqueue_dma source(%dma_start3A_160 : memref<128x64xf32, #tpu.memory_space<vmem>>) target(%dma_start3A_157 : memref<128x64xf32, #tpu.memory_space<hbm>>) target_semaphore(%run_scoped3A : memref<!tpu.dma_semaphore, #tpu.memory_space<semaphore_mem>>)
      %dma_wait3A_161 = arith.constant 0 : i32
      %dma_wait3A_162 = arith.constant 0 : i32
      %dma_wait3A_163 = tpu.memref_slice %arg11[%dma_wait3A_161, %dma_wait3A_162] : memref<128x64xf32, #tpu.memory_space<vmem>> -> memref<128x64xf32, #tpu.memory_space<vmem>>
      %dma_wait3A_164 = arith.constant 0 : i32
      %dma_wait3A_165 = tpu.memref_slice %arg6[%arg0, %add3A_137, %dma_wait3A_164] : memref<2x10112x64xf32, #tpu.memory_space<hbm>> -> memref<1x128x64xf32, #tpu.memory_space<hbm>>
      %dma_wait3A_166 = tpu.memref_squeeze %dma_wait3A_165 : memref<1x128x64xf32, #tpu.memory_space<hbm>> -> memref<128x64xf32, #tpu.memory_space<hbm>>
      %dma_wait3A_167 = arith.constant 0 : i32
      %dma_wait3A_168 = tpu.memref_slice %arg6[%arg0, %add3A_137, %dma_wait3A_167] : memref<2x10112x64xf32, #tpu.memory_space<hbm>> -> memref<1x128x64xf32, #tpu.memory_space<hbm>>
      %dma_wait3A_169 = tpu.memref_squeeze %dma_wait3A_168 : memref<1x128x64xf32, #tpu.memory_space<hbm>> -> memref<128x64xf32, #tpu.memory_space<hbm>>
      %dma_wait3A_170 = arith.constant 0 : i32
      %dma_wait3A_171 = arith.constant 0 : i32
      %dma_wait3A_172 = tpu.memref_slice %arg11[%dma_wait3A_170, %dma_wait3A_171] : memref<128x64xf32, #tpu.memory_space<vmem>> -> memref<128x64xf32, #tpu.memory_space<vmem>>
      tpu.wait_dma2 semaphore(%run_scoped3A : memref<!tpu.dma_semaphore, #tpu.memory_space<semaphore_mem>>) src(%dma_wait3A_172 : memref<128x64xf32, #tpu.memory_space<vmem>>) dst(%dma_wait3A_169 : memref<128x64xf32, #tpu.memory_space<hbm>>)
      tpu.yield
    }) : () -> ()
    %add3A_138 = arith.constant 512 : i32
    %add3A_139 = arith.addi %mul3A_0, %add3A_138 : i32
    "tpu.region"() ({
      %run_scoped3A = tpu.sem_alloc : memref<!tpu.dma_semaphore, #tpu.memory_space<semaphore_mem>>
      %dma_start3A_149 = arith.constant 0 : i32
      %dma_start3A_150 = arith.constant 0 : i32
      %dma_start3A_151 = tpu.memref_slice %arg10[%dma_start3A_149, %dma_start3A_150] : memref<128x64xf32, #tpu.memory_space<vmem>> -> memref<120x64xf32, #tpu.memory_space<vmem>>
      %dma_start3A_152 = arith.constant 0 : i32
      %dma_start3A_153 = tpu.memref_slice %arg12[%add3A_139, %dma_start3A_152] : memref<10112x64xf32, #tpu.memory_space<vmem_shared>> -> memref<120x64xf32, #tpu.memory_space<vmem_shared>>
      %dma_start3A_154 = arith.constant 0 : i32
      %dma_start3A_155 = arith.constant 0 : i32
      %dma_start3A_156 = tpu.memref_slice %arg10[%dma_start3A_154, %dma_start3A_155] : memref<128x64xf32, #tpu.memory_space<vmem>> -> memref<120x64xf32, #tpu.memory_space<vmem>>
      %dma_start3A_157 = arith.constant 0 : i32
      %dma_start3A_158 = tpu.memref_slice %arg12[%add3A_139, %dma_start3A_157] : memref<10112x64xf32, #tpu.memory_space<vmem_shared>> -> memref<120x64xf32, #tpu.memory_space<vmem_shared>>
      tpu.enqueue_dma source(%dma_start3A_158 : memref<120x64xf32, #tpu.memory_space<vmem_shared>>) target(%dma_start3A_156 : memref<120x64xf32, #tpu.memory_space<vmem>>) target_semaphore(%run_scoped3A : memref<!tpu.dma_semaphore, #tpu.memory_space<semaphore_mem>>)
      %dma_wait3A_159 = arith.constant 0 : i32
      %dma_wait3A_160 = arith.constant 0 : i32
      %dma_wait3A_161 = tpu.memref_slice %arg10[%dma_wait3A_159, %dma_wait3A_160] : memref<128x64xf32, #tpu.memory_space<vmem>> -> memref<120x64xf32, #tpu.memory_space<vmem>>
      %dma_wait3A_162 = arith.constant 0 : i32
      %dma_wait3A_163 = tpu.memref_slice %arg12[%add3A_139, %dma_wait3A_162] : memref<10112x64xf32, #tpu.memory_space<vmem_shared>> -> memref<120x64xf32, #tpu.memory_space<vmem_shared>>
      %dma_wait3A_164 = arith.constant 0 : i32
      %dma_wait3A_165 = arith.constant 0 : i32
      %dma_wait3A_166 = tpu.memref_slice %arg10[%dma_wait3A_164, %dma_wait3A_165] : memref<128x64xf32, #tpu.memory_space<vmem>> -> memref<120x64xf32, #tpu.memory_space<vmem>>
      %dma_wait3A_167 = arith.constant 0 : i32
      %dma_wait3A_168 = tpu.memref_slice %arg12[%add3A_139, %dma_wait3A_167] : memref<10112x64xf32, #tpu.memory_space<vmem_shared>> -> memref<120x64xf32, #tpu.memory_space<vmem_shared>>
      tpu.wait_dma2 semaphore(%run_scoped3A : memref<!tpu.dma_semaphore, #tpu.memory_space<semaphore_mem>>) src(%dma_wait3A_168 : memref<120x64xf32, #tpu.memory_space<vmem_shared>>) dst(%dma_wait3A_166 : memref<120x64xf32, #tpu.memory_space<vmem>>)
      tpu.yield
    }) : () -> ()
    %scan3A_140 = arith.constant 0 : i32
    %scan3A_141 = arith.constant 0 : i32
    %scan3A_142 = arith.constant 120 : i32
    %scan3A_143 = arith.addi %scan3A_141, %scan3A_142 : i32
    %scan3A_144 = arith.constant 1 : i32
    %scan3A_145 = scf.for %scan3A_149 = %scan3A_141 to %scan3A_143 step %scan3A_144 iter_args(%scan3A_150 = %scan3A_140) -> (i32)  : i32 {
      %add3A_151 = arith.constant 512 : i32
      %add3A_152 = arith.addi %add3A_151, %scan3A_149 : i32
      %get3A = arith.index_cast %add3A_152 : i32 to index
      %get3A_153 = tpu.vector_load %arg9[%get3A] {strides = array<i32>} : memref<648xf32, #tpu.memory_space<vmem>>, vector<16xf32>,
      %get3A_154 = vector.shape_cast %get3A_153 : vector<16xf32> to vector<16xf32>
      %slice3A = vector.extract_strided_slice %get3A_154 {offsets = [0], sizes = [1], strides = [1]} : vector<16xf32> to vector<1xf32>
      %squeeze3A = vector.extract %slice3A[0] : f32 from vector<1xf32>
      %broadcast_in_dim3A = vector.broadcast %squeeze3A : f32 to vector<16xf32>
      %get3A_155 = arith.index_cast %scan3A_149 : i32 to index
      %get3A_156 = arith.constant 0 : index
      %get3A_157 = tpu.vector_load %arg10[%get3A_155, %get3A_156] {strides = array<i32>} : memref<128x64xf32, #tpu.memory_space<vmem>>, vector<1x16xf32>,
      %get3A_158 = vector.shape_cast %get3A_157 : vector<1x16xf32> to vector<16xf32>
      %mul3A_159 = arith.mulf %get3A_158, %broadcast_in_dim3A : vector<16xf32>
      %swap3A = arith.index_cast %scan3A_149 : i32 to index
      %swap3A_160 = arith.constant 0 : index
      %swap3A_161 = tpu.vector_load %arg10[%swap3A, %swap3A_160] {strides = array<i32>} : memref<128x64xf32, #tpu.memory_space<vmem>>, vector<1x16xf32>,
      %swap3A_162 = vector.shape_cast %swap3A_161 : vector<1x16xf32> to vector<16xf32>
      %swap3A_163 = vector.shape_cast %mul3A_159 : vector<16xf32> to vector<1x16xf32>
      tpu.vector_store %arg10[%swap3A, %swap3A_160], %swap3A_163 {strides = array<i32>} : memref<128x64xf32, #tpu.memory_space<vmem>>, vector<1x16xf32>,
      %get3A_164 = arith.index_cast %scan3A_149 : i32 to index
      %get3A_165 = arith.constant 16 : index
      %get3A_166 = tpu.vector_load %arg10[%get3A_164, %get3A_165] {strides = array<i32>} : memref<128x64xf32, #tpu.memory_space<vmem>>, vector<1x16xf32>,
      %get3A_167 = vector.shape_cast %get3A_166 : vector<1x16xf32> to vector<16xf32>
      %mul3A_168 = arith.mulf %get3A_167, %broadcast_in_dim3A : vector<16xf32>
      %swap3A_169 = arith.index_cast %scan3A_149 : i32 to index
      %swap3A_170 = arith.constant 16 : index
      %swap3A_171 = tpu.vector_load %arg10[%swap3A_169, %swap3A_170] {strides = array<i32>} : memref<128x64xf32, #tpu.memory_space<vmem>>, vector<1x16xf32>,
      %swap3A_172 = vector.shape_cast %swap3A_171 : vector<1x16xf32> to vector<16xf32>
      %swap3A_173 = vector.shape_cast %mul3A_168 : vector<16xf32> to vector<1x16xf32>
      tpu.vector_store %arg10[%swap3A_169, %swap3A_170], %swap3A_173 {strides = array<i32>} : memref<128x64xf32, #tpu.memory_space<vmem>>, vector<1x16xf32>,
      %get3A_174 = arith.index_cast %scan3A_149 : i32 to index
      %get3A_175 = arith.constant 32 : index
      %get3A_176 = tpu.vector_load %arg10[%get3A_174, %get3A_175] {strides = array<i32>} : memref<128x64xf32, #tpu.memory_space<vmem>>, vector<1x16xf32>,
      %get3A_177 = vector.shape_cast %get3A_176 : vector<1x16xf32> to vector<16xf32>
      %mul3A_178 = arith.mulf %get3A_177, %broadcast_in_dim3A : vector<16xf32>
      %swap3A_179 = arith.index_cast %scan3A_149 : i32 to index
      %swap3A_180 = arith.constant 32 : index
      %swap3A_181 = tpu.vector_load %arg10[%swap3A_179, %swap3A_180] {strides = array<i32>} : memref<128x64xf32, #tpu.memory_space<vmem>>, vector<1x16xf32>,
      %swap3A_182 = vector.shape_cast %swap3A_181 : vector<1x16xf32> to vector<16xf32>
      %swap3A_183 = vector.shape_cast %mul3A_178 : vector<16xf32> to vector<1x16xf32>
      tpu.vector_store %arg10[%swap3A_179, %swap3A_180], %swap3A_183 {strides = array<i32>} : memref<128x64xf32, #tpu.memory_space<vmem>>, vector<1x16xf32>,
      %get3A_184 = arith.index_cast %scan3A_149 : i32 to index
      %get3A_185 = arith.constant 48 : index
      %get3A_186 = tpu.vector_load %arg10[%get3A_184, %get3A_185] {strides = array<i32>} : memref<128x64xf32, #tpu.memory_space<vmem>>, vector<1x16xf32>,
      %get3A_187 = vector.shape_cast %get3A_186 : vector<1x16xf32> to vector<16xf32>
      %mul3A_188 = arith.mulf %get3A_187, %broadcast_in_dim3A : vector<16xf32>
      %swap3A_189 = arith.index_cast %scan3A_149 : i32 to index
      %swap3A_190 = arith.constant 48 : index
      %swap3A_191 = tpu.vector_load %arg10[%swap3A_189, %swap3A_190] {strides = array<i32>} : memref<128x64xf32, #tpu.memory_space<vmem>>, vector<1x16xf32>,
      %swap3A_192 = vector.shape_cast %swap3A_191 : vector<1x16xf32> to vector<16xf32>
      %swap3A_193 = vector.shape_cast %mul3A_188 : vector<16xf32> to vector<1x16xf32>
      tpu.vector_store %arg10[%swap3A_189, %swap3A_190], %swap3A_193 {strides = array<i32>} : memref<128x64xf32, #tpu.memory_space<vmem>>, vector<1x16xf32>,
      %scan3A_194 = arith.constant 0 : i32
      scf.yield %scan3A_194 : i32
    }
    %scan3A_146 = arith.constant 120 : i32
    %add3A_147 = arith.constant 512 : i32
    %add3A_148 = arith.addi %mul3A_0, %add3A_147 : i32
    "tpu.region"() ({
      %run_scoped3A = tpu.sem_alloc : memref<!tpu.dma_semaphore, #tpu.memory_space<semaphore_mem>>
      %dma_start3A_149 = arith.constant 0 : i32
      %dma_start3A_150 = arith.constant 0 : i32
      %dma_start3A_151 = tpu.memref_slice %arg10[%dma_start3A_149, %dma_start3A_150] : memref<128x64xf32, #tpu.memory_space<vmem>> -> memref<120x64xf32, #tpu.memory_space<vmem>>
      %dma_start3A_152 = arith.constant 0 : i32
      %dma_start3A_153 = tpu.memref_slice %arg6[%arg0, %add3A_148, %dma_start3A_152] : memref<2x10112x64xf32, #tpu.memory_space<hbm>> -> memref<1x120x64xf32, #tpu.memory_space<hbm>>
      %dma_start3A_154 = tpu.memref_squeeze %dma_start3A_153 : memref<1x120x64xf32, #tpu.memory_space<hbm>> -> memref<120x64xf32, #tpu.memory_space<hbm>>
      %dma_start3A_155 = arith.constant 0 : i32
      %dma_start3A_156 = tpu.memref_slice %arg6[%arg0, %add3A_148, %dma_start3A_155] : memref<2x10112x64xf32, #tpu.memory_space<hbm>> -> memref<1x120x64xf32, #tpu.memory_space<hbm>>
      %dma_start3A_157 = tpu.memref_squeeze %dma_start3A_156 : memref<1x120x64xf32, #tpu.memory_space<hbm>> -> memref<120x64xf32, #tpu.memory_space<hbm>>
      %dma_start3A_158 = arith.constant 0 : i32
      %dma_start3A_159 = arith.constant 0 : i32
      %dma_start3A_160 = tpu.memref_slice %arg10[%dma_start3A_158, %dma_start3A_159] : memref<128x64xf32, #tpu.memory_space<vmem>> -> memref<120x64xf32, #tpu.memory_space<vmem>>
      tpu.enqueue_dma source(%dma_start3A_160 : memref<120x64xf32, #tpu.memory_space<vmem>>) target(%dma_start3A_157 : memref<120x64xf32, #tpu.memory_space<hbm>>) target_semaphore(%run_scoped3A : memref<!tpu.dma_semaphore, #tpu.memory_space<semaphore_mem>>)
      %dma_wait3A_161 = arith.constant 0 : i32
      %dma_wait3A_162 = arith.constant 0 : i32
      %dma_wait3A_163 = tpu.memref_slice %arg10[%dma_wait3A_161, %dma_wait3A_162] : memref<128x64xf32, #tpu.memory_space<vmem>> -> memref<120x64xf32, #tpu.memory_space<vmem>>
      %dma_wait3A_164 = arith.constant 0 : i32
      %dma_wait3A_165 = tpu.memref_slice %arg6[%arg0, %add3A_148, %dma_wait3A_164] : memref<2x10112x64xf32, #tpu.memory_space<hbm>> -> memref<1x120x64xf32, #tpu.memory_space<hbm>>
      %dma_wait3A_166 = tpu.memref_squeeze %dma_wait3A_165 : memref<1x120x64xf32, #tpu.memory_space<hbm>> -> memref<120x64xf32, #tpu.memory_space<hbm>>
      %dma_wait3A_167 = arith.constant 0 : i32
      %dma_wait3A_168 = tpu.memref_slice %arg6[%arg0, %add3A_148, %dma_wait3A_167] : memref<2x10112x64xf32, #tpu.memory_space<hbm>> -> memref<1x120x64xf32, #tpu.memory_space<hbm>>
      %dma_wait3A_169 = tpu.memref_squeeze %dma_wait3A_168 : memref<1x120x64xf32, #tpu.memory_space<hbm>> -> memref<120x64xf32, #tpu.memory_space<hbm>>
      %dma_wait3A_170 = arith.constant 0 : i32
      %dma_wait3A_171 = arith.constant 0 : i32
      %dma_wait3A_172 = tpu.memref_slice %arg10[%dma_wait3A_170, %dma_wait3A_171] : memref<128x64xf32, #tpu.memory_space<vmem>> -> memref<120x64xf32, #tpu.memory_space<vmem>>
      tpu.wait_dma2 semaphore(%run_scoped3A : memref<!tpu.dma_semaphore, #tpu.memory_space<semaphore_mem>>) src(%dma_wait3A_172 : memref<120x64xf32, #tpu.memory_space<vmem>>) dst(%dma_wait3A_169 : memref<120x64xf32, #tpu.memory_space<hbm>>)
      tpu.yield
    }) : () -> ()
    return
  }
}

module attributes {stable_mosaic.version = 14 : i64} {
  func.func @_prep_body(%arg0: i32, %arg1: memref<2000x1xf32, #tpu.memory_space<vmem>>, %arg2: memref<2000x1xf32, #tpu.memory_space<vmem>>, %arg3: memref<2000x128xf32, #tpu.memory_space<vmem>>, %arg4: memref<2x2000x64xf32, #tpu.memory_space<vmem>>, %arg5: memref<2000x1xf32, #tpu.memory_space<vmem>>, %arg6: memref<2000x1xf32, #tpu.memory_space<vmem>>) attributes {dimension_semantics = [#tpu.dimension_semantics<arbitrary>], iteration_bounds = array<i64: 5>, scalar_prefetch = 0 : i64, scratch_operands = 0 : i64, tpu.core_type = #tpu.core_type<tc>, window_params = [{transform_indices = @transform_0, window_bounds = array<i64: 2000, 1>}, {transform_indices = @transform_1, window_bounds = array<i64: 2000, 1>}, {transform_indices = @transform_2, window_bounds = array<i64: 2000, 128>}, {transform_indices = @transform_3, window_bounds = array<i64: 2, 2000, 64>}, {transform_indices = @transform_4, window_bounds = array<i64: 2000, 1>}, {transform_indices = @transform_5, window_bounds = array<i64: 2000, 1>}]} {
    %get3A = arith.constant 0 : index
    %get3A_0 = arith.constant 0 : index
    %get3A_1 = vector.load %arg1[%get3A, %get3A_0] : memref<2000x1xf32, #tpu.memory_space<vmem>>, vector<2000x1xf32>
    %get3A_2 = arith.constant 0 : index
    %get3A_3 = arith.constant 0 : index
    %get3A_4 = vector.load %arg2[%get3A_2, %get3A_3] : memref<2000x1xf32, #tpu.memory_space<vmem>>, vector<2000x1xf32>
    %add3A = arith.addf %get3A_1, %get3A_4 : vector<2000x1xf32>
    %max3A = arith.constant 9.99999996E-13 : f32
    %max3A_5 = vector.broadcast %max3A : f32 to vector<2000x1xf32>
    %max3A_6 = arith.maximumf %add3A, %max3A_5 : vector<2000x1xf32>
    %rsqrt3A = math.rsqrt %max3A_6 : vector<2000x1xf32>
    %gt3A = arith.constant 0.000000e+00 : f32
    %gt3A_7 = vector.broadcast %gt3A : f32 to vector<2000x1xf32>
    %gt3A_8 = arith.cmpf ogt, %add3A, %gt3A_7 : vector<2000x1xf32>
    %jit3A = arith.constant 0.000000e+00 : f32
    %broadcast_in_dim3A = vector.broadcast %jit3A : f32 to vector<2000x1xf32>
    %select_n3A = arith.select %gt3A_8, %rsqrt3A, %broadcast_in_dim3A : vector<2000x1xi1>, vector<2000x1xf32>
    %swap3A = arith.constant 0 : index
    %swap3A_9 = arith.constant 0 : index
    %swap3A_10 = vector.load %arg5[%swap3A, %swap3A_9] : memref<2000x1xf32, #tpu.memory_space<vmem>>, vector<2000x1xf32>
    tpu.vector_store %arg5[%swap3A, %swap3A_9], %select_n3A {strides = array<i32>} : memref<2000x1xf32, #tpu.memory_space<vmem>>, vector<2000x1xf32>,
    %mul3A = arith.mulf %select_n3A, %select_n3A : vector<2000x1xf32>
    %swap3A_11 = arith.constant 0 : index
    %swap3A_12 = arith.constant 0 : index
    %swap3A_13 = vector.load %arg6[%swap3A_11, %swap3A_12] : memref<2000x1xf32, #tpu.memory_space<vmem>>, vector<2000x1xf32>
    tpu.vector_store %arg6[%swap3A_11, %swap3A_12], %mul3A {strides = array<i32>} : memref<2000x1xf32, #tpu.memory_space<vmem>>, vector<2000x1xf32>,
    %get3A_14 = arith.constant 0 : index
    %get3A_15 = arith.constant 0 : index
    %get3A_16 = vector.load %arg3[%get3A_14, %get3A_15] : memref<2000x128xf32, #tpu.memory_space<vmem>>, vector<2000x128xf32>
    %mul3A_17 = vector.broadcast %select_n3A : vector<2000x1xf32> to vector<2000x128xf32>
    %mul3A_18 = arith.mulf %get3A_16, %mul3A_17 : vector<2000x128xf32>
    %slice3A = vector.extract_strided_slice %mul3A_18 {offsets = [0, 0], sizes = [2000, 64], strides = [1, 1]} : vector<2000x128xf32> to vector<2000x64xf32>
    %swap3A_19 = arith.constant 0 : index
    %swap3A_20 = arith.constant 0 : index
    %swap3A_21 = arith.constant 0 : index
    %swap3A_22 = vector.load %arg4[%swap3A_19, %swap3A_20, %swap3A_21] : memref<2x2000x64xf32, #tpu.memory_space<vmem>>, vector<1x2000x64xf32>
    %swap3A_23 = vector.shape_cast %swap3A_22 : vector<1x2000x64xf32> to vector<2000x64xf32>
    %swap3A_24 = vector.shape_cast %slice3A : vector<2000x64xf32> to vector<1x2000x64xf32>
    tpu.vector_store %arg4[%swap3A_19, %swap3A_20, %swap3A_21], %swap3A_24 {strides = array<i32>} : memref<2x2000x64xf32, #tpu.memory_space<vmem>>, vector<1x2000x64xf32>,
    %slice3A_25 = vector.extract_strided_slice %mul3A_18 {offsets = [0, 64], sizes = [2000, 64], strides = [1, 1]} : vector<2000x128xf32> to vector<2000x64xf32>
    %swap3A_26 = arith.constant 1 : index
    %swap3A_27 = arith.constant 0 : index
    %swap3A_28 = arith.constant 0 : index
    %swap3A_29 = vector.load %arg4[%swap3A_26, %swap3A_27, %swap3A_28] : memref<2x2000x64xf32, #tpu.memory_space<vmem>>, vector<1x2000x64xf32>
    %swap3A_30 = vector.shape_cast %swap3A_29 : vector<1x2000x64xf32> to vector<2000x64xf32>
    %swap3A_31 = vector.shape_cast %slice3A_25 : vector<2000x64xf32> to vector<1x2000x64xf32>
    tpu.vector_store %arg4[%swap3A_26, %swap3A_27, %swap3A_28], %swap3A_31 {strides = array<i32>} : memref<2x2000x64xf32, #tpu.memory_space<vmem>>, vector<1x2000x64xf32>,
    return
  }
  func.func @transform_0(%arg0: i32) -> (i32, i32) {
    %c0_i32 = arith.constant 0 : i32
    %c0_i32_0 = arith.constant 0 : i32
    return %arg0, %c0_i32 : i32, i32
  }
  func.func @transform_1(%arg0: i32) -> (i32, i32) {
    %c0_i32 = arith.constant 0 : i32
    %c0_i32_0 = arith.constant 0 : i32
    return %arg0, %c0_i32 : i32, i32
  }
  func.func @transform_2(%arg0: i32) -> (i32, i32) {
    %c0_i32 = arith.constant 0 : i32
    %c0_i32_0 = arith.constant 0 : i32
    return %arg0, %c0_i32 : i32, i32
  }
  func.func @transform_3(%arg0: i32) -> (i32, i32, i32) {
    %c0_i32 = arith.constant 0 : i32
    %c0_i32_0 = arith.constant 0 : i32
    %c0_i32_1 = arith.constant 0 : i32
    return %c0_i32, %arg0, %c0_i32_0 : i32, i32, i32
  }
  func.func @transform_4(%arg0: i32) -> (i32, i32) {
    %c0_i32 = arith.constant 0 : i32
    %c0_i32_0 = arith.constant 0 : i32
    return %arg0, %c0_i32 : i32, i32
  }
  func.func @transform_5(%arg0: i32) -> (i32, i32) {
    %c0_i32 = arith.constant 0 : i32
    %c0_i32_0 = arith.constant 0 : i32
    return %arg0, %c0_i32 : i32, i32
  }
}

module attributes {stable_mosaic.version = 14 : i64} {
  func.func @_fin_body(%arg0: i32, %arg1: memref<2000x64xf32, #tpu.memory_space<vmem>>, %arg2: memref<2000x64xf32, #tpu.memory_space<vmem>>, %arg3: memref<128x128xf32, #tpu.memory_space<vmem>>, %arg4: memref<1x128xf32, #tpu.memory_space<vmem>>, %arg5: memref<2000x128xf32, #tpu.memory_space<vmem>>) attributes {dimension_semantics = [#tpu.dimension_semantics<arbitrary>], iteration_bounds = array<i64: 5>, scalar_prefetch = 0 : i64, scratch_operands = 0 : i64, tpu.core_type = #tpu.core_type<tc>, window_params = [{transform_indices = @transform_0, window_bounds = array<i64: 2000, 64>}, {transform_indices = @transform_1, window_bounds = array<i64: 2000, 64>}, {pipeline_mode = #tpu.pipeline_mode<synchronous>, transform_indices = @transform_2, window_bounds = array<i64: 128, 128>}, {pipeline_mode = #tpu.pipeline_mode<synchronous>, transform_indices = @transform_3, window_bounds = array<i64: 1, 128>}, {transform_indices = @transform_4, window_bounds = array<i64: 2000, 128>}]} {
    %get3A = arith.constant 0 : index
    %get3A_0 = arith.constant 0 : index
    %get3A_1 = vector.load %arg3[%get3A, %get3A_0] : memref<128x128xf32, #tpu.memory_space<vmem>>, vector<128x128xf32>
    %get3A_2 = arith.constant 0 : index
    %get3A_3 = arith.constant 0 : index
    %get3A_4 = vector.load %arg1[%get3A_2, %get3A_3] : memref<2000x64xf32, #tpu.memory_space<vmem>>, vector<2000x64xf32>
    %slice3A = vector.extract_strided_slice %get3A_1 {offsets = [0, 0], sizes = [128, 64], strides = [1, 1]} : vector<128x128xf32> to vector<128x64xf32>
    %dot_general3A = arith.constant dense<0.000000e+00> : vector<2000x128xf32>
    %dot_general3A_5 = tpu.matmul %get3A_4, %slice3A, %dot_general3A {dimension_numbers = #tpu.dot_dimension_numbers<[1], [1], [0], [0], [0, 0, 1, 0], [], []>, transpose_lhs_hint = false} : vector<2000x64xf32>, vector<128x64xf32>, vector<2000x128xf32> -> vector<2000x128xf32>
    %get3A_6 = arith.constant 0 : index
    %get3A_7 = arith.constant 0 : index
    %get3A_8 = vector.load %arg2[%get3A_6, %get3A_7] : memref<2000x64xf32, #tpu.memory_space<vmem>>, vector<2000x64xf32>
    %slice3A_9 = vector.extract_strided_slice %get3A_1 {offsets = [0, 64], sizes = [128, 64], strides = [1, 1]} : vector<128x128xf32> to vector<128x64xf32>
    %dot_general3A_10 = arith.constant dense<0.000000e+00> : vector<2000x128xf32>
    %dot_general3A_11 = tpu.matmul %get3A_8, %slice3A_9, %dot_general3A_10 {dimension_numbers = #tpu.dot_dimension_numbers<[1], [1], [0], [0], [0, 0, 1, 0], [], []>, transpose_lhs_hint = false} : vector<2000x64xf32>, vector<128x64xf32>, vector<2000x128xf32> -> vector<2000x128xf32>
    %add3A = arith.addf %dot_general3A_5, %dot_general3A_11 : vector<2000x128xf32>
    %get3A_12 = arith.constant 0 : index
    %get3A_13 = arith.constant 0 : index
    %get3A_14 = vector.load %arg4[%get3A_12, %get3A_13] : memref<1x128xf32, #tpu.memory_space<vmem>>, vector<1x128xf32>
    %add3A_15 = vector.broadcast %get3A_14 : vector<1x128xf32> to vector<2000x128xf32>
    %add3A_16 = arith.addf %add3A, %add3A_15 : vector<2000x128xf32>
    %swap3A = arith.constant 0 : index
    %swap3A_17 = arith.constant 0 : index
    %swap3A_18 = vector.load %arg5[%swap3A, %swap3A_17] : memref<2000x128xf32, #tpu.memory_space<vmem>>, vector<2000x128xf32>
    tpu.vector_store %arg5[%swap3A, %swap3A_17], %add3A_16 {strides = array<i32>} : memref<2000x128xf32, #tpu.memory_space<vmem>>, vector<2000x128xf32>,
    return
  }
  func.func @transform_0(%arg0: i32) -> (i32, i32) {
    %c0_i32 = arith.constant 0 : i32
    %c0_i32_0 = arith.constant 0 : i32
    return %arg0, %c0_i32 : i32, i32
  }
  func.func @transform_1(%arg0: i32) -> (i32, i32) {
    %c0_i32 = arith.constant 0 : i32
    %c0_i32_0 = arith.constant 0 : i32
    return %arg0, %c0_i32 : i32, i32
  }
  func.func @transform_2(%arg0: i32) -> (i32, i32) {
    %c0_i32 = arith.constant 0 : i32
    %c0_i32_0 = arith.constant 0 : i32
    %c0_i32_1 = arith.constant 0 : i32
    return %c0_i32, %c0_i32_0 : i32, i32
  }
  func.func @transform_3(%arg0: i32) -> (i32, i32) {
    %c0_i32 = arith.constant 0 : i32
    %c0_i32_0 = arith.constant 0 : i32
    %c0_i32_1 = arith.constant 0 : i32
    return %c0_i32, %c0_i32_0 : i32, i32
  }
  func.func @transform_4(%arg0: i32) -> (i32, i32) {
    %c0_i32 = arith.constant 0 : i32
    %c0_i32_0 = arith.constant 0 : i32
    return %arg0, %c0_i32 : i32, i32
  }
}

</mosaic_0001>

<sc_bundles>
// kernel: kernel.10.cloned.1.call-start
scs
__scs_entry_jumppad:
0x0: {  	(pc) =	sbr.rel $0x88, $3  }
0x1: {  	(tag) =	ssettag $0x0;
	lr =	simm.s32 $0x1  }
0x2: {  	[smem:$0x3F9D] =	sst lr;
	_ =	strace $0xD0000000  }
0x3: {  	_ = 	snop  }
0x4: {  	_ = 	snop  }
0x5: {  	_ = 	snop  }
0x6: {  	_ = 	snop  }
0x7: {  	_ = 	snop  }
__scs_overlays_trampoline_lowered:
0x8: {  	[smem:$0x3FAC] =	sst s0  }
0x9: {  	[smem:$0x3FAD] =	sst s1  }
0xa: {  	[smem:$0x3FAE] =	sst s2  }
0xb: {  	[smem:$0x3FAF] =	sst s3  }
0xc: {  	[smem:$0x3FB0] =	sst s4  }
0xd: {  	[smem:$0x3FB1] =	sst s5  }
0xe: {  	[smem:$0x3FB2] =	sst s6  }
0xf: {  	[smem:$0x3FB3] =	sst s7  }
0x10: {  	[smem:$0x3FB4] =	sst s8  }
0x11: {  	[smem:$0x3FB5] =	sst s9;
	s0 =	simm.s32 @!p0 $0x0  }
0x12: {  	s1 =	sld [smem:$0x3F9B];
	s0 =	simm.s32 @p0 $0x1  }
0x13: {  	[smem:$0x3FB6] =	sst s0;
	s0 =	simm.s32 @!p1 $0x0  }
0x14: {  	s2 =	sld [smem:$0x3F9A];
	s0 =	simm.s32 @p1 $0x1  }
0x15: {  	[smem:$0x3FB7] =	sst s0;
	s0 =	simm.s32 @!p2 $0x0  }
0x16: {  	s3 =	sld [smem:$0x3FDB];
	s0 =	simm.s32 @p2 $0x1  }
0x17: {  	s4 =	simm.s32 $0x1BF5;
	[smem:$0x3FB9] =	sst s0  }
0x18: {  	s0 =	sld [smem:$0x3F9C];
	_ =	swait.ge [sflag:s4], $0x0  }
0x19: {  	s7 =	sld [smem:$0x3F9D]  }
0x1a: {  	s8 =	sadd.s32 $0xFFFFE003, lr  }
0x1b: {  	s9 =	sadd.s32 $0xFFFFFEF7, lr;
	s5 =	simm.s32 $0xFFFFFFFF;
	p2 =	slt.u32 s8, $0xFFFFF086  }
0x1c: {  	p1 =	slt.u32 s9, $0xF7A;
	s5 =	simm.s32 @!p2 $0x0  }
0x1d: {  	s5 =	simm.s32 @p1 $0x1;
	p0 =	seq.s32 s7, s2  }
0x1e: {  	s7 =	smul.u32 @!p0 $0xF7A, s2;
	p2 =	seq.s32 @!p0 s5, $0x0  }
0x1f: {  	s9 =	smul.u32 $0xF7A, s1;
	s8 =	simm.s32 @!p0 $0x1BF5;
	p2 =	por !p2, p0  }
0x20: {  	[sflag:s8] =	ssyncset.s32 @!p0 $0xFFFFF086;
	s6 =	sadd.s32 @!p0 s3, s7;
	s7 =	simm.s32 @!p0 $0x108  }
0x21: {  	s3 =	sadd.s32 s3, s9;
	s6 =	sadd.s32 @!p0 $0x88, s6;
	s7 =	simm.s32 @p2 $0x1082  }
0x22: {  	[simem:s7], [sflag:s8] =	dma.local @!p0 [hbm:s6], $0xF7A  }
0x23: {  	s9 =	sor.u32 $0xD0000000, s2;
	s6 =	simm.s32 $0x108;
	_ =	swait.ge @!p0 [sflag:s8], $0x0  }
0x24: {  	s3 =	sadd.s32 $0x88, s3;
	s6 =	simm.s32 @!p1 $0x1082;
	[sflag:s4] =	ssyncset.s32 $0xFFFFF086  }
0x25: {  	[simem:s6], [sflag:s4] =	dma.local [hbm:s3], $0xF7A  }
0x26: {  	[smem:$0x3F9D] =	sst s1;
	(tag) =	ssettag s2;
	_ =	strace s9  }
0x27: {  	s1 =	sld [smem:$0x3FAD]  }
0x28: {  	s2 =	sld [smem:$0x3FAE]  }
0x29: {  	s4 =	sld [smem:$0x3FB0]  }
0x2a: {  	p0 =	seq.s32 s5, $0x0;
	s5 =	sld [smem:$0x3FB1]  }
0x2b: {  	s6 =	sld [smem:$0x3FB2]  }
0x2c: {  	s7 =	sld [smem:$0x3FB3]  }
0x2d: {  	s3 =	simm.s32 $0x108;
	s8 =	sld [smem:$0x3FB4]  }
0x2e: {  	s3 =	simm.s32 @!p0 $0x1082;
	s9 =	sld [smem:$0x3FB5]  }
0x2f: {  	lr =	sadd.s32 s0, s3;
	s0 =	sld [smem:$0x3FAC]  }
0x30: {  	s3 =	sld [smem:$0x3FAF]  }
0x31: {  	[smem:$0x3FB8] =	sst s10  }
0x32: {  	s10 =	sld [smem:$0x3FB6];
	_ =	sdelay $0x3  }
0x33: {  	p0 =	seq.s32 s10, $0x1;
	s10 =	sld [smem:$0x3FB8];
	_ =	sdelay $0x3  }
0x34: {  	[smem:$0x3FB8] =	sst s10  }
0x35: {  	s10 =	sld [smem:$0x3FB7];
	_ =	sdelay $0x3  }
0x36: {  	p1 =	seq.s32 s10, $0x1;
	s10 =	sld [smem:$0x3FB8];
	_ =	sdelay $0x3  }
0x37: {  	[smem:$0x3FB8] =	sst s10  }
0x38: {  	s10 =	sld [smem:$0x3FB9]  }
0x39: {  	_ = 	snop;
	(pc) =	sbr.ind lr, $3  }
0x3a: {  	_ = 	snop  }
0x3b: {  	_ = 	snop  }
0x3c: {  	p2 =	seq.s32 s10, $0x1;
	s10 =	sld [smem:$0x3FB8]  }
0x3d: {  	_ =	shalt  }
0x3e: {  	_ =	shalt  }
0x3f: {  	_ =	shalt  }
0x40: {  	_ =	shalt  }
0x41: {  	_ =	shalt  }
0x42: {  	_ =	shalt  }
0x43: {  	_ =	shalt  }
0x44: {  	_ =	shalt  }
0x45: {  	_ =	shalt  }
0x46: {  	_ =	shalt  }
0x47: {  	_ =	shalt  }
0x48: {  	_ =	shalt  }
0x49: {  	_ =	shalt  }
0x4a: {  	_ =	shalt  }
0x4b: {  	_ =	shalt  }
0x4c: {  	_ =	shalt  }
0x4d: {  	_ =	shalt  }
0x4e: {  	_ =	shalt  }
0x4f: {  	_ =	shalt  }
0x50: {  	_ =	shalt  }
0x51: {  	_ =	shalt  }
0x52: {  	_ =	shalt  }
0x53: {  	_ =	shalt  }
0x54: {  	_ =	shalt  }
0x55: {  	_ =	shalt  }
0x56: {  	_ =	shalt  }
0x57: {  	_ =	shalt  }
0x58: {  	_ =	shalt  }
0x59: {  	_ =	shalt  }
0x5a: {  	_ =	shalt  }
0x5b: {  	_ =	shalt  }
0x5c: {  	_ =	shalt  }
0x5d: {  	_ =	shalt  }
0x5e: {  	_ =	shalt  }
0x5f: {  	_ =	shalt  }
0x60: {  	_ =	shalt  }
0x61: {  	_ =	shalt  }
0x62: {  	_ =	shalt  }
0x63: {  	_ =	shalt  }
0x64: {  	_ =	shalt  }
0x65: {  	_ =	shalt  }
0x66: {  	_ =	shalt  }
0x67: {  	_ =	shalt  }
0x68: {  	_ =	shalt  }
0x69: {  	_ =	shalt  }
0x6a: {  	_ =	shalt  }
0x6b: {  	_ =	shalt  }
0x6c: {  	_ =	shalt  }
0x6d: {  	_ =	shalt  }
0x6e: {  	_ =	shalt  }
0x6f: {  	_ =	shalt  }
0x70: {  	_ =	shalt  }
0x71: {  	_ =	shalt  }
0x72: {  	_ =	shalt  }
0x73: {  	_ =	shalt  }
0x74: {  	_ =	shalt  }
0x75: {  	_ =	shalt  }
0x76: {  	_ =	shalt  }
0x77: {  	_ =	shalt  }
0x78: {  	_ =	shalt  }
0x79: {  	_ =	shalt  }
0x7a: {  	_ =	shalt  }
0x7b: {  	_ =	shalt  }
0x7c: {  	_ =	shalt  }
0x7d: {  	_ =	shalt  }
0x7e: {  	_ =	shalt  }
0x7f: {  	_ =	shalt  }
0x80: {  	_ =	shalt  }
0x81: {  	_ =	shalt  }
0x82: {  	_ =	shalt  }
0x83: {  	_ =	shalt  }
0x84: {  	_ =	shalt  }
0x85: {  	_ =	shalt  }
0x86: {  	_ =	shalt  }
0x87: {  	_ =	shalt  }
.Lfunc_end0:
.L_simem_size_0:
called_computation.1_lowered:
.L_overlay_start_0:
0x88: {  	s2 =	sld [smem:$0x3FD9]  }
0x89: {  	s3 =	sld [smem:$0x3FFE];
	_ =	sdelay $0x1  }
0x8a: {  	s1 =	srdreg.scid  }
0x8b: {  	s0 =	sand.u32 $0x1, s1  }
0x8c: {  	s17 =	sshll.u32 s0, $0xA;
	s2 =	sadd.s32 s3, s2  }
0x8d: {  	s2 =	sadd.s32 s2, s17  }
0x8e: {  	[smem:$0x3FC4] =	sst s2  }
0x8f: {  	_ = 	snop  }
0x90: {  	s2 =	sld [smem:$0x3FD0];
	(tm) =	ssettm $0x1  }
0x91: {  	s18 =	sld [smem:$0x3FFB];
	_ =	sdelay $0x3  }
0x92: {  	_ =	strace s18  }
0x93: {  	s3 =	sld [smem:$0x3FFC];
	_ =	sdelay $0x3  }
0x94: {  	_ =	strace s3  }
0x95: {  	s3 =	sld [smem:$0x3FFD];
	_ =	sdelay $0x3  }
0x96: {  	_ =	strace s3  }
0x97: {  	_ =	strace $0x8FFFFFFF  }
0x98: {  	s19 =	sld [smem:$0x3FDB];
	_ =	sdelay $0x1  }
0x99: {  	s4 =	simm.s32 $_scs_section_size  }
0x9a: {  	s5 =	simm.s32 $_size__tile_overlayer_lowered;
	s6 =	simm.s32 $_tile_overlayer_lowered  }
0x9b: {  	s22 =	simm.s32 $0x1BFF;
	s21 =	sshll.u32 s6, $0x1;
	s3 =	sadd.s32 s4, s19  }
0x9c: {  	s7 =	simm.s32 $0x0;
	s20 =	sshll.u32 s5, $0x1;
	s5 =	sadd.s32 s21, s3  }
0x9d: {  	[timem:s7], [sflag:s22] =	dma.local [hbm:s5], s20  }
0x9e: {  	_ =	swait.ge [sflag:s22], s20  }
0x9f: {  	s4 =	ssub.s32 $0x0, s20;
	[sflag:s22] =	ssyncset.done $0x0  }
0xa0: {  	[sflag:s22] =	ssyncadd.s32 s4;
	_ =	sdelay $0x1  }
0xa1: {  	s23 =	simm.s32 $0x1B8B  }
0xa2: {  	_ =	swait.ge [sflag:s23], $0x1  }
0xa3: {  	[sflag:s23] =	ssyncset.done $0x0  }
0xa4: {  	s25 =	simm.s32 $0x1B8E;
	s24 =	sld [smem:$0x3FFE];
	[sflag:s23] =	ssyncadd.s32 $0xFFFFFFFF  }
0xa5: {  	s26 =	simm.s32 $execute0_lowered;
	[smem:$0x3FD2] =	sst s25  }
0xa6: {  	s5 =	sshll.u32 s26, $0x1;
	_ =	strace $0x80000049;
	[dreg:$0x1] =	wrdreg $0xFFFFFFFF  }
0xa7: {  	s28 =	simm.s32 $_size_execute0_lowered;
	s3 =	sadd.s32 s3, s5;
	[dreg:$0x0] =	wrdreg $0x0  }
0xa8: {  	s5 =	sshll.u32 s28, $0x1;
	[dreg:$0x2] =	wrdreg s3  }
0xa9: {  	[dreg:$0x3] =	wrdreg s5  }
0xaa: {  	[dreg:$0x4] =	wrdreg $0xC0  }
0xab: {  	_ =	task [dreg:s7], $0x5FFFF  }
0xac: {  	[dreg:$0x1] =	wrdreg $0xFFFFFFFF  }
0xad: {  	[dreg:$0x0] =	wrdreg $0x60  }
0xae: {  	[dreg:$0x2] =	wrdreg s2  }
0xaf: {  	[dreg:$0x3] =	wrdreg s24  }
0xb0: {  	[dreg:$0x4] =	wrdreg $0xE0880  }
0xb1: {  	[dreg:$0x5] =	wrdreg $0x9  }
0xb2: {  	_ =	task.clear_ibuf [dreg:s7], $0x6FFFF;
	_ =	strace $0x90000049  }
0xb3: {  	s29 =	simm.s32 $0x9;
	_ =	strace $0x8000004B  }
0xb4: {  	_ =	swait.ge [sflag:s29], $0x1  }
0xb5: {  	[sflag:s29] =	ssyncadd.s32 $0xFFFFFFFF  }
0xb6: {  	_ =	strace $0x9000004B  }
0xb7: {  	_ =	sfence  }
0xb8: {  	s30 =	sld [smem:$0x0];
	_ =	sdelay $0x2  }
0xb9: {  	s31 =	sshll.u32 s1, $0xD;
	s1 =	sshrl.u32 s1, $0x2  }
0xba: {  	s3 =	sand.u32 $0x4000, s31;
	s1 =	sadd.s32 s1, s30  }
0xbb: {  	s0 =	sor.u32 s3, s0;
	s1 =	sshll.u32 s1, $0x11  }
0xbc: {  	s0 =	sor.u32 s1, s0  }
0xbd: {  	s0 =	sadd.s32 $0x8F2B, s0  }
0xbe: {  	[sflag:s0] =	ssyncadd.remote.s32 $0x1  }
0xbf: {  	_ =	sfence.sel $0xFFFF  }
0xc0: {  	[dreg:$0x0] =	wrdreg $0xFFFFFFFF;
	(pc) =	sbr.abs _section_cstart, $3  }
0xc1: {  	[dreg:$0x1] =	wrdreg $0xFFFFFFFF  }
0xc2: {  	_ =	task.clear_ibuf [dreg:s7], $0x2FFFF;
	_ =	strace $0x9FFFFFFF  }
0xc3: {  	(tm) =	ssettm $0x7FFFFFFF  }
tec
execute0_lowered:
.L_overlay_start_1:
0x0: {  	(tag) =	ssettag $0x1  }
0x1: {  	s0 =	rddreg [dreg:$0x0]  }
0x2: {  	s4 =	rddreg [dreg:$0x1]  }
0x3: {  	s2 =	rddreg [dreg:$0x2];
	s3 =	simm.s32 $0x0;
	s1 =	stileid.u32  }
0x4: {  	s7 =	srdreg.scid;
	s28 =	simm.s32 $0x9D80;
	s5 =	smul.u32 $0x4F, s1  }
0x5: {  	s29 =	simm.s32 $0x0;
	[smem:$0x7FF] =	sst s3;
	s6 =	smul.u32 $0x9E0, s1  }
0x6: {  	s11 =	sand.u32 $0x1, s7;
	s17 =	sadd.s32 $0x14800, s4;
	s12 =	smul.u32 $0x9E00, s1  }
0x7: {  	_ =	strace $0x8000004A;
	s23 =	ssub.s32 $0x2, s11;
	s19 =	smul.u32 $0x9E000, s11  }
0x8: {  	s14 =	smul.u32 $0x13880, s11;
	s21 =	sadd.s32 s5, s4;
	s22 =	sadd.s32 s6, s4  }
0x9: {  	s24 =	sshrl.u32 s23, $0x1;
	s7 =	sadd.s32 s12, s2;
	s13 =	sadd.s32 $0x2000, s12  }
0xa: {  	s15 =	sadd.s32 $0x4000, s12;
	s16 =	sadd.s32 $0x6000, s12;
	s20 =	sadd.s32 $0x8000, s12  }
0xb: {  	s18 =	ssub.s32 s23, s24;
	s4 =	sadd.s32 $0xAA00, s22;
	s5 =	sadd.s32 $0xC00, s22  }
0xc: {  	s6 =	sadd.s32 $0x200, s21;
	s8 =	sadd.s32 s13, s2;
	s9 =	sadd.s32 s15, s2  }
0xd: {  	s10 =	sadd.s32 s16, s2;
	s12 =	sadd.s32 s12, s19;
	s11 =	sadd.s32 s20, s2  }
0xe: {  	s22 =	sadd.s32 s19, s13;
	s26 =	sadd.s32 s19, s15;
	s30 =	sadd.s32 s19, s16  }
0xf: {  	s19 =	sadd.s32 s19, s20;
	s20 =	simm.s32 $0x4F00;
	s23 =	simm.s32 $0x80  }
0x10: {  	s24 =	simm.s32 $0x1;
	s21 =	sshrl.u32 s12, $0x3;
	s12 =	sadd.s32 s0, s14  }
0x11: {  	s25 =	sshrl.u32 s22, $0x3;
	s0 =	sshrl.u32 s26, $0x3;
	s16 =	sshrl.u32 s30, $0x3  }
0x12: {  	s31 =	sshrl.u32 s19, $0x3;
	s18 =	smax.u32 s18, $0x1;
	s19 =	simm.s32 $0x3  }
0x13: {  	s22 =	simm.s32 $0xA088;
	s26 =	simm.s32 $0x2;
	s13 =	sadd.s32 s17, s21  }
0x14: {  	s14 =	sadd.s32 s17, s25;
	s15 =	sadd.s32 s17, s0;
	s16 =	sadd.s32 s17, s16  }
0x15: {  	v0 =	vimm.f32 $0.0e+00;
	s17 =	sadd.s32 s17, s31;
	s21 =	simm.s32 $0x9E00;
	s25 =	simm.s32 $0xC088  }
.LBB2_1:
0x16: {  	[tilespmem:s3], [sflag:$0x3] =	stream.linear.gather [hbm4b:s4+s3], $0x4F00, $0x38;
	[tilespmem:$0x17E88] =	vst v63  }
0x17: {  	_ =	swait.ge [sflag:s19], $0x4F00  }
0x18: {  	[sflag:s19] =	ssyncset.done $0x0  }
0x19: {  	[sflag:s19] =	ssyncadd.s32 $0xFFFFB100  }
0x1a: {  	[tilespmem:s20], [sflag:$0x3] =	stream.linear.gather [hbm4b:s5+s3], $0x4F00, $0x38;
	[tilespmem:$0x17E88] =	vst v63  }
0x1b: {  	_ =	swait.ge [sflag:s19], $0x4F00  }
0x1c: {  	[sflag:s19] =	ssyncset.done $0x0  }
0x1d: {  	[sflag:s19] =	ssyncadd.s32 $0xFFFFB100  }
0x1e: {  	[tilespmem:s21], [sflag:$0x3] =	stream.linear.gather [hbm4b:s6+s3], $0x278, $0x38;
	[tilespmem:$0x17E88] =	vst v63  }
0x1f: {  	_ =	swait.ge [sflag:s19], $0x278  }
0x20: {  	[sflag:s19] =	ssyncset.done $0x0  }
0x21: {  	s30 =	simm.s32 $0x100;
	s0 =	simm.s32 $0x0;
	[sflag:s19] =	ssyncadd.s32 $0xFFFFFD88  }
.LBB2_2:
0x22: {  	p0 =	sne.s32 s30, $0x7F00;
	[tilespmem:s0+$0xA0B8] =	vst v0;
	s31 =	smov.u32 s30;
	s30 =	sadd.s32 $0x100, s30  }
.Ltmp0:
0x23: {  	[tilespmem:s0+$0xA0A8] =	vst v0;
	(pc) =	sbr.rel @p0 .LBB2_2-.Ltmp0, $3  }
0x24: {  	[tilespmem:s0+$0xA088] =	vst v0  }
0x25: {  	[tilespmem:s0+$0xA098] =	vst v0;
	_ =	sdelay $0x1  }
0x26: {  	s0 =	sshra.s32 s31, $0x2  }
0x27: {  	[tilespmem:s0+$0xA0B8] =	vst v0  }
0x28: {  	[tilespmem:s0+$0xA0A8] =	vst v0  }
0x29: {  	[tilespmem:s0+$0xA088] =	vst v0  }
0x2a: {  	[tilespmem:s0+$0xA098] =	vst v0  }
0x2b: {  	[spmem:s7] =	stream.linear.scatter [tilespmem:s22], [sflag:$0x3], $0x2000, $0x38;
	[tilespmem:$0x17E88] =	vst v63  }
0x2c: {  	_ =	swait.ge [sflag:s19], $0x2000  }
0x2d: {  	[sflag:s19] =	ssyncset.done $0x0  }
0x2e: {  	[sflag:s19] =	ssyncadd.s32 $0xFFFFE000  }
0x2f: {  	[spmem:s8] =	stream.linear.scatter [tilespmem:s22], [sflag:$0x3], $0x2000, $0x38;
	[tilespmem:$0x17E88] =	vst v63  }
0x30: {  	_ =	swait.ge [sflag:s19], $0x2000  }
0x31: {  	[sflag:s19] =	ssyncset.done $0x0  }
0x32: {  	[sflag:s19] =	ssyncadd.s32 $0xFFFFE000  }
0x33: {  	[spmem:s9] =	stream.linear.scatter [tilespmem:s22], [sflag:$0x3], $0x2000, $0x38;
	[tilespmem:$0x17E88] =	vst v63  }
0x34: {  	_ =	swait.ge [sflag:s19], $0x2000  }
0x35: {  	[sflag:s19] =	ssyncset.done $0x0  }
0x36: {  	[sflag:s19] =	ssyncadd.s32 $0xFFFFE000  }
0x37: {  	[spmem:s10] =	stream.linear.scatter [tilespmem:s22], [sflag:$0x3], $0x2000, $0x38;
	[tilespmem:$0x17E88] =	vst v63  }
0x38: {  	_ =	swait.ge [sflag:s19], $0x2000  }
0x39: {  	[sflag:s19] =	ssyncset.done $0x0  }
0x3a: {  	[sflag:s19] =	ssyncadd.s32 $0xFFFFE000  }
0x3b: {  	[spmem:s11] =	stream.linear.scatter [tilespmem:s22], [sflag:$0x3], $0x1E00, $0x38;
	[tilespmem:$0x17E88] =	vst v63  }
0x3c: {  	_ =	swait.ge [sflag:s19], $0x1E00  }
0x3d: {  	[sflag:s19] =	ssyncset.done $0x0  }
0x3e: {  	[sflag:s19] =	ssyncadd.s32 $0xFFFFE200  }
0x3f: {  	[bflag:$0x0] =	sbarrier.arrive $0xFFFF  }
0x40: {  	[tilespmem:s22], [sflag:$0x1] =	stream.indirect.gather [hbm4b:s12+s23], $0x40, s3, s23, $0xb8;
	[tilespmem:$0x17E88] =	vst v63  }
0x41: {  	_ =	swait.ge [sflag:s24], $0x2000  }
0x42: {  	[sflag:s24] =	ssyncset.done $0x0  }
0x43: {  	[sflag:s24] =	ssyncadd.s32 $0xFFFFE000  }
0x44: {  	[tilespmem:s25], [sflag:$0x1] =	stream.indirect.gather [hbm4b:s12+s23], $0x40, s23, s23, $0xb8;
	[tilespmem:$0x17E88] =	vst v63  }
0x45: {  	_ = 	snop  }
0x46: {  	[spmem:s2] =	stream.indirect.scatter.add.f32 [tilespmem:s22], [sflag:$0x2], $0x40, s20, s23, $0xb8;
	[tilespmem:$0x17E88] =	vst v63  }
0x47: {  	_ =	swait.ge [sflag:s24], $0x2000  }
0x48: {  	[sflag:s24] =	ssyncset.done $0x0  }
0x49: {  	[sflag:s24] =	ssyncadd.s32 $0xFFFFE000  }
0x4a: {  	_ =	swait.ge [sflag:s26], $0x2000  }
0x4b: {  	[sflag:s26] =	ssyncset.done $0x0  }
0x4c: {  	s31 =	simm.s32 $0x100;
	[sflag:s26] =	ssyncadd.s32 $0xFFFFE000  }
0x4d: {  	[tilespmem:s22], [sflag:$0x1] =	stream.indirect.gather [hbm4b:s12+s23], $0x40, s31, s23, $0xb8;
	[tilespmem:$0x17E88] =	vst v63  }
0x4e: {  	s1 =	simm.s32 $0x4F80  }
0x4f: {  	[spmem:s2] =	stream.indirect.scatter.add.f32 [tilespmem:s25], [sflag:$0x2], $0x40, s1, s23, $0xb8;
	[tilespmem:$0x17E88] =	vst v63  }
0x50: {  	_ =	swait.ge [sflag:s24], $0x2000  }
0x51: {  	[sflag:s24] =	ssyncset.done $0x0  }
0x52: {  	[sflag:s24] =	ssyncadd.s32 $0xFFFFE000  }
0x53: {  	_ =	swait.ge [sflag:s26], $0x2000  }
0x54: {  	s30 =	simm.s32 $0xFFFECC00;
	[sflag:s26] =	ssyncset.done $0x0  }
0x55: {  	s0 =	simm.s32 $0x5000;
	s31 =	simm.s32 $0x180;
	[sflag:s26] =	ssyncadd.s32 $0xFFFFE000  }
0x56: {  	[tilespmem:s25], [sflag:$0x1] =	stream.indirect.gather [hbm4b:s12+s23], $0x40, s31, s23, $0xb8;
	[tilespmem:$0x17E88] =	vst v63  }
.LBB2_4:
0x57: {  	[spmem:s2] =	stream.indirect.scatter.add.f32 [tilespmem:s22], [sflag:$0x2], $0x40, s0, s23, $0xb8;
	[tilespmem:$0x17E88] =	vst v63  }
0x58: {  	s0 =	smov.u32 s30  }
0x59: {  	p0 =	sne.s32 s30, $0xFFFFFC00;
	s30 =	sadd.s32 $0x400, s30;
	_ =	swait.ge [sflag:s24], $0x2000  }
0x5a: {  	[sflag:s24] =	ssyncset.done $0x0  }
0x5b: {  	[sflag:s24] =	ssyncadd.s32 $0xFFFFE000  }
0x5c: {  	_ =	swait.ge [sflag:s26], $0x2000  }
0x5d: {  	s0 =	sshra.s32 s0, $0x2;
	[sflag:s26] =	ssyncset.done $0x0  }
0x5e: {  	s31 =	sadd.s32 $0x4F00, s0;
	[sflag:s26] =	ssyncadd.s32 $0xFFFFE000  }
0x5f: {  	[tilespmem:s22], [sflag:$0x1] =	stream.indirect.gather [hbm4b:s12+s23], $0x40, s31, s23, $0xb8;
	[tilespmem:$0x17E88] =	vst v63  }
0x60: {  	s31 =	sadd.s32 $0x9D80, s0  }
0x61: {  	[spmem:s2] =	stream.indirect.scatter.add.f32 [tilespmem:s25], [sflag:$0x2], $0x40, s31, s23, $0xb8;
	[tilespmem:$0x17E88] =	vst v63  }
0x62: {  	_ =	swait.ge [sflag:s24], $0x2000  }
0x63: {  	[sflag:s24] =	ssyncset.done $0x0  }
0x64: {  	[sflag:s24] =	ssyncadd.s32 $0xFFFFE000  }
.Ltmp1:
0x65: {  	_ =	swait.ge [sflag:s26], $0x2000;
	(pc) =	sbr.rel @p0 .LBB2_4-.Ltmp1, $4  }
0x66: {  	[sflag:s26] =	ssyncset.done $0x0  }
0x67: {  	s31 =	sadd.s32 $0x4F80, s0;
	[sflag:s26] =	ssyncadd.s32 $0xFFFFE000  }
0x68: {  	[tilespmem:s25], [sflag:$0x1] =	stream.indirect.gather [hbm4b:s12+s23], $0x40, s31, s23, $0xb8;
	[tilespmem:$0x17E88] =	vst v63  }
0x69: {  	s0 =	sadd.s32 $0x9E00, s0  }
0x6a: {  	[spmem:s2] =	stream.indirect.scatter.add.f32 [tilespmem:s22], [sflag:$0x2], $0x40, s0, s23, $0xb8;
	[tilespmem:$0x17E88] =	vst v63  }
0x6b: {  	_ =	swait.ge [sflag:s24], $0x2000  }
0x6c: {  	[sflag:s24] =	ssyncset.done $0x0  }
0x6d: {  	[sflag:s24] =	ssyncadd.s32 $0xFFFFE000  }
0x6e: {  	_ =	swait.ge [sflag:s26], $0x2000  }
0x6f: {  	[sflag:s26] =	ssyncset.done $0x0  }
0x70: {  	[sflag:s26] =	ssyncadd.s32 $0xFFFFE000  }
0x71: {  	[spmem:s2] =	stream.indirect.scatter.add.f32 [tilespmem:s25], [sflag:$0x2], $0x40, s28, s23, $0xb8;
	[tilespmem:$0x17E88] =	vst v63  }
0x72: {  	_ =	swait.ge [sflag:s26], $0x2000  }
0x73: {  	[sflag:s26] =	ssyncset.done $0x0  }
0x74: {  	[sflag:s26] =	ssyncadd.s32 $0xFFFFE000  }
0x75: {  	[bflag:$0x0] =	sbarrier.arrive $0xFFFF  }
0x76: {  	[tilespmem:s22], [sflag:$0x3] =	stream.linear.gather [spmem:s7], $0x2000, $0x38;
	[tilespmem:$0x17E88] =	vst v63  }
0x77: {  	_ =	swait.ge [sflag:s19], $0x2000  }
0x78: {  	[sflag:s19] =	ssyncset.done $0x0  }
0x79: {  	s30 =	simm.s32 $0xA0A8;
	[sflag:s19] =	ssyncadd.s32 $0xFFFFE000  }
0x7a: {  	v1 =	vld [tilespmem:s30+$0xFFFFFFF0]  }
0x7b: {  	s1 =	simm.s32 $0x0;
	v3 =	vld [tilespmem:s30+$0x10]  }
0x7c: {  	v5 =	vld.msk [tilespmem:s1+$0x9E00 ss:$0x0], $0xffff  }
0x7d: {  	v2 =	vld [tilespmem:s30+$0xFFFFFFE0]  }
0x7e: {  	v6 =	vld [tilespmem:s30+$0x0];
	_ =	sdelay $0x3  }
0x7f: {  	v2 =	vmul.f32 v5, v2;
	v4 =	vmul.f32 v3, v5  }
0x80: {  	s31 =	simm.s32 $0x4;
	s0 =	simm.s32 $0xA0A8;
	v3 =	vmul.f32 v1, v5;
	v1 =	vmul.f32 v6, v5  }
.LBB2_6:
0x81: {  	p0 =	sne.s32 s31, $0x1FC  }
0x82: {  	[tilespmem:s30+$0x10] =	vst v4;
	s0 =	sadd.s32 $0x40, s0;
	s1 =	smov.u32 s31;
	s31 =	sadd.s32 $0x4, s31  }
0x83: {  	[tilespmem:s30+$0xFFFFFFE0] =	vst v2  }
0x84: {  	v5 =	vld [tilespmem:s0+$0xFFFFFFF0];
	[tilespmem:s30+$0xFFFFFFF0] =	vst v3  }
0x85: {  	s1 =	sshra.s32 s1, $0x2;
	v3 =	vld [tilespmem:s0+$0x10];
	[tilespmem:s30+$0x0] =	vst v1;
	s30 =	smov.u32 s0  }
0x86: {  	v1 =	vld.msk [tilespmem:s1+$0x9E00 ss:$0x0], $0xffff  }
0x87: {  	v2 =	vld [tilespmem:s0+$0xFFFFFFE0]  }
0x88: {  	v6 =	vld [tilespmem:s0+$0x0]  }
.Ltmp2:
0x89: {  	(pc) =	sbr.rel @p0 .LBB2_6-.Ltmp2, $3  }
0x8a: {  	_ =	sdelay $0x1  }
0x8b: {  	v4 =	vmul.f32 v3, v1;
	v2 =	vmul.f32 v1, v2  }
0x8c: {  	v3 =	vmul.f32 v5, v1;
	v1 =	vmul.f32 v6, v1  }
0x8d: {  	[tilespmem:s30+$0x10] =	vst v4  }
0x8e: {  	[tilespmem:s30+$0xFFFFFFE0] =	vst v2  }
0x8f: {  	[tilespmem:s30+$0xFFFFFFF0] =	vst v3  }
0x90: {  	s0 =	simm.s32 $0x0;
	[tilespmem:s30+$0x0] =	vst v1  }
0x91: {  	[hbm4b:s13+s0] =	stream.linear.scatter [tilespmem:s22], [sflag:$0x3], $0x2000, $0x38;
	[tilespmem:$0x17E88] =	vst v63  }
0x92: {  	_ =	swait.ge [sflag:s19], $0x2000  }
0x93: {  	[sflag:s19] =	ssyncset.done $0x0  }
0x94: {  	[sflag:s19] =	ssyncadd.s32 $0xFFFFE000  }
0x95: {  	[tilespmem:s25], [sflag:$0x3] =	stream.linear.gather [spmem:s8], $0x2000, $0x38;
	[tilespmem:$0x17E88] =	vst v63  }
0x96: {  	_ =	swait.ge [sflag:s19], $0x2000  }
0x97: {  	[sflag:s19] =	ssyncset.done $0x0  }
0x98: {  	s30 =	simm.s32 $0xC0A8;
	[sflag:s19] =	ssyncadd.s32 $0xFFFFE000  }
0x99: {  	s0 =	sand.u32 $0x7F, s0;
	v1 =	vld [tilespmem:s30+$0xFFFFFFF0]  }
0x9a: {  	s0 =	sor.u32 $0x9E80, s0;
	v3 =	vld [tilespmem:s30+$0x10]  }
0x9b: {  	v5 =	vld.msk [tilespmem:s0+$0x0 ss:$0x0], $0xffff  }
0x9c: {  	v2 =	vld [tilespmem:s30+$0xFFFFFFE0]  }
0x9d: {  	v6 =	vld [tilespmem:s30+$0x0];
	_ =	sdelay $0x3  }
0x9e: {  	v2 =	vmul.f32 v5, v2;
	v4 =	vmul.f32 v3, v5  }
0x9f: {  	s31 =	simm.s32 $0x1;
	s0 =	simm.s32 $0xC0A8;
	v3 =	vmul.f32 v1, v5;
	v1 =	vmul.f32 v6, v5  }
.LBB2_8:
0xa0: {  	p0 =	sne.s32 s31, $0x7F  }
0xa1: {  	[tilespmem:s30+$0x10] =	vst v4;
	s0 =	sadd.s32 $0x40, s0;
	s1 =	smov.u32 s31;
	s31 =	sadd.s32 $0x1, s31  }
0xa2: {  	[tilespmem:s30+$0xFFFFFFE0] =	vst v2  }
0xa3: {  	s1 =	sand.u32 $0x7F, s1;
	v5 =	vld [tilespmem:s0+$0xFFFFFFF0];
	[tilespmem:s30+$0xFFFFFFF0] =	vst v3  }
0xa4: {  	s1 =	sor.u32 $0x9E80, s1;
	v3 =	vld [tilespmem:s0+$0x10];
	[tilespmem:s30+$0x0] =	vst v1;
	s30 =	smov.u32 s0  }
0xa5: {  	v1 =	vld.msk [tilespmem:s1+$0x0 ss:$0x0], $0xffff  }
0xa6: {  	v2 =	vld [tilespmem:s0+$0xFFFFFFE0]  }
0xa7: {  	v6 =	vld [tilespmem:s0+$0x0]  }
.Ltmp3:
0xa8: {  	(pc) =	sbr.rel @p0 .LBB2_8-.Ltmp3, $3  }
0xa9: {  	_ =	sdelay $0x1  }
0xaa: {  	v4 =	vmul.f32 v3, v1;
	v2 =	vmul.f32 v1, v2  }
0xab: {  	v3 =	vmul.f32 v5, v1;
	v1 =	vmul.f32 v6, v1  }
0xac: {  	[tilespmem:s30+$0x10] =	vst v4  }
0xad: {  	[tilespmem:s30+$0xFFFFFFE0] =	vst v2  }
0xae: {  	[tilespmem:s30+$0xFFFFFFF0] =	vst v3  }
0xaf: {  	s0 =	simm.s32 $0x0;
	[tilespmem:s30+$0x0] =	vst v1  }
0xb0: {  	[hbm4b:s14+s0] =	stream.linear.scatter [tilespmem:s25], [sflag:$0x3], $0x2000, $0x38;
	[tilespmem:$0x17E88] =	vst v63  }
0xb1: {  	_ =	swait.ge [sflag:s19], $0x2000  }
0xb2: {  	[sflag:s19] =	ssyncset.done $0x0  }
0xb3: {  	[sflag:s19] =	ssyncadd.s32 $0xFFFFE000  }
0xb4: {  	[tilespmem:s22], [sflag:$0x3] =	stream.linear.gather [spmem:s9], $0x2000, $0x38;
	[tilespmem:$0x17E88] =	vst v63  }
0xb5: {  	_ =	swait.ge [sflag:s19], $0x2000  }
0xb6: {  	[sflag:s19] =	ssyncset.done $0x0  }
0xb7: {  	s30 =	simm.s32 $0xA0A8;
	[sflag:s19] =	ssyncadd.s32 $0xFFFFE000  }
0xb8: {  	s0 =	sand.u32 $0x7F, s0;
	v1 =	vld [tilespmem:s30+$0xFFFFFFF0]  }
0xb9: {  	s0 =	sor.u32 $0x9F00, s0;
	v3 =	vld [tilespmem:s30+$0x10]  }
0xba: {  	v5 =	vld.msk [tilespmem:s0+$0x0 ss:$0x0], $0xffff  }
0xbb: {  	v2 =	vld [tilespmem:s30+$0xFFFFFFE0]  }
0xbc: {  	v6 =	vld [tilespmem:s30+$0x0];
	_ =	sdelay $0x3  }
0xbd: {  	v2 =	vmul.f32 v5, v2;
	v4 =	vmul.f32 v3, v5  }
0xbe: {  	s31 =	simm.s32 $0x1;
	s0 =	simm.s32 $0xA0A8;
	v3 =	vmul.f32 v1, v5;
	v1 =	vmul.f32 v6, v5  }
.LBB2_10:
0xbf: {  	p0 =	sne.s32 s31, $0x7F  }
0xc0: {  	[tilespmem:s30+$0x10] =	vst v4;
	s0 =	sadd.s32 $0x40, s0;
	s1 =	smov.u32 s31;
	s31 =	sadd.s32 $0x1, s31  }
0xc1: {  	[tilespmem:s30+$0xFFFFFFE0] =	vst v2  }
0xc2: {  	s1 =	sand.u32 $0x7F, s1;
	v5 =	vld [tilespmem:s0+$0xFFFFFFF0];
	[tilespmem:s30+$0xFFFFFFF0] =	vst v3  }
0xc3: {  	s1 =	sor.u32 $0x9F00, s1;
	v3 =	vld [tilespmem:s0+$0x10];
	[tilespmem:s30+$0x0] =	vst v1;
	s30 =	smov.u32 s0  }
0xc4: {  	v1 =	vld.msk [tilespmem:s1+$0x0 ss:$0x0], $0xffff  }
0xc5: {  	v2 =	vld [tilespmem:s0+$0xFFFFFFE0]  }
0xc6: {  	v6 =	vld [tilespmem:s0+$0x0]  }
.Ltmp4:
0xc7: {  	(pc) =	sbr.rel @p0 .LBB2_10-.Ltmp4, $3  }
0xc8: {  	_ =	sdelay $0x1  }
0xc9: {  	v4 =	vmul.f32 v3, v1;
	v2 =	vmul.f32 v1, v2  }
0xca: {  	v3 =	vmul.f32 v5, v1;
	v1 =	vmul.f32 v6, v1  }
0xcb: {  	[tilespmem:s30+$0x10] =	vst v4  }
0xcc: {  	[tilespmem:s30+$0xFFFFFFE0] =	vst v2  }
0xcd: {  	[tilespmem:s30+$0xFFFFFFF0] =	vst v3  }
0xce: {  	s0 =	simm.s32 $0x0;
	[tilespmem:s30+$0x0] =	vst v1  }
0xcf: {  	[hbm4b:s15+s0] =	stream.linear.scatter [tilespmem:s22], [sflag:$0x3], $0x2000, $0x38;
	[tilespmem:$0x17E88] =	vst v63  }
0xd0: {  	_ =	swait.ge [sflag:s19], $0x2000  }
0xd1: {  	[sflag:s19] =	ssyncset.done $0x0  }
0xd2: {  	[sflag:s19] =	ssyncadd.s32 $0xFFFFE000  }
0xd3: {  	[tilespmem:s25], [sflag:$0x3] =	stream.linear.gather [spmem:s10], $0x2000, $0x38;
	[tilespmem:$0x17E88] =	vst v63  }
0xd4: {  	_ =	swait.ge [sflag:s19], $0x2000  }
0xd5: {  	[sflag:s19] =	ssyncset.done $0x0  }
0xd6: {  	s30 =	simm.s32 $0xC0A8;
	[sflag:s19] =	ssyncadd.s32 $0xFFFFE000  }
0xd7: {  	s0 =	sand.u32 $0x7F, s0;
	v1 =	vld [tilespmem:s30+$0xFFFFFFF0]  }
0xd8: {  	s0 =	sor.u32 $0x9F80, s0;
	v3 =	vld [tilespmem:s30+$0x10]  }
0xd9: {  	v5 =	vld.msk [tilespmem:s0+$0x0 ss:$0x0], $0xffff  }
0xda: {  	v2 =	vld [tilespmem:s30+$0xFFFFFFE0]  }
0xdb: {  	v6 =	vld [tilespmem:s30+$0x0];
	_ =	sdelay $0x3  }
0xdc: {  	v2 =	vmul.f32 v5, v2;
	v4 =	vmul.f32 v3, v5  }
0xdd: {  	s31 =	simm.s32 $0x1;
	s0 =	simm.s32 $0xC0A8;
	v3 =	vmul.f32 v1, v5;
	v1 =	vmul.f32 v6, v5  }
.LBB2_12:
0xde: {  	p0 =	sne.s32 s31, $0x7F  }
0xdf: {  	[tilespmem:s30+$0x10] =	vst v4;
	s0 =	sadd.s32 $0x40, s0;
	s1 =	smov.u32 s31;
	s31 =	sadd.s32 $0x1, s31  }
0xe0: {  	[tilespmem:s30+$0xFFFFFFE0] =	vst v2  }
0xe1: {  	s1 =	sand.u32 $0x7F, s1;
	v5 =	vld [tilespmem:s0+$0xFFFFFFF0];
	[tilespmem:s30+$0xFFFFFFF0] =	vst v3  }
0xe2: {  	s1 =	sor.u32 $0x9F80, s1;
	v3 =	vld [tilespmem:s0+$0x10];
	[tilespmem:s30+$0x0] =	vst v1;
	s30 =	smov.u32 s0  }
0xe3: {  	v1 =	vld.msk [tilespmem:s1+$0x0 ss:$0x0], $0xffff  }
0xe4: {  	v2 =	vld [tilespmem:s0+$0xFFFFFFE0]  }
0xe5: {  	v6 =	vld [tilespmem:s0+$0x0]  }
.Ltmp5:
0xe6: {  	(pc) =	sbr.rel @p0 .LBB2_12-.Ltmp5, $3  }
0xe7: {  	_ =	sdelay $0x1  }
0xe8: {  	v4 =	vmul.f32 v3, v1;
	v2 =	vmul.f32 v1, v2  }
0xe9: {  	v3 =	vmul.f32 v5, v1;
	v1 =	vmul.f32 v6, v1  }
0xea: {  	[tilespmem:s30+$0x10] =	vst v4  }
0xeb: {  	[tilespmem:s30+$0xFFFFFFE0] =	vst v2  }
0xec: {  	[tilespmem:s30+$0xFFFFFFF0] =	vst v3  }
0xed: {  	s0 =	simm.s32 $0x0;
	[tilespmem:s30+$0x0] =	vst v1  }
0xee: {  	[hbm4b:s16+s0] =	stream.linear.scatter [tilespmem:s25], [sflag:$0x3], $0x2000, $0x38;
	[tilespmem:$0x17E88] =	vst v63  }
0xef: {  	_ =	swait.ge [sflag:s19], $0x2000  }
0xf0: {  	[sflag:s19] =	ssyncset.done $0x0  }
0xf1: {  	[sflag:s19] =	ssyncadd.s32 $0xFFFFE000  }
0xf2: {  	[tilespmem:s22], [sflag:$0x3] =	stream.linear.gather [spmem:s11], $0x1E00, $0x38;
	[tilespmem:$0x17E88] =	vst v63  }
0xf3: {  	_ =	swait.ge [sflag:s19], $0x1E00  }
0xf4: {  	[sflag:s19] =	ssyncset.done $0x0  }
0xf5: {  	s30 =	simm.s32 $0xA0A8;
	[sflag:s19] =	ssyncadd.s32 $0xFFFFE200  }
0xf6: {  	s0 =	sand.u32 $0x7F, s0;
	v1 =	vld [tilespmem:s30+$0xFFFFFFF0]  }
0xf7: {  	s0 =	sor.u32 $0xA000, s0;
	v3 =	vld [tilespmem:s30+$0x10]  }
0xf8: {  	v5 =	vld.msk [tilespmem:s0+$0x0 ss:$0x0], $0xffff  }
0xf9: {  	v2 =	vld [tilespmem:s30+$0xFFFFFFE0]  }
0xfa: {  	v6 =	vld [tilespmem:s30+$0x0];
	_ =	sdelay $0x3  }
0xfb: {  	v2 =	vmul.f32 v5, v2;
	v4 =	vmul.f32 v3, v5  }
0xfc: {  	s31 =	simm.s32 $0x1;
	s0 =	simm.s32 $0xA0A8;
	v3 =	vmul.f32 v1, v5;
	v1 =	vmul.f32 v6, v5  }
.LBB2_14:
0xfd: {  	p0 =	sne.s32 s31, $0x77  }
0xfe: {  	[tilespmem:s30+$0x10] =	vst v4;
	s0 =	sadd.s32 $0x40, s0;
	s1 =	smov.u32 s31;
	s31 =	sadd.s32 $0x1, s31  }
0xff: {  	[tilespmem:s30+$0xFFFFFFE0] =	vst v2  }
0x100: {  	s1 =	sand.u32 $0x7F, s1;
	v5 =	vld [tilespmem:s0+$0xFFFFFFF0];
	[tilespmem:s30+$0xFFFFFFF0] =	vst v3  }
0x101: {  	s1 =	sor.u32 $0xA000, s1;
	v3 =	vld [tilespmem:s0+$0x10];
	[tilespmem:s30+$0x0] =	vst v1;
	s30 =	smov.u32 s0  }
0x102: {  	v1 =	vld.msk [tilespmem:s1+$0x0 ss:$0x0], $0xffff  }
0x103: {  	v2 =	vld [tilespmem:s0+$0xFFFFFFE0]  }
0x104: {  	v6 =	vld [tilespmem:s0+$0x0]  }
.Ltmp6:
0x105: {  	(pc) =	sbr.rel @p0 .LBB2_14-.Ltmp6, $3  }
0x106: {  	_ =	sdelay $0x1  }
0x107: {  	v4 =	vmul.f32 v3, v1;
	v2 =	vmul.f32 v1, v2  }
0x108: {  	v3 =	vmul.f32 v5, v1;
	v1 =	vmul.f32 v6, v1  }
0x109: {  	[tilespmem:s30+$0x10] =	vst v4  }
0x10a: {  	[tilespmem:s30+$0xFFFFFFE0] =	vst v2;
	s29 =	sadd.s32 $0x1, s29  }
0x10b: {  	[tilespmem:s30+$0xFFFFFFF0] =	vst v3;
	p0 =	sne.s32 s29, s18  }
.Ltmp7:
0x10c: {  	[tilespmem:s30+$0x0] =	vst v1;
	(pc) =	sbr.rel @p0 .LBB2_1-.Ltmp7, $4  }
0x10d: {  	[hbm4b:s17+s3] =	stream.linear.scatter [tilespmem:s22], [sflag:$0x3], $0x1E00, $0x38;
	[tilespmem:$0x17E88] =	vst v63  }
0x10e: {  	_ =	swait.ge [sflag:s19], $0x1E00  }
0x10f: {  	[sflag:s19] =	ssyncset.done $0x0  }
0x110: {  	[sflag:s19] =	ssyncadd.s32 $0xFFFFE200  }
0x111: {  	_ =	sfence.sel $0x180000  }
0x112: {  	[bflag:$0x0] =	sbarrier.arrive $0xFFFF  }
0x113: {  	_ =	strace $0x9000004A  }
0x114: {  	s0 =	stileid.u32;
	[bflag:$0x2] =	sbarrier.arrive $0xFFFF  }
0x115: {  	p0 =	sne.s32 s0, $0x0;
	s0 =	rddreg [dreg:$0x3]  }
0x116: {  	s0 =	sadd.s32 @!p0 $0x100000, s0  }
0x117: {  	[sflag:s0] =	ssyncadd.tile.s32 @!p0 $0x1;
	_ =	shalt  }
.Lfunc_end2:
_tile_overlayer_lowered:
.L_overlay_start_2:
0x118: {  	(tag) =	ssettag $0x2  }
0x119: {  	s0 =	rddreg [dreg:$0x0];
	s2 =	stileid.u32  }
0x11a: {  	s1 =	rddreg [dreg:$0x1];
	p0 =	sne.s32 s2, $0x0  }
0x11b: {  	s3 =	rddreg [dreg:$0x2];
	[bflag:$0x3] =	sbarrier.arrive $0xFFFF;
	s2 =	simm.s32 @!p0 $0x1C03  }
0x11c: {  	[timem:s3], [sflag:s2] =	dma.local @!p0 [hbm:s0], s1  }
0x11d: {  	s0 =	simm.s32 @!p0 $0x3  }
0x11e: {  	_ =	swait.ge @!p0 [sflag:s0], s1  }
0x11f: {  	s1 =	ssub.s32 @!p0 $0x0, s1;
	[sflag:s0] =	ssyncset.done @!p0 $0x0  }
0x120: {  	[sflag:s0] =	ssyncadd.s32 @!p0 s1  }
0x121: {  	[bflag:$0x3] =	sbarrier.arrive $0xFFFF  }
0x122: {  	_ =	shalt  }

// kernel: kernel.13.cloned.1.call-start
scs
__scs_entry_jumppad:
0x0: {  	(pc) =	sbr.rel $0x88, $3  }
0x1: {  	(tag) =	ssettag $0x0;
	lr =	simm.s32 $0x1  }
0x2: {  	[smem:$0x3F9D] =	sst lr;
	_ =	strace $0xD0000000  }
0x3: {  	_ = 	snop  }
0x4: {  	_ = 	snop  }
0x5: {  	_ = 	snop  }
0x6: {  	_ = 	snop  }
0x7: {  	_ = 	snop  }
__scs_overlays_trampoline_lowered:
0x8: {  	[smem:$0x3FAC] =	sst s0  }
0x9: {  	[smem:$0x3FAD] =	sst s1  }
0xa: {  	[smem:$0x3FAE] =	sst s2  }
0xb: {  	[smem:$0x3FAF] =	sst s3  }
0xc: {  	[smem:$0x3FB0] =	sst s4  }
0xd: {  	[smem:$0x3FB1] =	sst s5  }
0xe: {  	[smem:$0x3FB2] =	sst s6  }
0xf: {  	[smem:$0x3FB3] =	sst s7  }
0x10: {  	[smem:$0x3FB4] =	sst s8  }
0x11: {  	[smem:$0x3FB5] =	sst s9;
	s0 =	simm.s32 @!p0 $0x0  }
0x12: {  	s1 =	sld [smem:$0x3F9B];
	s0 =	simm.s32 @p0 $0x1  }
0x13: {  	[smem:$0x3FB6] =	sst s0;
	s0 =	simm.s32 @!p1 $0x0  }
0x14: {  	s2 =	sld [smem:$0x3F9A];
	s0 =	simm.s32 @p1 $0x1  }
0x15: {  	[smem:$0x3FB7] =	sst s0;
	s0 =	simm.s32 @!p2 $0x0  }
0x16: {  	s3 =	sld [smem:$0x3FDB];
	s0 =	simm.s32 @p2 $0x1  }
0x17: {  	s4 =	simm.s32 $0x1BF5;
	[smem:$0x3FB9] =	sst s0  }
0x18: {  	s0 =	sld [smem:$0x3F9C];
	_ =	swait.ge [sflag:s4], $0x0  }
0x19: {  	s7 =	sld [smem:$0x3F9D]  }
0x1a: {  	s8 =	sadd.s32 $0xFFFFE003, lr  }
0x1b: {  	s9 =	sadd.s32 $0xFFFFFEF7, lr;
	s5 =	simm.s32 $0xFFFFFFFF;
	p2 =	slt.u32 s8, $0xFFFFF086  }
0x1c: {  	p1 =	slt.u32 s9, $0xF7A;
	s5 =	simm.s32 @!p2 $0x0  }
0x1d: {  	s5 =	simm.s32 @p1 $0x1;
	p0 =	seq.s32 s7, s2  }
0x1e: {  	s7 =	smul.u32 @!p0 $0xF7A, s2;
	p2 =	seq.s32 @!p0 s5, $0x0  }
0x1f: {  	s9 =	smul.u32 $0xF7A, s1;
	s8 =	simm.s32 @!p0 $0x1BF5;
	p2 =	por !p2, p0  }
0x20: {  	[sflag:s8] =	ssyncset.s32 @!p0 $0xFFFFF086;
	s6 =	sadd.s32 @!p0 s3, s7;
	s7 =	simm.s32 @!p0 $0x108  }
0x21: {  	s3 =	sadd.s32 s3, s9;
	s6 =	sadd.s32 @!p0 $0x88, s6;
	s7 =	simm.s32 @p2 $0x1082  }
0x22: {  	[simem:s7], [sflag:s8] =	dma.local @!p0 [hbm:s6], $0xF7A  }
0x23: {  	s9 =	sor.u32 $0xD0000000, s2;
	s6 =	simm.s32 $0x108;
	_ =	swait.ge @!p0 [sflag:s8], $0x0  }
0x24: {  	s3 =	sadd.s32 $0x88, s3;
	s6 =	simm.s32 @!p1 $0x1082;
	[sflag:s4] =	ssyncset.s32 $0xFFFFF086  }
0x25: {  	[simem:s6], [sflag:s4] =	dma.local [hbm:s3], $0xF7A  }
0x26: {  	[smem:$0x3F9D] =	sst s1;
	(tag) =	ssettag s2;
	_ =	strace s9  }
0x27: {  	s1 =	sld [smem:$0x3FAD]  }
0x28: {  	s2 =	sld [smem:$0x3FAE]  }
0x29: {  	s4 =	sld [smem:$0x3FB0]  }
0x2a: {  	p0 =	seq.s32 s5, $0x0;
	s5 =	sld [smem:$0x3FB1]  }
0x2b: {  	s6 =	sld [smem:$0x3FB2]  }
0x2c: {  	s7 =	sld [smem:$0x3FB3]  }
0x2d: {  	s3 =	simm.s32 $0x108;
	s8 =	sld [smem:$0x3FB4]  }
0x2e: {  	s3 =	simm.s32 @!p0 $0x1082;
	s9 =	sld [smem:$0x3FB5]  }
0x2f: {  	lr =	sadd.s32 s0, s3;
	s0 =	sld [smem:$0x3FAC]  }
0x30: {  	s3 =	sld [smem:$0x3FAF]  }
0x31: {  	[smem:$0x3FB8] =	sst s10  }
0x32: {  	s10 =	sld [smem:$0x3FB6];
	_ =	sdelay $0x3  }
0x33: {  	p0 =	seq.s32 s10, $0x1;
	s10 =	sld [smem:$0x3FB8];
	_ =	sdelay $0x3  }
0x34: {  	[smem:$0x3FB8] =	sst s10  }
0x35: {  	s10 =	sld [smem:$0x3FB7];
	_ =	sdelay $0x3  }
0x36: {  	p1 =	seq.s32 s10, $0x1;
	s10 =	sld [smem:$0x3FB8];
	_ =	sdelay $0x3  }
0x37: {  	[smem:$0x3FB8] =	sst s10  }
0x38: {  	s10 =	sld [smem:$0x3FB9]  }
0x39: {  	_ = 	snop;
	(pc) =	sbr.ind lr, $3  }
0x3a: {  	_ = 	snop  }
0x3b: {  	_ = 	snop  }
0x3c: {  	p2 =	seq.s32 s10, $0x1;
	s10 =	sld [smem:$0x3FB8]  }
0x3d: {  	_ =	shalt  }
0x3e: {  	_ =	shalt  }
0x3f: {  	_ =	shalt  }
0x40: {  	_ =	shalt  }
0x41: {  	_ =	shalt  }
0x42: {  	_ =	shalt  }
0x43: {  	_ =	shalt  }
0x44: {  	_ =	shalt  }
0x45: {  	_ =	shalt  }
0x46: {  	_ =	shalt  }
0x47: {  	_ =	shalt  }
0x48: {  	_ =	shalt  }
0x49: {  	_ =	shalt  }
0x4a: {  	_ =	shalt  }
0x4b: {  	_ =	shalt  }
0x4c: {  	_ =	shalt  }
0x4d: {  	_ =	shalt  }
0x4e: {  	_ =	shalt  }
0x4f: {  	_ =	shalt  }
0x50: {  	_ =	shalt  }
0x51: {  	_ =	shalt  }
0x52: {  	_ =	shalt  }
0x53: {  	_ =	shalt  }
0x54: {  	_ =	shalt  }
0x55: {  	_ =	shalt  }
0x56: {  	_ =	shalt  }
0x57: {  	_ =	shalt  }
0x58: {  	_ =	shalt  }
0x59: {  	_ =	shalt  }
0x5a: {  	_ =	shalt  }
0x5b: {  	_ =	shalt  }
0x5c: {  	_ =	shalt  }
0x5d: {  	_ =	shalt  }
0x5e: {  	_ =	shalt  }
0x5f: {  	_ =	shalt  }
0x60: {  	_ =	shalt  }
0x61: {  	_ =	shalt  }
0x62: {  	_ =	shalt  }
0x63: {  	_ =	shalt  }
0x64: {  	_ =	shalt  }
0x65: {  	_ =	shalt  }
0x66: {  	_ =	shalt  }
0x67: {  	_ =	shalt  }
0x68: {  	_ =	shalt  }
0x69: {  	_ =	shalt  }
0x6a: {  	_ =	shalt  }
0x6b: {  	_ =	shalt  }
0x6c: {  	_ =	shalt  }
0x6d: {  	_ =	shalt  }
0x6e: {  	_ =	shalt  }
0x6f: {  	_ =	shalt  }
0x70: {  	_ =	shalt  }
0x71: {  	_ =	shalt  }
0x72: {  	_ =	shalt  }
0x73: {  	_ =	shalt  }
0x74: {  	_ =	shalt  }
0x75: {  	_ =	shalt  }
0x76: {  	_ =	shalt  }
0x77: {  	_ =	shalt  }
0x78: {  	_ =	shalt  }
0x79: {  	_ =	shalt  }
0x7a: {  	_ =	shalt  }
0x7b: {  	_ =	shalt  }
0x7c: {  	_ =	shalt  }
0x7d: {  	_ =	shalt  }
0x7e: {  	_ =	shalt  }
0x7f: {  	_ =	shalt  }
0x80: {  	_ =	shalt  }
0x81: {  	_ =	shalt  }
0x82: {  	_ =	shalt  }
0x83: {  	_ =	shalt  }
0x84: {  	_ =	shalt  }
0x85: {  	_ =	shalt  }
0x86: {  	_ =	shalt  }
0x87: {  	_ =	shalt  }
.Lfunc_end0:
.L_simem_size_0:
called_computation.2_lowered:
.L_overlay_start_0:
0x88: {  	s2 =	sld [smem:$0x3FD9]  }
0x89: {  	s3 =	sld [smem:$0x3FFE];
	_ =	sdelay $0x1  }
0x8a: {  	s1 =	srdreg.scid  }
0x8b: {  	s0 =	sand.u32 $0x1, s1  }
0x8c: {  	s16 =	sshll.u32 s0, $0xA;
	s2 =	sadd.s32 s3, s2  }
0x8d: {  	s2 =	sadd.s32 s2, s16  }
0x8e: {  	[smem:$0x3FC4] =	sst s2  }
0x8f: {  	_ = 	snop  }
0x90: {  	(tm) =	ssettm $0x1  }
0x91: {  	s17 =	sld [smem:$0x3FFB];
	_ =	sdelay $0x3  }
0x92: {  	_ =	strace s17  }
0x93: {  	s2 =	sld [smem:$0x3FFC];
	_ =	sdelay $0x3  }
0x94: {  	_ =	strace s2  }
0x95: {  	s2 =	sld [smem:$0x3FFD];
	_ =	sdelay $0x3  }
0x96: {  	_ =	strace s2  }
0x97: {  	_ =	strace $0x8FFFFFFF  }
0x98: {  	s18 =	sld [smem:$0x3FDB];
	_ =	sdelay $0x1  }
0x99: {  	s19 =	simm.s32 $_scs_section_size  }
0x9a: {  	s4 =	simm.s32 $_size__tile_overlayer_lowered;
	s5 =	simm.s32 $_tile_overlayer_lowered  }
0x9b: {  	s22 =	simm.s32 $0x1BFF;
	s21 =	sshll.u32 s5, $0x1;
	s2 =	sadd.s32 s19, s18  }
0x9c: {  	s6 =	simm.s32 $0x0;
	s20 =	sshll.u32 s4, $0x1;
	s4 =	sadd.s32 s21, s2  }
0x9d: {  	[timem:s6], [sflag:s22] =	dma.local [hbm:s4], s20  }
0x9e: {  	_ =	swait.ge [sflag:s22], s20  }
0x9f: {  	s3 =	ssub.s32 $0x0, s20;
	[sflag:s22] =	ssyncset.done $0x0  }
0xa0: {  	[sflag:s22] =	ssyncadd.s32 s3;
	_ =	sdelay $0x1  }
0xa1: {  	s23 =	simm.s32 $0x1B8B  }
0xa2: {  	_ =	swait.ge [sflag:s23], $0x1  }
0xa3: {  	[sflag:s23] =	ssyncset.done $0x0  }
0xa4: {  	s25 =	simm.s32 $0x1B8E;
	s24 =	sld [smem:$0x3FFE];
	[sflag:s23] =	ssyncadd.s32 $0xFFFFFFFF  }
0xa5: {  	s26 =	simm.s32 $execute0_lowered;
	[smem:$0x3FD2] =	sst s25  }
0xa6: {  	s4 =	sshll.u32 s26, $0x1;
	_ =	strace $0x8000004C;
	[dreg:$0x1] =	wrdreg $0xFFFFFFFF  }
0xa7: {  	s28 =	simm.s32 $_size_execute0_lowered;
	s2 =	sadd.s32 s2, s4;
	[dreg:$0x0] =	wrdreg $0x0  }
0xa8: {  	s4 =	sshll.u32 s28, $0x1;
	[dreg:$0x2] =	wrdreg s2  }
0xa9: {  	[dreg:$0x3] =	wrdreg s4  }
0xaa: {  	[dreg:$0x4] =	wrdreg $0xC0  }
0xab: {  	_ =	task [dreg:s6], $0x5FFFF  }
0xac: {  	[dreg:$0x1] =	wrdreg $0xFFFFFFFF  }
0xad: {  	[dreg:$0x0] =	wrdreg $0x60  }
0xae: {  	[dreg:$0x2] =	wrdreg s24  }
0xaf: {  	[dreg:$0x3] =	wrdreg $0xE0880  }
0xb0: {  	[dreg:$0x4] =	wrdreg $0x9  }
0xb1: {  	_ =	task.clear_ibuf [dreg:s6], $0x5FFFF;
	_ =	strace $0x9000004C  }
0xb2: {  	s29 =	simm.s32 $0x9;
	_ =	strace $0x8000004E  }
0xb3: {  	_ =	swait.ge [sflag:s29], $0x1  }
0xb4: {  	[sflag:s29] =	ssyncadd.s32 $0xFFFFFFFF  }
0xb5: {  	_ =	strace $0x9000004E  }
0xb6: {  	_ =	sfence  }
0xb7: {  	s30 =	sld [smem:$0x0];
	_ =	sdelay $0x2  }
0xb8: {  	s31 =	sshll.u32 s1, $0xD;
	s1 =	sshrl.u32 s1, $0x2  }
0xb9: {  	s3 =	sand.u32 $0x4000, s31;
	s1 =	sadd.s32 s1, s30  }
0xba: {  	s0 =	sor.u32 s3, s0;
	s1 =	sshll.u32 s1, $0x11  }
0xbb: {  	s0 =	sor.u32 s1, s0  }
0xbc: {  	s0 =	sadd.s32 $0x8F2B, s0  }
0xbd: {  	[sflag:s0] =	ssyncadd.remote.s32 $0x1  }
0xbe: {  	_ =	sfence.sel $0xFFFF  }
0xbf: {  	[dreg:$0x0] =	wrdreg $0xFFFFFFFF;
	(pc) =	sbr.abs _section_cstart, $3  }
0xc0: {  	[dreg:$0x1] =	wrdreg $0xFFFFFFFF  }
0xc1: {  	_ =	task.clear_ibuf [dreg:s6], $0x2FFFF;
	_ =	strace $0x9FFFFFFF  }
0xc2: {  	(tm) =	ssettm $0x7FFFFFFF  }
0xc3: {  	_ =	shalt  }
tec
execute0_lowered:
.L_overlay_start_1:
0x0: {  	(tag) =	ssettag $0x1  }
0x1: {  	s0 =	rddreg [dreg:$0x0];
	s1 =	srdreg.scid  }
0x2: {  	s2 =	rddreg [dreg:$0x1];
	s23 =	stileid.u32;
	s3 =	simm.s32 $0x0  }
0x3: {  	s21 =	simm.s32 $0x9E00;
	s22 =	simm.s32 $0xA088;
	s5 =	smul.u32 $0x4F, s23  }
0x4: {  	s28 =	simm.s32 $0x9D80;
	s29 =	simm.s32 $0x0;
	s7 =	smul.u32 $0x9E0, s23  }
0x5: {  	s4 =	sand.u32 $0x1, s1;
	[smem:$0x7FF] =	sst s3;
	s11 =	smul.u32 $0x9E00, s23  }
0x6: {  	s23 =	simm.s32 $0x80;
	s15 =	smul.u32 $0x9E000, s4;
	_ =	strace $0x8000004D  }
0x7: {  	s4 =	ssub.s32 $0x2, s4;
	s24 =	sadd.s32 s5, s0;
	s25 =	sadd.s32 s7, s0  }
0x8: {  	s26 =	sshrl.u32 s4, $0x1;
	s7 =	sadd.s32 s11, s2;
	s13 =	sadd.s32 $0x2000, s11  }
0x9: {  	s16 =	sadd.s32 $0x4000, s11;
	s17 =	sadd.s32 $0x6000, s11;
	s19 =	sadd.s32 $0x8000, s11  }
0xa: {  	s6 =	sshrl.u32 s15, $0x3;
	s18 =	ssub.s32 s4, s26;
	s4 =	sadd.s32 $0xAA00, s25  }
0xb: {  	s5 =	sadd.s32 $0xC00, s25;
	s8 =	sadd.s32 s13, s2;
	s9 =	sadd.s32 s16, s2  }
0xc: {  	s10 =	sadd.s32 s17, s2;
	s14 =	sadd.s32 s11, s15;
	s11 =	sadd.s32 s19, s2  }
0xd: {  	s20 =	sadd.s32 s15, s13;
	s16 =	sadd.s32 s15, s16;
	s17 =	sadd.s32 s15, s17  }
0xe: {  	s19 =	sadd.s32 s15, s19;
	s25 =	simm.s32 $0xC088;
	s26 =	simm.s32 $0x2  }
0xf: {  	s12 =	sadd.s32 s6, s0;
	s0 =	sadd.s32 $0x3C600, s0;
	s6 =	sadd.s32 $0x3C000, s24  }
0x10: {  	s14 =	sshrl.u32 s14, $0x3;
	s30 =	sshrl.u32 s20, $0x3;
	s16 =	sshrl.u32 s16, $0x3  }
0x11: {  	s17 =	sshrl.u32 s17, $0x3;
	s31 =	sshrl.u32 s19, $0x3;
	s18 =	smax.u32 s18, $0x1  }
0x12: {  	s19 =	simm.s32 $0x3;
	s20 =	simm.s32 $0x4F00;
	s24 =	simm.s32 $0x1  }
0x13: {  	s12 =	sadd.s32 $0x14800, s12;
	s13 =	sadd.s32 s0, s14;
	s14 =	sadd.s32 s0, s30  }
0x14: {  	v0 =	vimm.f32 $0.0e+00;
	s15 =	sadd.s32 s0, s16;
	s16 =	sadd.s32 s0, s17;
	s17 =	sadd.s32 s0, s31  }
.LBB2_1:
0x15: {  	[tilespmem:s3], [sflag:$0x3] =	stream.linear.gather [hbm4b:s4+s3], $0x4F00, $0x38;
	[tilespmem:$0x17E88] =	vst v63  }
0x16: {  	_ =	swait.ge [sflag:s19], $0x4F00  }
0x17: {  	[sflag:s19] =	ssyncset.done $0x0  }
0x18: {  	[sflag:s19] =	ssyncadd.s32 $0xFFFFB100  }
0x19: {  	[tilespmem:s20], [sflag:$0x3] =	stream.linear.gather [hbm4b:s5+s3], $0x4F00, $0x38;
	[tilespmem:$0x17E88] =	vst v63  }
0x1a: {  	_ =	swait.ge [sflag:s19], $0x4F00  }
0x1b: {  	[sflag:s19] =	ssyncset.done $0x0  }
0x1c: {  	[sflag:s19] =	ssyncadd.s32 $0xFFFFB100  }
0x1d: {  	[tilespmem:s21], [sflag:$0x3] =	stream.linear.gather [hbm4b:s6+s3], $0x278, $0x38;
	[tilespmem:$0x17E88] =	vst v63  }
0x1e: {  	_ =	swait.ge [sflag:s19], $0x278  }
0x1f: {  	[sflag:s19] =	ssyncset.done $0x0  }
0x20: {  	s30 =	simm.s32 $0x100;
	s0 =	simm.s32 $0x0;
	[sflag:s19] =	ssyncadd.s32 $0xFFFFFD88  }
.LBB2_2:
0x21: {  	p0 =	sne.s32 s30, $0x7F00;
	[tilespmem:s0+$0xA0B8] =	vst v0;
	s31 =	smov.u32 s30;
	s30 =	sadd.s32 $0x100, s30  }
.Ltmp0:
0x22: {  	[tilespmem:s0+$0xA0A8] =	vst v0;
	(pc) =	sbr.rel @p0 .LBB2_2-.Ltmp0, $3  }
0x23: {  	[tilespmem:s0+$0xA088] =	vst v0  }
0x24: {  	[tilespmem:s0+$0xA098] =	vst v0;
	_ =	sdelay $0x1  }
0x25: {  	s0 =	sshra.s32 s31, $0x2  }
0x26: {  	[tilespmem:s0+$0xA0B8] =	vst v0  }
0x27: {  	[tilespmem:s0+$0xA0A8] =	vst v0  }
0x28: {  	[tilespmem:s0+$0xA088] =	vst v0  }
0x29: {  	[tilespmem:s0+$0xA098] =	vst v0  }
0x2a: {  	[spmem:s7] =	stream.linear.scatter [tilespmem:s22], [sflag:$0x3], $0x2000, $0x38;
	[tilespmem:$0x17E88] =	vst v63  }
0x2b: {  	_ =	swait.ge [sflag:s19], $0x2000  }
0x2c: {  	[sflag:s19] =	ssyncset.done $0x0  }
0x2d: {  	[sflag:s19] =	ssyncadd.s32 $0xFFFFE000  }
0x2e: {  	[spmem:s8] =	stream.linear.scatter [tilespmem:s22], [sflag:$0x3], $0x2000, $0x38;
	[tilespmem:$0x17E88] =	vst v63  }
0x2f: {  	_ =	swait.ge [sflag:s19], $0x2000  }
0x30: {  	[sflag:s19] =	ssyncset.done $0x0  }
0x31: {  	[sflag:s19] =	ssyncadd.s32 $0xFFFFE000  }
0x32: {  	[spmem:s9] =	stream.linear.scatter [tilespmem:s22], [sflag:$0x3], $0x2000, $0x38;
	[tilespmem:$0x17E88] =	vst v63  }
0x33: {  	_ =	swait.ge [sflag:s19], $0x2000  }
0x34: {  	[sflag:s19] =	ssyncset.done $0x0  }
0x35: {  	[sflag:s19] =	ssyncadd.s32 $0xFFFFE000  }
0x36: {  	[spmem:s10] =	stream.linear.scatter [tilespmem:s22], [sflag:$0x3], $0x2000, $0x38;
	[tilespmem:$0x17E88] =	vst v63  }
0x37: {  	_ =	swait.ge [sflag:s19], $0x2000  }
0x38: {  	[sflag:s19] =	ssyncset.done $0x0  }
0x39: {  	[sflag:s19] =	ssyncadd.s32 $0xFFFFE000  }
0x3a: {  	[spmem:s11] =	stream.linear.scatter [tilespmem:s22], [sflag:$0x3], $0x1E00, $0x38;
	[tilespmem:$0x17E88] =	vst v63  }
0x3b: {  	_ =	swait.ge [sflag:s19], $0x1E00  }
0x3c: {  	[sflag:s19] =	ssyncset.done $0x0  }
0x3d: {  	[sflag:s19] =	ssyncadd.s32 $0xFFFFE200  }
0x3e: {  	[bflag:$0x0] =	sbarrier.arrive $0xFFFF  }
0x3f: {  	[tilespmem:s22], [sflag:$0x1] =	stream.indirect.gather [hbm4b:s12+s23], $0x40, s3, s23, $0xb8;
	[tilespmem:$0x17E88] =	vst v63  }
0x40: {  	_ =	swait.ge [sflag:s24], $0x2000  }
0x41: {  	[sflag:s24] =	ssyncset.done $0x0  }
0x42: {  	[sflag:s24] =	ssyncadd.s32 $0xFFFFE000  }
0x43: {  	[tilespmem:s25], [sflag:$0x1] =	stream.indirect.gather [hbm4b:s12+s23], $0x40, s23, s23, $0xb8;
	[tilespmem:$0x17E88] =	vst v63  }
0x44: {  	_ = 	snop  }
0x45: {  	[spmem:s2] =	stream.indirect.scatter.add.f32 [tilespmem:s22], [sflag:$0x2], $0x40, s20, s23, $0xb8;
	[tilespmem:$0x17E88] =	vst v63  }
0x46: {  	_ =	swait.ge [sflag:s24], $0x2000  }
0x47: {  	[sflag:s24] =	ssyncset.done $0x0  }
0x48: {  	[sflag:s24] =	ssyncadd.s32 $0xFFFFE000  }
0x49: {  	_ =	swait.ge [sflag:s26], $0x2000  }
0x4a: {  	[sflag:s26] =	ssyncset.done $0x0  }
0x4b: {  	s31 =	simm.s32 $0x100;
	[sflag:s26] =	ssyncadd.s32 $0xFFFFE000  }
0x4c: {  	[tilespmem:s22], [sflag:$0x1] =	stream.indirect.gather [hbm4b:s12+s23], $0x40, s31, s23, $0xb8;
	[tilespmem:$0x17E88] =	vst v63  }
0x4d: {  	s1 =	simm.s32 $0x4F80  }
0x4e: {  	[spmem:s2] =	stream.indirect.scatter.add.f32 [tilespmem:s25], [sflag:$0x2], $0x40, s1, s23, $0xb8;
	[tilespmem:$0x17E88] =	vst v63  }
0x4f: {  	_ =	swait.ge [sflag:s24], $0x2000  }
0x50: {  	[sflag:s24] =	ssyncset.done $0x0  }
0x51: {  	[sflag:s24] =	ssyncadd.s32 $0xFFFFE000  }
0x52: {  	_ =	swait.ge [sflag:s26], $0x2000  }
0x53: {  	s30 =	simm.s32 $0xFFFECC00;
	[sflag:s26] =	ssyncset.done $0x0  }
0x54: {  	s0 =	simm.s32 $0x5000;
	s31 =	simm.s32 $0x180;
	[sflag:s26] =	ssyncadd.s32 $0xFFFFE000  }
0x55: {  	[tilespmem:s25], [sflag:$0x1] =	stream.indirect.gather [hbm4b:s12+s23], $0x40, s31, s23, $0xb8;
	[tilespmem:$0x17E88] =	vst v63  }
.LBB2_4:
0x56: {  	[spmem:s2] =	stream.indirect.scatter.add.f32 [tilespmem:s22], [sflag:$0x2], $0x40, s0, s23, $0xb8;
	[tilespmem:$0x17E88] =	vst v63  }
0x57: {  	s0 =	smov.u32 s30  }
0x58: {  	p0 =	sne.s32 s30, $0xFFFFFC00;
	s30 =	sadd.s32 $0x400, s30;
	_ =	swait.ge [sflag:s24], $0x2000  }
0x59: {  	[sflag:s24] =	ssyncset.done $0x0  }
0x5a: {  	[sflag:s24] =	ssyncadd.s32 $0xFFFFE000  }
0x5b: {  	_ =	swait.ge [sflag:s26], $0x2000  }
0x5c: {  	s0 =	sshra.s32 s0, $0x2;
	[sflag:s26] =	ssyncset.done $0x0  }
0x5d: {  	s31 =	sadd.s32 $0x4F00, s0;
	[sflag:s26] =	ssyncadd.s32 $0xFFFFE000  }
0x5e: {  	[tilespmem:s22], [sflag:$0x1] =	stream.indirect.gather [hbm4b:s12+s23], $0x40, s31, s23, $0xb8;
	[tilespmem:$0x17E88] =	vst v63  }
0x5f: {  	s31 =	sadd.s32 $0x9D80, s0  }
0x60: {  	[spmem:s2] =	stream.indirect.scatter.add.f32 [tilespmem:s25], [sflag:$0x2], $0x40, s31, s23, $0xb8;
	[tilespmem:$0x17E88] =	vst v63  }
0x61: {  	_ =	swait.ge [sflag:s24], $0x2000  }
0x62: {  	[sflag:s24] =	ssyncset.done $0x0  }
0x63: {  	[sflag:s24] =	ssyncadd.s32 $0xFFFFE000  }
.Ltmp1:
0x64: {  	_ =	swait.ge [sflag:s26], $0x2000;
	(pc) =	sbr.rel @p0 .LBB2_4-.Ltmp1, $4  }
0x65: {  	[sflag:s26] =	ssyncset.done $0x0  }
0x66: {  	s31 =	sadd.s32 $0x4F80, s0;
	[sflag:s26] =	ssyncadd.s32 $0xFFFFE000  }
0x67: {  	[tilespmem:s25], [sflag:$0x1] =	stream.indirect.gather [hbm4b:s12+s23], $0x40, s31, s23, $0xb8;
	[tilespmem:$0x17E88] =	vst v63  }
0x68: {  	s0 =	sadd.s32 $0x9E00, s0  }
0x69: {  	[spmem:s2] =	stream.indirect.scatter.add.f32 [tilespmem:s22], [sflag:$0x2], $0x40, s0, s23, $0xb8;
	[tilespmem:$0x17E88] =	vst v63  }
0x6a: {  	_ =	swait.ge [sflag:s24], $0x2000  }
0x6b: {  	[sflag:s24] =	ssyncset.done $0x0  }
0x6c: {  	[sflag:s24] =	ssyncadd.s32 $0xFFFFE000  }
0x6d: {  	_ =	swait.ge [sflag:s26], $0x2000  }
0x6e: {  	[sflag:s26] =	ssyncset.done $0x0  }
0x6f: {  	[sflag:s26] =	ssyncadd.s32 $0xFFFFE000  }
0x70: {  	[spmem:s2] =	stream.indirect.scatter.add.f32 [tilespmem:s25], [sflag:$0x2], $0x40, s28, s23, $0xb8;
	[tilespmem:$0x17E88] =	vst v63  }
0x71: {  	_ =	swait.ge [sflag:s26], $0x2000  }
0x72: {  	[sflag:s26] =	ssyncset.done $0x0  }
0x73: {  	[sflag:s26] =	ssyncadd.s32 $0xFFFFE000  }
0x74: {  	[bflag:$0x0] =	sbarrier.arrive $0xFFFF  }
0x75: {  	[tilespmem:s22], [sflag:$0x3] =	stream.linear.gather [spmem:s7], $0x2000, $0x38;
	[tilespmem:$0x17E88] =	vst v63  }
0x76: {  	_ =	swait.ge [sflag:s19], $0x2000  }
0x77: {  	[sflag:s19] =	ssyncset.done $0x0  }
0x78: {  	s30 =	simm.s32 $0xA0A8;
	[sflag:s19] =	ssyncadd.s32 $0xFFFFE000  }
0x79: {  	v1 =	vld [tilespmem:s30+$0xFFFFFFF0]  }
0x7a: {  	s1 =	simm.s32 $0x0;
	v3 =	vld [tilespmem:s30+$0x10]  }
0x7b: {  	v5 =	vld.msk [tilespmem:s1+$0x9E00 ss:$0x0], $0xffff  }
0x7c: {  	v2 =	vld [tilespmem:s30+$0xFFFFFFE0]  }
0x7d: {  	v6 =	vld [tilespmem:s30+$0x0];
	_ =	sdelay $0x3  }
0x7e: {  	v2 =	vmul.f32 v5, v2;
	v4 =	vmul.f32 v3, v5  }
0x7f: {  	s31 =	simm.s32 $0x4;
	s0 =	simm.s32 $0xA0A8;
	v3 =	vmul.f32 v1, v5;
	v1 =	vmul.f32 v6, v5  }
.LBB2_6:
0x80: {  	p0 =	sne.s32 s31, $0x1FC  }
0x81: {  	[tilespmem:s30+$0x10] =	vst v4;
	s0 =	sadd.s32 $0x40, s0;
	s1 =	smov.u32 s31;
	s31 =	sadd.s32 $0x4, s31  }
0x82: {  	[tilespmem:s30+$0xFFFFFFE0] =	vst v2  }
0x83: {  	v5 =	vld [tilespmem:s0+$0xFFFFFFF0];
	[tilespmem:s30+$0xFFFFFFF0] =	vst v3  }
0x84: {  	s1 =	sshra.s32 s1, $0x2;
	v3 =	vld [tilespmem:s0+$0x10];
	[tilespmem:s30+$0x0] =	vst v1;
	s30 =	smov.u32 s0  }
0x85: {  	v1 =	vld.msk [tilespmem:s1+$0x9E00 ss:$0x0], $0xffff  }
0x86: {  	v2 =	vld [tilespmem:s0+$0xFFFFFFE0]  }
0x87: {  	v6 =	vld [tilespmem:s0+$0x0]  }
.Ltmp2:
0x88: {  	(pc) =	sbr.rel @p0 .LBB2_6-.Ltmp2, $3  }
0x89: {  	_ =	sdelay $0x1  }
0x8a: {  	v4 =	vmul.f32 v3, v1;
	v2 =	vmul.f32 v1, v2  }
0x8b: {  	v3 =	vmul.f32 v5, v1;
	v1 =	vmul.f32 v6, v1  }
0x8c: {  	[tilespmem:s30+$0x10] =	vst v4  }
0x8d: {  	[tilespmem:s30+$0xFFFFFFE0] =	vst v2  }
0x8e: {  	[tilespmem:s30+$0xFFFFFFF0] =	vst v3  }
0x8f: {  	s0 =	simm.s32 $0x0;
	[tilespmem:s30+$0x0] =	vst v1  }
0x90: {  	[hbm4b:s13+s0] =	stream.linear.scatter [tilespmem:s22], [sflag:$0x3], $0x2000, $0x38;
	[tilespmem:$0x17E88] =	vst v63  }
0x91: {  	_ =	swait.ge [sflag:s19], $0x2000  }
0x92: {  	[sflag:s19] =	ssyncset.done $0x0  }
0x93: {  	[sflag:s19] =	ssyncadd.s32 $0xFFFFE000  }
0x94: {  	[tilespmem:s25], [sflag:$0x3] =	stream.linear.gather [spmem:s8], $0x2000, $0x38;
	[tilespmem:$0x17E88] =	vst v63  }
0x95: {  	_ =	swait.ge [sflag:s19], $0x2000  }
0x96: {  	[sflag:s19] =	ssyncset.done $0x0  }
0x97: {  	s30 =	simm.s32 $0xC0A8;
	[sflag:s19] =	ssyncadd.s32 $0xFFFFE000  }
0x98: {  	s0 =	sand.u32 $0x7F, s0;
	v1 =	vld [tilespmem:s30+$0xFFFFFFF0]  }
0x99: {  	s0 =	sor.u32 $0x9E80, s0;
	v3 =	vld [tilespmem:s30+$0x10]  }
0x9a: {  	v5 =	vld.msk [tilespmem:s0+$0x0 ss:$0x0], $0xffff  }
0x9b: {  	v2 =	vld [tilespmem:s30+$0xFFFFFFE0]  }
0x9c: {  	v6 =	vld [tilespmem:s30+$0x0];
	_ =	sdelay $0x3  }
0x9d: {  	v2 =	vmul.f32 v5, v2;
	v4 =	vmul.f32 v3, v5  }
0x9e: {  	s31 =	simm.s32 $0x1;
	s0 =	simm.s32 $0xC0A8;
	v3 =	vmul.f32 v1, v5;
	v1 =	vmul.f32 v6, v5  }
.LBB2_8:
0x9f: {  	p0 =	sne.s32 s31, $0x7F  }
0xa0: {  	[tilespmem:s30+$0x10] =	vst v4;
	s0 =	sadd.s32 $0x40, s0;
	s1 =	smov.u32 s31;
	s31 =	sadd.s32 $0x1, s31  }
0xa1: {  	[tilespmem:s30+$0xFFFFFFE0] =	vst v2  }
0xa2: {  	s1 =	sand.u32 $0x7F, s1;
	v5 =	vld [tilespmem:s0+$0xFFFFFFF0];
	[tilespmem:s30+$0xFFFFFFF0] =	vst v3  }
0xa3: {  	s1 =	sor.u32 $0x9E80, s1;
	v3 =	vld [tilespmem:s0+$0x10];
	[tilespmem:s30+$0x0] =	vst v1;
	s30 =	smov.u32 s0  }
0xa4: {  	v1 =	vld.msk [tilespmem:s1+$0x0 ss:$0x0], $0xffff  }
0xa5: {  	v2 =	vld [tilespmem:s0+$0xFFFFFFE0]  }
0xa6: {  	v6 =	vld [tilespmem:s0+$0x0]  }
.Ltmp3:
0xa7: {  	(pc) =	sbr.rel @p0 .LBB2_8-.Ltmp3, $3  }
0xa8: {  	_ =	sdelay $0x1  }
0xa9: {  	v4 =	vmul.f32 v3, v1;
	v2 =	vmul.f32 v1, v2  }
0xaa: {  	v3 =	vmul.f32 v5, v1;
	v1 =	vmul.f32 v6, v1  }
0xab: {  	[tilespmem:s30+$0x10] =	vst v4  }
0xac: {  	[tilespmem:s30+$0xFFFFFFE0] =	vst v2  }
0xad: {  	[tilespmem:s30+$0xFFFFFFF0] =	vst v3  }
0xae: {  	s0 =	simm.s32 $0x0;
	[tilespmem:s30+$0x0] =	vst v1  }
0xaf: {  	[hbm4b:s14+s0] =	stream.linear.scatter [tilespmem:s25], [sflag:$0x3], $0x2000, $0x38;
	[tilespmem:$0x17E88] =	vst v63  }
0xb0: {  	_ =	swait.ge [sflag:s19], $0x2000  }
0xb1: {  	[sflag:s19] =	ssyncset.done $0x0  }
0xb2: {  	[sflag:s19] =	ssyncadd.s32 $0xFFFFE000  }
0xb3: {  	[tilespmem:s22], [sflag:$0x3] =	stream.linear.gather [spmem:s9], $0x2000, $0x38;
	[tilespmem:$0x17E88] =	vst v63  }
0xb4: {  	_ =	swait.ge [sflag:s19], $0x2000  }
0xb5: {  	[sflag:s19] =	ssyncset.done $0x0  }
0xb6: {  	s30 =	simm.s32 $0xA0A8;
	[sflag:s19] =	ssyncadd.s32 $0xFFFFE000  }
0xb7: {  	s0 =	sand.u32 $0x7F, s0;
	v1 =	vld [tilespmem:s30+$0xFFFFFFF0]  }
0xb8: {  	s0 =	sor.u32 $0x9F00, s0;
	v3 =	vld [tilespmem:s30+$0x10]  }
0xb9: {  	v5 =	vld.msk [tilespmem:s0+$0x0 ss:$0x0], $0xffff  }
0xba: {  	v2 =	vld [tilespmem:s30+$0xFFFFFFE0]  }
0xbb: {  	v6 =	vld [tilespmem:s30+$0x0];
	_ =	sdelay $0x3  }
0xbc: {  	v2 =	vmul.f32 v5, v2;
	v4 =	vmul.f32 v3, v5  }
0xbd: {  	s31 =	simm.s32 $0x1;
	s0 =	simm.s32 $0xA0A8;
	v3 =	vmul.f32 v1, v5;
	v1 =	vmul.f32 v6, v5  }
.LBB2_10:
0xbe: {  	p0 =	sne.s32 s31, $0x7F  }
0xbf: {  	[tilespmem:s30+$0x10] =	vst v4;
	s0 =	sadd.s32 $0x40, s0;
	s1 =	smov.u32 s31;
	s31 =	sadd.s32 $0x1, s31  }
0xc0: {  	[tilespmem:s30+$0xFFFFFFE0] =	vst v2  }
0xc1: {  	s1 =	sand.u32 $0x7F, s1;
	v5 =	vld [tilespmem:s0+$0xFFFFFFF0];
	[tilespmem:s30+$0xFFFFFFF0] =	vst v3  }
0xc2: {  	s1 =	sor.u32 $0x9F00, s1;
	v3 =	vld [tilespmem:s0+$0x10];
	[tilespmem:s30+$0x0] =	vst v1;
	s30 =	smov.u32 s0  }
0xc3: {  	v1 =	vld.msk [tilespmem:s1+$0x0 ss:$0x0], $0xffff  }
0xc4: {  	v2 =	vld [tilespmem:s0+$0xFFFFFFE0]  }
0xc5: {  	v6 =	vld [tilespmem:s0+$0x0]  }
.Ltmp4:
0xc6: {  	(pc) =	sbr.rel @p0 .LBB2_10-.Ltmp4, $3  }
0xc7: {  	_ =	sdelay $0x1  }
0xc8: {  	v4 =	vmul.f32 v3, v1;
	v2 =	vmul.f32 v1, v2  }
0xc9: {  	v3 =	vmul.f32 v5, v1;
	v1 =	vmul.f32 v6, v1  }
0xca: {  	[tilespmem:s30+$0x10] =	vst v4  }
0xcb: {  	[tilespmem:s30+$0xFFFFFFE0] =	vst v2  }
0xcc: {  	[tilespmem:s30+$0xFFFFFFF0] =	vst v3  }
0xcd: {  	s0 =	simm.s32 $0x0;
	[tilespmem:s30+$0x0] =	vst v1  }
0xce: {  	[hbm4b:s15+s0] =	stream.linear.scatter [tilespmem:s22], [sflag:$0x3], $0x2000, $0x38;
	[tilespmem:$0x17E88] =	vst v63  }
0xcf: {  	_ =	swait.ge [sflag:s19], $0x2000  }
0xd0: {  	[sflag:s19] =	ssyncset.done $0x0  }
0xd1: {  	[sflag:s19] =	ssyncadd.s32 $0xFFFFE000  }
0xd2: {  	[tilespmem:s25], [sflag:$0x3] =	stream.linear.gather [spmem:s10], $0x2000, $0x38;
	[tilespmem:$0x17E88] =	vst v63  }
0xd3: {  	_ =	swait.ge [sflag:s19], $0x2000  }
0xd4: {  	[sflag:s19] =	ssyncset.done $0x0  }
0xd5: {  	s30 =	simm.s32 $0xC0A8;
	[sflag:s19] =	ssyncadd.s32 $0xFFFFE000  }
0xd6: {  	s0 =	sand.u32 $0x7F, s0;
	v1 =	vld [tilespmem:s30+$0xFFFFFFF0]  }
0xd7: {  	s0 =	sor.u32 $0x9F80, s0;
	v3 =	vld [tilespmem:s30+$0x10]  }
0xd8: {  	v5 =	vld.msk [tilespmem:s0+$0x0 ss:$0x0], $0xffff  }
0xd9: {  	v2 =	vld [tilespmem:s30+$0xFFFFFFE0]  }
0xda: {  	v6 =	vld [tilespmem:s30+$0x0];
	_ =	sdelay $0x3  }
0xdb: {  	v2 =	vmul.f32 v5, v2;
	v4 =	vmul.f32 v3, v5  }
0xdc: {  	s31 =	simm.s32 $0x1;
	s0 =	simm.s32 $0xC0A8;
	v3 =	vmul.f32 v1, v5;
	v1 =	vmul.f32 v6, v5  }
.LBB2_12:
0xdd: {  	p0 =	sne.s32 s31, $0x7F  }
0xde: {  	[tilespmem:s30+$0x10] =	vst v4;
	s0 =	sadd.s32 $0x40, s0;
	s1 =	smov.u32 s31;
	s31 =	sadd.s32 $0x1, s31  }
0xdf: {  	[tilespmem:s30+$0xFFFFFFE0] =	vst v2  }
0xe0: {  	s1 =	sand.u32 $0x7F, s1;
	v5 =	vld [tilespmem:s0+$0xFFFFFFF0];
	[tilespmem:s30+$0xFFFFFFF0] =	vst v3  }
0xe1: {  	s1 =	sor.u32 $0x9F80, s1;
	v3 =	vld [tilespmem:s0+$0x10];
	[tilespmem:s30+$0x0] =	vst v1;
	s30 =	smov.u32 s0  }
0xe2: {  	v1 =	vld.msk [tilespmem:s1+$0x0 ss:$0x0], $0xffff  }
0xe3: {  	v2 =	vld [tilespmem:s0+$0xFFFFFFE0]  }
0xe4: {  	v6 =	vld [tilespmem:s0+$0x0]  }
.Ltmp5:
0xe5: {  	(pc) =	sbr.rel @p0 .LBB2_12-.Ltmp5, $3  }
0xe6: {  	_ =	sdelay $0x1  }
0xe7: {  	v4 =	vmul.f32 v3, v1;
	v2 =	vmul.f32 v1, v2  }
0xe8: {  	v3 =	vmul.f32 v5, v1;
	v1 =	vmul.f32 v6, v1  }
0xe9: {  	[tilespmem:s30+$0x10] =	vst v4  }
0xea: {  	[tilespmem:s30+$0xFFFFFFE0] =	vst v2  }
0xeb: {  	[tilespmem:s30+$0xFFFFFFF0] =	vst v3  }
0xec: {  	s0 =	simm.s32 $0x0;
	[tilespmem:s30+$0x0] =	vst v1  }
0xed: {  	[hbm4b:s16+s0] =	stream.linear.scatter [tilespmem:s25], [sflag:$0x3], $0x2000, $0x38;
	[tilespmem:$0x17E88] =	vst v63  }
0xee: {  	_ =	swait.ge [sflag:s19], $0x2000  }
0xef: {  	[sflag:s19] =	ssyncset.done $0x0  }
0xf0: {  	[sflag:s19] =	ssyncadd.s32 $0xFFFFE000  }
0xf1: {  	[tilespmem:s22], [sflag:$0x3] =	stream.linear.gather [spmem:s11], $0x1E00, $0x38;
	[tilespmem:$0x17E88] =	vst v63  }
0xf2: {  	_ =	swait.ge [sflag:s19], $0x1E00  }
0xf3: {  	[sflag:s19] =	ssyncset.done $0x0  }
0xf4: {  	s30 =	simm.s32 $0xA0A8;
	[sflag:s19] =	ssyncadd.s32 $0xFFFFE200  }
0xf5: {  	s0 =	sand.u32 $0x7F, s0;
	v1 =	vld [tilespmem:s30+$0xFFFFFFF0]  }
0xf6: {  	s0 =	sor.u32 $0xA000, s0;
	v3 =	vld [tilespmem:s30+$0x10]  }
0xf7: {  	v5 =	vld.msk [tilespmem:s0+$0x0 ss:$0x0], $0xffff  }
0xf8: {  	v2 =	vld [tilespmem:s30+$0xFFFFFFE0]  }
0xf9: {  	v6 =	vld [tilespmem:s30+$0x0];
	_ =	sdelay $0x3  }
0xfa: {  	v2 =	vmul.f32 v5, v2;
	v4 =	vmul.f32 v3, v5  }
0xfb: {  	s31 =	simm.s32 $0x1;
	s0 =	simm.s32 $0xA0A8;
	v3 =	vmul.f32 v1, v5;
	v1 =	vmul.f32 v6, v5  }
.LBB2_14:
0xfc: {  	p0 =	sne.s32 s31, $0x77  }
0xfd: {  	[tilespmem:s30+$0x10] =	vst v4;
	s0 =	sadd.s32 $0x40, s0;
	s1 =	smov.u32 s31;
	s31 =	sadd.s32 $0x1, s31  }
0xfe: {  	[tilespmem:s30+$0xFFFFFFE0] =	vst v2  }
0xff: {  	s1 =	sand.u32 $0x7F, s1;
	v5 =	vld [tilespmem:s0+$0xFFFFFFF0];
	[tilespmem:s30+$0xFFFFFFF0] =	vst v3  }
0x100: {  	s1 =	sor.u32 $0xA000, s1;
	v3 =	vld [tilespmem:s0+$0x10];
	[tilespmem:s30+$0x0] =	vst v1;
	s30 =	smov.u32 s0  }
0x101: {  	v1 =	vld.msk [tilespmem:s1+$0x0 ss:$0x0], $0xffff  }
0x102: {  	v2 =	vld [tilespmem:s0+$0xFFFFFFE0]  }
0x103: {  	v6 =	vld [tilespmem:s0+$0x0]  }
.Ltmp6:
0x104: {  	(pc) =	sbr.rel @p0 .LBB2_14-.Ltmp6, $3  }
0x105: {  	_ =	sdelay $0x1  }
0x106: {  	v4 =	vmul.f32 v3, v1;
	v2 =	vmul.f32 v1, v2  }
0x107: {  	v3 =	vmul.f32 v5, v1;
	v1 =	vmul.f32 v6, v1  }
0x108: {  	[tilespmem:s30+$0x10] =	vst v4  }
0x109: {  	[tilespmem:s30+$0xFFFFFFE0] =	vst v2;
	s29 =	sadd.s32 $0x1, s29  }
0x10a: {  	[tilespmem:s30+$0xFFFFFFF0] =	vst v3;
	p0 =	sne.s32 s29, s18  }
.Ltmp7:
0x10b: {  	[tilespmem:s30+$0x0] =	vst v1;
	(pc) =	sbr.rel @p0 .LBB2_1-.Ltmp7, $4  }
0x10c: {  	[hbm4b:s17+s3] =	stream.linear.scatter [tilespmem:s22], [sflag:$0x3], $0x1E00, $0x38;
	[tilespmem:$0x17E88] =	vst v63  }
0x10d: {  	_ =	swait.ge [sflag:s19], $0x1E00  }
0x10e: {  	[sflag:s19] =	ssyncset.done $0x0  }
0x10f: {  	[sflag:s19] =	ssyncadd.s32 $0xFFFFE200  }
0x110: {  	_ =	sfence.sel $0x180000  }
0x111: {  	[bflag:$0x0] =	sbarrier.arrive $0xFFFF  }
0x112: {  	_ =	strace $0x9000004D  }
0x113: {  	s0 =	stileid.u32;
	[bflag:$0x2] =	sbarrier.arrive $0xFFFF  }
0x114: {  	p0 =	sne.s32 s0, $0x0;
	s0 =	rddreg [dreg:$0x2]  }
0x115: {  	s0 =	sadd.s32 @!p0 $0x100000, s0  }
0x116: {  	[sflag:s0] =	ssyncadd.tile.s32 @!p0 $0x1;
	_ =	shalt  }
.Lfunc_end2:
_tile_overlayer_lowered:
.L_overlay_start_2:
0x117: {  	(tag) =	ssettag $0x2  }
0x118: {  	s0 =	rddreg [dreg:$0x0];
	s2 =	stileid.u32  }
0x119: {  	s1 =	rddreg [dreg:$0x1];
	p0 =	sne.s32 s2, $0x0  }
0x11a: {  	s3 =	rddreg [dreg:$0x2];
	[bflag:$0x3] =	sbarrier.arrive $0xFFFF;
	s2 =	simm.s32 @!p0 $0x1C03  }
0x11b: {  	[timem:s3], [sflag:s2] =	dma.local @!p0 [hbm:s0], s1  }
0x11c: {  	s0 =	simm.s32 @!p0 $0x3  }
0x11d: {  	_ =	swait.ge @!p0 [sflag:s0], s1  }
0x11e: {  	s1 =	ssub.s32 @!p0 $0x0, s1;
	[sflag:s0] =	ssyncset.done @!p0 $0x0  }
0x11f: {  	[sflag:s0] =	ssyncadd.s32 @!p0 s1  }
0x120: {  	[bflag:$0x3] =	sbarrier.arrive $0xFFFF  }
0x121: {  	_ =	shalt  }

// kernel: kernel.7.cloned.1.call-start
scs
__scs_entry_jumppad:
0x0: {  	(pc) =	sbr.rel $0x88, $3  }
0x1: {  	(tag) =	ssettag $0x0;
	lr =	simm.s32 $0x1  }
0x2: {  	[smem:$0x3F9D] =	sst lr;
	_ =	strace $0xD0000000  }
0x3: {  	_ = 	snop  }
0x4: {  	_ = 	snop  }
0x5: {  	_ = 	snop  }
0x6: {  	_ = 	snop  }
0x7: {  	_ = 	snop  }
__scs_overlays_trampoline_lowered:
0x8: {  	[smem:$0x3FAC] =	sst s0  }
0x9: {  	[smem:$0x3FAD] =	sst s1  }
0xa: {  	[smem:$0x3FAE] =	sst s2  }
0xb: {  	[smem:$0x3FAF] =	sst s3  }
0xc: {  	[smem:$0x3FB0] =	sst s4  }
0xd: {  	[smem:$0x3FB1] =	sst s5  }
0xe: {  	[smem:$0x3FB2] =	sst s6  }
0xf: {  	[smem:$0x3FB3] =	sst s7  }
0x10: {  	[smem:$0x3FB4] =	sst s8  }
0x11: {  	[smem:$0x3FB5] =	sst s9;
	s0 =	simm.s32 @!p0 $0x0  }
0x12: {  	s1 =	sld [smem:$0x3F9B];
	s0 =	simm.s32 @p0 $0x1  }
0x13: {  	[smem:$0x3FB6] =	sst s0;
	s0 =	simm.s32 @!p1 $0x0  }
0x14: {  	s2 =	sld [smem:$0x3F9A];
	s0 =	simm.s32 @p1 $0x1  }
0x15: {  	[smem:$0x3FB7] =	sst s0;
	s0 =	simm.s32 @!p2 $0x0  }
0x16: {  	s3 =	sld [smem:$0x3FDB];
	s0 =	simm.s32 @p2 $0x1  }
0x17: {  	s4 =	simm.s32 $0x1BF5;
	[smem:$0x3FB9] =	sst s0  }
0x18: {  	s0 =	sld [smem:$0x3F9C];
	_ =	swait.ge [sflag:s4], $0x0  }
0x19: {  	s7 =	sld [smem:$0x3F9D]  }
0x1a: {  	s8 =	sadd.s32 $0xFFFFE003, lr  }
0x1b: {  	s9 =	sadd.s32 $0xFFFFFEF7, lr;
	s5 =	simm.s32 $0xFFFFFFFF;
	p2 =	slt.u32 s8, $0xFFFFF086  }
0x1c: {  	p1 =	slt.u32 s9, $0xF7A;
	s5 =	simm.s32 @!p2 $0x0  }
0x1d: {  	s5 =	simm.s32 @p1 $0x1;
	p0 =	seq.s32 s7, s2  }
0x1e: {  	s7 =	smul.u32 @!p0 $0xF7A, s2;
	p2 =	seq.s32 @!p0 s5, $0x0  }
0x1f: {  	s9 =	smul.u32 $0xF7A, s1;
	s8 =	simm.s32 @!p0 $0x1BF5;
	p2 =	por !p2, p0  }
0x20: {  	[sflag:s8] =	ssyncset.s32 @!p0 $0xFFFFF086;
	s6 =	sadd.s32 @!p0 s3, s7;
	s7 =	simm.s32 @!p0 $0x108  }
0x21: {  	s3 =	sadd.s32 s3, s9;
	s6 =	sadd.s32 @!p0 $0x88, s6;
	s7 =	simm.s32 @p2 $0x1082  }
0x22: {  	[simem:s7], [sflag:s8] =	dma.local @!p0 [hbm:s6], $0xF7A  }
0x23: {  	s9 =	sor.u32 $0xD0000000, s2;
	s6 =	simm.s32 $0x108;
	_ =	swait.ge @!p0 [sflag:s8], $0x0  }
0x24: {  	s3 =	sadd.s32 $0x88, s3;
	s6 =	simm.s32 @!p1 $0x1082;
	[sflag:s4] =	ssyncset.s32 $0xFFFFF086  }
0x25: {  	[simem:s6], [sflag:s4] =	dma.local [hbm:s3], $0xF7A  }
0x26: {  	[smem:$0x3F9D] =	sst s1;
	(tag) =	ssettag s2;
	_ =	strace s9  }
0x27: {  	s1 =	sld [smem:$0x3FAD]  }
0x28: {  	s2 =	sld [smem:$0x3FAE]  }
0x29: {  	s4 =	sld [smem:$0x3FB0]  }
0x2a: {  	p0 =	seq.s32 s5, $0x0;
	s5 =	sld [smem:$0x3FB1]  }
0x2b: {  	s6 =	sld [smem:$0x3FB2]  }
0x2c: {  	s7 =	sld [smem:$0x3FB3]  }
0x2d: {  	s3 =	simm.s32 $0x108;
	s8 =	sld [smem:$0x3FB4]  }
0x2e: {  	s3 =	simm.s32 @!p0 $0x1082;
	s9 =	sld [smem:$0x3FB5]  }
0x2f: {  	lr =	sadd.s32 s0, s3;
	s0 =	sld [smem:$0x3FAC]  }
0x30: {  	s3 =	sld [smem:$0x3FAF]  }
0x31: {  	[smem:$0x3FB8] =	sst s10  }
0x32: {  	s10 =	sld [smem:$0x3FB6];
	_ =	sdelay $0x3  }
0x33: {  	p0 =	seq.s32 s10, $0x1;
	s10 =	sld [smem:$0x3FB8];
	_ =	sdelay $0x3  }
0x34: {  	[smem:$0x3FB8] =	sst s10  }
0x35: {  	s10 =	sld [smem:$0x3FB7];
	_ =	sdelay $0x3  }
0x36: {  	p1 =	seq.s32 s10, $0x1;
	s10 =	sld [smem:$0x3FB8];
	_ =	sdelay $0x3  }
0x37: {  	[smem:$0x3FB8] =	sst s10  }
0x38: {  	s10 =	sld [smem:$0x3FB9]  }
0x39: {  	_ = 	snop;
	(pc) =	sbr.ind lr, $3  }
0x3a: {  	_ = 	snop  }
0x3b: {  	_ = 	snop  }
0x3c: {  	p2 =	seq.s32 s10, $0x1;
	s10 =	sld [smem:$0x3FB8]  }
0x3d: {  	_ =	shalt  }
0x3e: {  	_ =	shalt  }
0x3f: {  	_ =	shalt  }
0x40: {  	_ =	shalt  }
0x41: {  	_ =	shalt  }
0x42: {  	_ =	shalt  }
0x43: {  	_ =	shalt  }
0x44: {  	_ =	shalt  }
0x45: {  	_ =	shalt  }
0x46: {  	_ =	shalt  }
0x47: {  	_ =	shalt  }
0x48: {  	_ =	shalt  }
0x49: {  	_ =	shalt  }
0x4a: {  	_ =	shalt  }
0x4b: {  	_ =	shalt  }
0x4c: {  	_ =	shalt  }
0x4d: {  	_ =	shalt  }
0x4e: {  	_ =	shalt  }
0x4f: {  	_ =	shalt  }
0x50: {  	_ =	shalt  }
0x51: {  	_ =	shalt  }
0x52: {  	_ =	shalt  }
0x53: {  	_ =	shalt  }
0x54: {  	_ =	shalt  }
0x55: {  	_ =	shalt  }
0x56: {  	_ =	shalt  }
0x57: {  	_ =	shalt  }
0x58: {  	_ =	shalt  }
0x59: {  	_ =	shalt  }
0x5a: {  	_ =	shalt  }
0x5b: {  	_ =	shalt  }
0x5c: {  	_ =	shalt  }
0x5d: {  	_ =	shalt  }
0x5e: {  	_ =	shalt  }
0x5f: {  	_ =	shalt  }
0x60: {  	_ =	shalt  }
0x61: {  	_ =	shalt  }
0x62: {  	_ =	shalt  }
0x63: {  	_ =	shalt  }
0x64: {  	_ =	shalt  }
0x65: {  	_ =	shalt  }
0x66: {  	_ =	shalt  }
0x67: {  	_ =	shalt  }
0x68: {  	_ =	shalt  }
0x69: {  	_ =	shalt  }
0x6a: {  	_ =	shalt  }
0x6b: {  	_ =	shalt  }
0x6c: {  	_ =	shalt  }
0x6d: {  	_ =	shalt  }
0x6e: {  	_ =	shalt  }
0x6f: {  	_ =	shalt  }
0x70: {  	_ =	shalt  }
0x71: {  	_ =	shalt  }
0x72: {  	_ =	shalt  }
0x73: {  	_ =	shalt  }
0x74: {  	_ =	shalt  }
0x75: {  	_ =	shalt  }
0x76: {  	_ =	shalt  }
0x77: {  	_ =	shalt  }
0x78: {  	_ =	shalt  }
0x79: {  	_ =	shalt  }
0x7a: {  	_ =	shalt  }
0x7b: {  	_ =	shalt  }
0x7c: {  	_ =	shalt  }
0x7d: {  	_ =	shalt  }
0x7e: {  	_ =	shalt  }
0x7f: {  	_ =	shalt  }
0x80: {  	_ =	shalt  }
0x81: {  	_ =	shalt  }
0x82: {  	_ =	shalt  }
0x83: {  	_ =	shalt  }
0x84: {  	_ =	shalt  }
0x85: {  	_ =	shalt  }
0x86: {  	_ =	shalt  }
0x87: {  	_ =	shalt  }
.Lfunc_end0:
.L_simem_size_0:
called_computation_lowered:
.L_overlay_start_0:
0x88: {  	s2 =	sld [smem:$0x3FD9]  }
0x89: {  	s3 =	sld [smem:$0x3FFE];
	_ =	sdelay $0x1  }
0x8a: {  	s1 =	srdreg.scid  }
0x8b: {  	s0 =	sand.u32 $0x1, s1  }
0x8c: {  	s17 =	sshll.u32 s0, $0xA;
	s2 =	sadd.s32 s3, s2  }
0x8d: {  	s2 =	sadd.s32 s2, s17  }
0x8e: {  	[smem:$0x3FC4] =	sst s2  }
0x8f: {  	_ = 	snop  }
0x90: {  	s2 =	sld [smem:$0x3FD0];
	(tm) =	ssettm $0x1  }
0x91: {  	s18 =	sld [smem:$0x3FFB];
	_ =	sdelay $0x3  }
0x92: {  	_ =	strace s18  }
0x93: {  	s3 =	sld [smem:$0x3FFC];
	_ =	sdelay $0x3  }
0x94: {  	_ =	strace s3  }
0x95: {  	s3 =	sld [smem:$0x3FFD];
	_ =	sdelay $0x3  }
0x96: {  	_ =	strace s3  }
0x97: {  	_ =	strace $0x8FFFFFFF  }
0x98: {  	s19 =	sld [smem:$0x3FDB];
	_ =	sdelay $0x1  }
0x99: {  	s4 =	simm.s32 $_scs_section_size  }
0x9a: {  	s5 =	simm.s32 $_size__tile_overlayer_lowered;
	s6 =	simm.s32 $_tile_overlayer_lowered  }
0x9b: {  	s22 =	simm.s32 $0x1BFF;
	s21 =	sshll.u32 s6, $0x1;
	s3 =	sadd.s32 s4, s19  }
0x9c: {  	s7 =	simm.s32 $0x0;
	s20 =	sshll.u32 s5, $0x1;
	s5 =	sadd.s32 s21, s3  }
0x9d: {  	[timem:s7], [sflag:s22] =	dma.local [hbm:s5], s20  }
0x9e: {  	_ =	swait.ge [sflag:s22], s20  }
0x9f: {  	s4 =	ssub.s32 $0x0, s20;
	[sflag:s22] =	ssyncset.done $0x0  }
0xa0: {  	[sflag:s22] =	ssyncadd.s32 s4;
	_ =	sdelay $0x1  }
0xa1: {  	s23 =	simm.s32 $0x1B8B  }
0xa2: {  	_ =	swait.ge [sflag:s23], $0x1  }
0xa3: {  	[sflag:s23] =	ssyncset.done $0x0  }
0xa4: {  	s25 =	simm.s32 $0x1B8E;
	s24 =	sld [smem:$0x3FFE];
	[sflag:s23] =	ssyncadd.s32 $0xFFFFFFFF  }
0xa5: {  	s26 =	simm.s32 $execute0_lowered;
	[smem:$0x3FD2] =	sst s25  }
0xa6: {  	s5 =	sshll.u32 s26, $0x1;
	_ =	strace $0x80000046;
	[dreg:$0x1] =	wrdreg $0xFFFFFFFF  }
0xa7: {  	s28 =	simm.s32 $_size_execute0_lowered;
	s3 =	sadd.s32 s3, s5;
	[dreg:$0x0] =	wrdreg $0x0  }
0xa8: {  	s5 =	sshll.u32 s28, $0x1;
	[dreg:$0x2] =	wrdreg s3  }
0xa9: {  	[dreg:$0x3] =	wrdreg s5  }
0xaa: {  	[dreg:$0x4] =	wrdreg $0xC0  }
0xab: {  	_ =	task [dreg:s7], $0x5FFFF  }
0xac: {  	[dreg:$0x1] =	wrdreg $0xFFFFFFFF  }
0xad: {  	[dreg:$0x0] =	wrdreg $0x60  }
0xae: {  	[dreg:$0x2] =	wrdreg s2  }
0xaf: {  	[dreg:$0x3] =	wrdreg s24  }
0xb0: {  	[dreg:$0x4] =	wrdreg $0x2B000  }
0xb1: {  	[dreg:$0x5] =	wrdreg $0x9  }
0xb2: {  	_ =	task.clear_ibuf [dreg:s7], $0x6FFFF;
	_ =	strace $0x90000046  }
0xb3: {  	s29 =	simm.s32 $0x9;
	_ =	strace $0x80000048  }
0xb4: {  	_ =	swait.ge [sflag:s29], $0x1  }
0xb5: {  	[sflag:s29] =	ssyncadd.s32 $0xFFFFFFFF  }
0xb6: {  	_ =	strace $0x90000048  }
0xb7: {  	_ =	sfence  }
0xb8: {  	s30 =	sld [smem:$0x0];
	_ =	sdelay $0x2  }
0xb9: {  	s31 =	sshll.u32 s1, $0xD;
	s1 =	sshrl.u32 s1, $0x2  }
0xba: {  	s3 =	sand.u32 $0x4000, s31;
	s1 =	sadd.s32 s1, s30  }
0xbb: {  	s0 =	sor.u32 s3, s0;
	s1 =	sshll.u32 s1, $0x11  }
0xbc: {  	s0 =	sor.u32 s1, s0  }
0xbd: {  	s0 =	sadd.s32 $0x8F2B, s0  }
0xbe: {  	[sflag:s0] =	ssyncadd.remote.s32 $0x1  }
0xbf: {  	_ =	sfence.sel $0xFFFF  }
0xc0: {  	[dreg:$0x0] =	wrdreg $0xFFFFFFFF;
	(pc) =	sbr.abs _section_cstart, $3  }
0xc1: {  	[dreg:$0x1] =	wrdreg $0xFFFFFFFF  }
0xc2: {  	_ =	task.clear_ibuf [dreg:s7], $0x2FFFF;
	_ =	strace $0x9FFFFFFF  }
0xc3: {  	(tm) =	ssettm $0x7FFFFFFF  }
tec
execute0_lowered:
.L_overlay_start_1:
0x0: {  	(tag) =	ssettag $0x1  }
0x1: {  	s4 =	rddreg [dreg:$0x0]  }
0x2: {  	s5 =	rddreg [dreg:$0x1]  }
0x3: {  	s2 =	rddreg [dreg:$0x2]  }
0x4: {  	s3 =	srdreg.scid;
	s1 =	stileid.u32  }
0x5: {  	s0 =	rddreg [dreg:$0x3];
	s7 =	smul.u32 $0x500, s1  }
0x6: {  	s11 =	simm.s32 $0x2800;
	s12 =	simm.s32 $0x100;
	s28 =	smul.u32 $0x2800, s1  }
0x7: {  	s13 =	simm.s32 $0x0;
	s6 =	sand.u32 $0x1, s3;
	s29 =	smul.u32 $0xA00, s1  }
0x8: {  	s3 =	simm.s32 $0x0;
	s8 =	sshll.u32 s6, $0x7;
	s9 =	smul.u32 $0x28000, s6  }
0x9: {  	[smem:$0x7FF] =	sst s3;
	s6 =	ssub.s32 $0x2, s6;
	s7 =	sor.u32 s8, s7  }
0xa: {  	_ =	strace $0x80000047;
	s30 =	sshrl.u32 s6, $0x1;
	s31 =	sshrl.u32 s29, $0x2  }
0xb: {  	s7 =	sshrl.u32 s7, $0x3;
	s8 =	sadd.s32 s28, s9;
	s10 =	ssub.s32 s6, s30  }
0xc: {  	s9 =	simm.s32 $0x2880;
	s7 =	sadd.s32 s7, s5;
	s8 =	sshrl.u32 s8, $0x3  }
0xd: {  	s5 =	sadd.s32 s31, s2;
	s4 =	sadd.s32 s4, s8;
	s6 =	sadd.s32 $0x200, s7  }
0xe: {  	v0 =	vimm.f32 $0.0e+00;
	v1 =	vimm.f32 $1.000000000e+00;
	s7 =	smax.u32 s10, $0x1;
	s8 =	simm.s32 $0x1;
	s10 =	simm.s32 $0x80  }
.LBB2_1:
0xf: {  	[tilespmem:s3], [sflag:$0x1] =	stream.linear.gather [hbm4b:s4+s3], $0x2800, $0x38;
	[tilespmem:$0x2D80] =	vst v63  }
0x10: {  	_ =	swait.ge [sflag:s8], $0x2800  }
0x11: {  	[sflag:s8] =	ssyncset.done $0x0  }
0x12: {  	[sflag:s8] =	ssyncadd.s32 $0xFFFFD800  }
0x13: {  	[tilespmem:$0x2880] =	vst v0  }
0x14: {  	[tilespmem:$0x2890] =	vst v0  }
0x15: {  	[tilespmem:$0x28A0] =	vst v0  }
0x16: {  	[tilespmem:$0x28B0] =	vst v0  }
0x17: {  	[tilespmem:$0x28C0] =	vst v0  }
0x18: {  	[tilespmem:$0x28D0] =	vst v0  }
0x19: {  	[tilespmem:$0x28E0] =	vst v0  }
0x1a: {  	[tilespmem:$0x28F0] =	vst v0  }
0x1b: {  	[tilespmem:$0x2900] =	vst v0  }
0x1c: {  	[tilespmem:$0x2910] =	vst v0  }
0x1d: {  	[tilespmem:$0x2920] =	vst v0  }
0x1e: {  	[tilespmem:$0x2930] =	vst v0  }
0x1f: {  	[tilespmem:$0x2940] =	vst v0  }
0x20: {  	[tilespmem:$0x2950] =	vst v0  }
0x21: {  	[tilespmem:$0x2960] =	vst v0  }
0x22: {  	[tilespmem:$0x2970] =	vst v0  }
0x23: {  	[tilespmem:$0x2980] =	vst v0  }
0x24: {  	[tilespmem:$0x2990] =	vst v0  }
0x25: {  	[tilespmem:$0x29A0] =	vst v0  }
0x26: {  	[tilespmem:$0x29B0] =	vst v0  }
0x27: {  	[tilespmem:$0x29C0] =	vst v0  }
0x28: {  	[tilespmem:$0x29D0] =	vst v0  }
0x29: {  	[tilespmem:$0x29E0] =	vst v0  }
0x2a: {  	[tilespmem:$0x29F0] =	vst v0  }
0x2b: {  	[tilespmem:$0x2A00] =	vst v0  }
0x2c: {  	[tilespmem:$0x2A10] =	vst v0  }
0x2d: {  	[tilespmem:$0x2A20] =	vst v0  }
0x2e: {  	[tilespmem:$0x2A30] =	vst v0  }
0x2f: {  	[tilespmem:$0x2A40] =	vst v0  }
0x30: {  	[tilespmem:$0x2A50] =	vst v0  }
0x31: {  	[tilespmem:$0x2A60] =	vst v0  }
0x32: {  	[tilespmem:$0x2A70] =	vst v0  }
0x33: {  	[tilespmem:$0x2A80] =	vst v0  }
0x34: {  	[tilespmem:$0x2A90] =	vst v0  }
0x35: {  	[tilespmem:$0x2AA0] =	vst v0  }
0x36: {  	[tilespmem:$0x2AB0] =	vst v0  }
0x37: {  	[tilespmem:$0x2AC0] =	vst v0  }
0x38: {  	[tilespmem:$0x2AD0] =	vst v0  }
0x39: {  	[tilespmem:$0x2AE0] =	vst v0  }
0x3a: {  	[tilespmem:$0x2AF0] =	vst v0  }
0x3b: {  	[tilespmem:$0x2800] =	vst v1  }
0x3c: {  	[tilespmem:$0x2810] =	vst v1  }
0x3d: {  	[tilespmem:$0x2820] =	vst v1  }
0x3e: {  	[tilespmem:$0x2830] =	vst v1  }
0x3f: {  	[tilespmem:$0x2840] =	vst v1  }
0x40: {  	[tilespmem:$0x2850] =	vst v1  }
0x41: {  	[tilespmem:$0x2860] =	vst v1  }
0x42: {  	[tilespmem:$0x2870] =	vst v1  }
0x43: {  	[spmem:s5] =	stream.linear.scatter [tilespmem:s9], [sflag:$0x1], $0x280, $0x38;
	[tilespmem:$0x2D80] =	vst v63  }
0x44: {  	_ =	swait.ge [sflag:s8], $0x280  }
0x45: {  	[sflag:s8] =	ssyncset.done $0x0  }
0x46: {  	[sflag:s8] =	ssyncadd.s32 $0xFFFFFD80  }
0x47: {  	s14 =	simm.s32 $0x0;
	[bflag:$0x0] =	sbarrier.arrive $0xFFFF  }
0x48: {  	[spmem:s2] =	stream.indirect.scatter.add.f32 [tilespmem:s11], [sflag:$0x1], $0x1, s14, s10, $0xb8;
	[tilespmem:$0x2D80] =	vst v63  }
0x49: {  	_ =	swait.ge [sflag:s8], $0x80  }
0x4a: {  	s14 =	simm.s32 $0x200;
	[sflag:s8] =	ssyncset.done $0x0  }
.LBB2_2:
0x4b: {  	s15 =	sshra.s32 s14, $0x2;
	[sflag:s8] =	ssyncadd.s32 $0xFFFFFF80;
	p0 =	sne.s32 s14, $0x9E00  }
0x4c: {  	[spmem:s2] =	stream.indirect.scatter.add.f32 [tilespmem:s11], [sflag:$0x1], $0x1, s15, s10, $0xb8;
	[tilespmem:$0x2D80] =	vst v63  }
.Ltmp0:
0x4d: {  	_ = 	snop;
	(pc) =	sbr.rel @p0 .LBB2_2-.Ltmp0, $4  }
0x4e: {  	_ = 	snop  }
0x4f: {  	s14 =	sadd.s32 $0x200, s14  }
0x50: {  	_ =	swait.ge [sflag:s8], $0x80  }
0x51: {  	[sflag:s8] =	ssyncset.done $0x0  }
0x52: {  	[sflag:s8] =	ssyncadd.s32 $0xFFFFFF80  }
0x53: {  	[bflag:$0x0] =	sbarrier.arrive $0xFFFF  }
0x54: {  	[tilespmem:s9], [sflag:$0x1] =	stream.linear.gather [spmem:s5], $0x280, $0x38;
	[tilespmem:$0x2D80] =	vst v63  }
0x55: {  	s13 =	sadd.s32 $0x1, s13;
	_ =	swait.ge [sflag:s8], $0x280  }
0x56: {  	p0 =	sne.s32 s13, s7;
	[sflag:s8] =	ssyncset.done $0x0  }
.Ltmp1:
0x57: {  	[sflag:s8] =	ssyncadd.s32 $0xFFFFFD80;
	(pc) =	sbr.rel @p0 .LBB2_1-.Ltmp1, $4  }
0x58: {  	[hbm4b:s6+s10] =	stream.strided.scatter [tilespmem:s9], [sflag:$0x1], $0x280, s12, s10, $0x38;
	[tilespmem:$0x2D80] =	vst v63  }
0x59: {  	_ =	swait.ge [sflag:s8], $0x280  }
0x5a: {  	[sflag:s8] =	ssyncset.done $0x0  }
0x5b: {  	[sflag:s8] =	ssyncadd.s32 $0xFFFFFD80  }
0x5c: {  	_ =	sfence.sel $0x180000  }
0x5d: {  	[bflag:$0x0] =	sbarrier.arrive $0xFFFF  }
0x5e: {  	p0 =	sne.s32 s1, $0x0;
	_ =	strace $0x90000047  }
0x5f: {  	s0 =	sadd.s32 @!p0 $0x100000, s0;
	[bflag:$0x2] =	sbarrier.arrive $0xFFFF  }
0x60: {  	[sflag:s0] =	ssyncadd.tile.s32 @!p0 $0x1;
	_ =	shalt  }
.Lfunc_end2:
_tile_overlayer_lowered:
.L_overlay_start_2:
0x61: {  	(tag) =	ssettag $0x2  }
0x62: {  	s0 =	rddreg [dreg:$0x0];
	s2 =	stileid.u32  }
0x63: {  	s1 =	rddreg [dreg:$0x1];
	p0 =	sne.s32 s2, $0x0  }
0x64: {  	s3 =	rddreg [dreg:$0x2];
	[bflag:$0x3] =	sbarrier.arrive $0xFFFF;
	s2 =	simm.s32 @!p0 $0x1C01  }
0x65: {  	[timem:s3], [sflag:s2] =	dma.local @!p0 [hbm:s0], s1  }
0x66: {  	s0 =	simm.s32 @!p0 $0x1  }
0x67: {  	_ =	swait.ge @!p0 [sflag:s0], s1  }
0x68: {  	s1 =	ssub.s32 @!p0 $0x0, s1;
	[sflag:s0] =	ssyncset.done @!p0 $0x0  }
0x69: {  	[sflag:s0] =	ssyncadd.s32 @!p0 s1  }
0x6a: {  	[bflag:$0x3] =	sbarrier.arrive $0xFFFF  }
0x6b: {  	_ =	shalt  }

</sc_bundles>
